<compile_context>
chip_gen: v7x
topology: tpu7x:2x2x1
jax: 0.10.2.dev20260603
libtpu: 0.0.44.dev20260713+nightly
codegen_flags: <defaults>
</compile_context>

<pallas_src>
import functools

import jax
import jax.numpy as jnp
from jax import lax
from jax.experimental import pallas as pl
from jax.experimental.pallas import tpu as pltpu
from jax.experimental.pallas import tpu_sc as plsc

N = 10000
E = 320000
D = 128

NC = 2
NS = 16
NW = NC * NS
CH = 128
CPW = 80
NCHUNKS = NW * CPW
EP = NCHUNKS * CH
CPW_F = 120
CPW_S = 40
GROUP = CPW_F + CPW_S
C_FAST = 0
ACC_N = 10112
RPT = ACC_N // NS
DGW = 128

_MESH = plsc.VectorSubcoreMesh(core_axis_name="c", subcore_axis_name="s")


@functools.partial(
    pl.kernel,
    out_type=jax.ShapeDtypeStruct((NC, ACC_N, D), jnp.float32),
    mesh=_MESH,
    scratch_types=[
        pltpu.VMEM((CPW_F, CH), jnp.int32),
        pltpu.VMEM((1, CH), jnp.int32),
        pltpu.VMEM((1, CH), jnp.int32),
        pltpu.VMEM((CH, D), jnp.float32),
        pltpu.VMEM((CH, D), jnp.float32),
        pltpu.VMEM_SHARED((ACC_N, D), jnp.float32),
        pltpu.SemaphoreType.DMA,
        pltpu.SemaphoreType.DMA,
        pltpu.SemaphoreType.DMA,
        pltpu.SemaphoreType.DMA,
    ],
)
def _agg(x_hbm, src_hbm, dst_hbm, z2_hbm, acc_out,
         src_v, dst_a, dst_b, rows_a, rows_b, acc_sh,
         sem_a, sem_b, sem_da, sem_db):
    c = lax.axis_index("c")
    s = lax.axis_index("s")

    @pl.when(s == 0)
    def _():
        pltpu.sync_copy(z2_hbm, acc_sh)

    on_fast = c == C_FAST
    base = s * GROUP + jnp.where(on_fast, 0, CPW_F)
    ncpw = jnp.where(on_fast, CPW_F, CPW_S)

    @pl.when(on_fast)
    def _():
        pltpu.sync_copy(src_hbm.at[pl.ds(s * GROUP, CPW_F)], src_v)

    @pl.when(jnp.logical_not(on_fast))
    def _():
        pltpu.sync_copy(src_hbm.at[pl.ds(s * GROUP + CPW_F, CPW_S)],
                        src_v.at[pl.ds(0, CPW_S)])

    plsc.subcore_barrier()

    HF = CH // 2

    def gather(j, buf, sem):
        pltpu.async_copy(x_hbm.at[src_v.at[j, pl.ds(0, HF)]],
                         buf.at[pl.ds(0, HF)], sem)
        pltpu.async_copy(x_hbm.at[src_v.at[j, pl.ds(HF, HF)]],
                         buf.at[pl.ds(HF, HF)], sem)

    def gather_wait(j, buf, sem):
        pltpu.make_async_copy(x_hbm.at[src_v.at[j, pl.ds(0, HF)]],
                              buf.at[pl.ds(0, HF)], sem).wait()
        pltpu.make_async_copy(x_hbm.at[src_v.at[j, pl.ds(HF, HF)]],
                              buf.at[pl.ds(HF, HF)], sem).wait()

    pltpu.async_copy(dst_hbm.at[base], dst_a, sem_da)
    pltpu.async_copy(dst_hbm.at[base + 1], dst_b, sem_db)
    gather(0, rows_a, sem_a)
    last = ncpw // 2 - 1

    def body(i, carry):
        j0 = 2 * i
        j1 = j0 + 1
        gather_wait(j0, rows_a, sem_a)
        gather(j1, rows_b, sem_b)
        pltpu.make_async_copy(dst_hbm.at[base], dst_a, sem_da).wait()
        pltpu.sync_copy(rows_a, acc_sh.at[dst_a.at[0]], add=True)

        @pl.when(i < last)
        def _():
            pltpu.async_copy(dst_hbm.at[base + j0 + 2], dst_a, sem_da)

        gather_wait(j1, rows_b, sem_b)

        @pl.when(i < last)
        def _():
            gather(j0 + 2, rows_a, sem_a)

        pltpu.make_async_copy(dst_hbm.at[base + 1], dst_b, sem_db).wait()
        pltpu.sync_copy(rows_b, acc_sh.at[dst_b.at[0]], add=True)

        @pl.when(i < last)
        def _():
            pltpu.async_copy(dst_hbm.at[base + j1 + 2], dst_b, sem_db)

        return carry

    lax.fori_loop(0, ncpw // 2, body, 0)
    plsc.subcore_barrier()

    r0 = s * RPT
    pltpu.sync_copy(acc_sh.at[pl.ds(r0, RPT)], acc_out.at[c, pl.ds(r0, RPT)])


@functools.partial(
    pl.kernel,
    out_type=jax.ShapeDtypeStruct((NC, ACC_N, DGW), jnp.float32),
    mesh=_MESH,
    scratch_types=[
        pltpu.VMEM((1, CH), jnp.int32),
        pltpu.VMEM((1, CH), jnp.int32),
        pltpu.VMEM((CH, DGW), jnp.float32),
        pltpu.VMEM_SHARED((ACC_N, DGW), jnp.float32),
        pltpu.SemaphoreType.DMA,
        pltpu.SemaphoreType.DMA,
    ],
)
def _deg(dst_hbm, z1_hbm, one_hbm, deg_out,
         dst_a, dst_b, ones_v, deg_sh, sem_da, sem_db):
    c = lax.axis_index("c")
    s = lax.axis_index("s")
    wid = s * NC + c

    @pl.when(s == 0)
    def _():
        pltpu.sync_copy(z1_hbm, deg_sh)

    base = wid * CPW
    pltpu.sync_copy(one_hbm, ones_v)
    plsc.subcore_barrier()

    pltpu.async_copy(dst_hbm.at[base], dst_a, sem_da)
    pltpu.async_copy(dst_hbm.at[base + 1], dst_b, sem_db)
    last = CPW // 2 - 1

    def body(i, carry):
        j0 = 2 * i
        j1 = j0 + 1
        pltpu.make_async_copy(dst_hbm.at[base], dst_a, sem_da).wait()
        pltpu.sync_copy(ones_v, deg_sh.at[dst_a.at[0]], add=True)

        @pl.when(i < last)
        def _():
            pltpu.async_copy(dst_hbm.at[base + j0 + 2], dst_a, sem_da)

        pltpu.make_async_copy(dst_hbm.at[base + 1], dst_b, sem_db).wait()
        pltpu.sync_copy(ones_v, deg_sh.at[dst_b.at[0]], add=True)

        @pl.when(i < last)
        def _():
            pltpu.async_copy(dst_hbm.at[base + j1 + 2], dst_b, sem_db)

        return carry

    lax.fori_loop(0, CPW // 2, body, 0)
    plsc.subcore_barrier()

    r0 = s * RPT
    pltpu.sync_copy(deg_sh.at[pl.ds(r0, RPT)], deg_out.at[c, pl.ds(r0, RPT)])


def _copy_body(x_ref, o_ref):
    o_ref[...] = x_ref[...]


def _copy(xin):
    return pl.pallas_call(
        _copy_body,
        out_shape=jax.ShapeDtypeStruct((N, D), jnp.float32),
    )(xin)


def _root_body(x_ref, wr_ref, o_ref):
    o_ref[...] = jnp.dot(x_ref[...], wr_ref[...],
                         preferred_element_type=jnp.float32)


def _root(xin, wrT):
    return pl.pallas_call(
        _root_body,
        out_shape=jax.ShapeDtypeStruct((N, D), jnp.float32),
    )(xin, wrT)


def _dense_body(p_ref, deg_ref, xr_ref, wl_ref, bl_ref, o_ref):
    agg = p_ref[0, :N, :] + p_ref[1, :N, :]
    deg = deg_ref[0, :N, 0] + deg_ref[1, :N, 0]
    inv = 1.0 / jnp.maximum(deg, 1.0)
    agg = agg * inv[:, None]
    y = jnp.dot(agg, wl_ref[...], preferred_element_type=jnp.float32)
    y = y + bl_ref[...] + xr_ref[...]
    o_ref[...] = jnp.maximum(y, 0.0)


def _dense(p, degp, xr, wlT, bl2):
    return pl.pallas_call(
        _dense_body,
        out_shape=jax.ShapeDtypeStruct((N, D), jnp.float32),
    )(p, degp, xr, wlT, bl2)


def kernel(x, edge_index, Wl0, bl0, Wr0, Wl1, bl1, Wr1):
    src = edge_index[0]
    dst = edge_index[1]
    pad = EP - E
    src_p = jnp.concatenate(
        [src, jnp.zeros((pad,), jnp.int32)]).reshape(NCHUNKS, CH)
    dst_p = jnp.concatenate(
        [dst, jnp.full((pad,), N, jnp.int32)]).reshape(NCHUNKS, 1, CH)
    z2 = jnp.zeros((ACC_N, D), jnp.float32)
    z1 = jnp.zeros((ACC_N, DGW), jnp.float32)
    ones = jnp.ones((CH, DGW), jnp.float32)

    degp = _deg(dst_p, z1, ones)
    xc = _copy(x)
    p0 = _agg(xc, src_p, dst_p, z2)
    xr0 = _root(x, Wr0.T)
    h = _dense(p0, degp, xr0, Wl0.T, bl0.reshape(1, D))
    p1 = _agg(h, src_p, dst_p, z2)
    xr1 = _root(h, Wr1.T)
    out = _dense(p1, degp, xr1, Wl1.T, bl1.reshape(1, D))
    return out

# --- scband reference (transcript-rebuilt; emitter-appended) ---
"""Pipeline reference for scband-gnnconv-85607288144369 (READ-ONLY COPY).

The authoritative reference and input builder live on the scoring server;
editing this copy changes nothing except your own understanding.
"""

import jax, jax.numpy as jnp
import numpy as np

N = 10000
E = 320000
D = 128


def _glorot_uniform(key, shape):
    fan_in, fan_out = shape[1], shape[0]
    lim = np.sqrt(6.0 / (fan_in + fan_out))
    return jax.random.uniform(key, shape, minval=-lim, maxval=lim, dtype=jnp.float32)


def setup_inputs(seed: int = 0) -> dict:
    key = jax.random.key(seed)
    ks = jax.random.split(key, 10)
    x = jax.random.normal(ks[0], (N, D), dtype=jnp.float32)
    edge_index = jax.random.randint(ks[1], (2, E), 0, N, dtype=jnp.int32)
    # SAGEConv params per layer: lin_l (neighbor path, with bias), lin_r (root path, no bias)
    Wl0 = _glorot_uniform(ks[2], (D, D))
    bl0 = jnp.zeros((D,), dtype=jnp.float32)
    Wr0 = _glorot_uniform(ks[3], (D, D))
    Wl1 = _glorot_uniform(ks[4], (D, D))
    bl1 = jnp.zeros((D,), dtype=jnp.float32)
    Wr1 = _glorot_uniform(ks[5], (D, D))
    return {"x": x, "edge_index": edge_index, "Wl0": Wl0, "bl0": bl0, "Wr0": Wr0,
            "Wl1": Wl1, "bl1": bl1, "Wr1": Wr1}


def _sage_layer(x, src, dst, Wl, bl, Wr):
    # message = x_j (source node features), mean-aggregated at destination nodes
    msg = jnp.take(x, src, axis=0)                              # gather [E, D]
    agg_sum = jax.ops.segment_sum(msg, dst, num_segments=N)     # scatter-add [N, D]
    deg = jax.ops.segment_sum(jnp.ones((src.shape[0],), dtype=x.dtype), dst, num_segments=N)
    agg_mean = agg_sum / jnp.clip(deg, 1.0, None)[:, None]
    out = agg_mean @ Wl.T + bl + x @ Wr.T
    return out


def reference(x, edge_index, Wl0, bl0, Wr0, Wl1, bl1, Wr1):
    src = edge_index[0]
    dst = edge_index[1]
    # layer 0: SAGEConv -> ReLU (dropout p=0.0 -> identity; eval mode)
    h = _sage_layer(x, src, dst, Wl0, bl0, Wr0)
    h = jax.nn.relu(h)
    # layer 1: SAGEConv -> ReLU
    h = _sage_layer(h, src, dst, Wl1, bl1, Wr1)
    h = jax.nn.relu(h)
    return h

if __name__ == "__main__":
    import jax
    _d = setup_inputs()
    print(jax.jit(kernel)(*tuple(_d.values())))

</pallas_src>

<mosaic_0001>
#map = affine_map<(d0, d1) -> (0, 0)>
#map1 = affine_map<(d0, d1) -> (0, 0, 0)>
module attributes {stable_mosaic.version = 14 : i64} {
  func.func @_agg(%arg0: i32, %arg1: i32, %arg2: memref<10000x128xf32, #tpu.memory_space<hbm>>, %arg3: memref<2560x128xi32, #tpu.memory_space<hbm>>, %arg4: memref<2560x1x128xi32, #tpu.memory_space<hbm>>, %arg5: memref<10112x128xf32, #tpu.memory_space<hbm>>, %arg6: memref<2x10112x128xf32, #tpu.memory_space<hbm>>, %arg7: memref<120x128xi32, #tpu.memory_space<vmem>>, %arg8: memref<1x128xi32, #tpu.memory_space<vmem>>, %arg9: memref<1x128xi32, #tpu.memory_space<vmem>>, %arg10: memref<128x128xf32, #tpu.memory_space<vmem>>, %arg11: memref<128x128xf32, #tpu.memory_space<vmem>>, %arg12: memref<10112x128xf32, #tpu.memory_space<vmem_shared>>, %arg13: memref<!tpu.dma_semaphore, #tpu.memory_space<semaphore_mem>>, %arg14: memref<!tpu.dma_semaphore, #tpu.memory_space<semaphore_mem>>, %arg15: memref<!tpu.dma_semaphore, #tpu.memory_space<semaphore_mem>>, %arg16: memref<!tpu.dma_semaphore, #tpu.memory_space<semaphore_mem>>) attributes {dimension_semantics = [#tpu.dimension_semantics<core_parallel>, #tpu.dimension_semantics<subcore_parallel>], iteration_bounds = array<i64: 2, 16>, scalar_prefetch = 0 : i64, scratch_operands = 10 : i64, tpu.core_type = #tpu.core_type<sc_vector_subcore>, window_params = [{transform_indices = #map}, {transform_indices = #map}, {transform_indices = #map1}, {transform_indices = #map}, {transform_indices = #map1}]} {
    %eq3A = arith.constant 0 : i32
    %eq3A_0 = arith.cmpi eq, %arg1, %eq3A : i32
    %convert_element_type3A = arith.extui %eq3A_0 : i1 to i32
    %cond3A = arith.constant 0 : i32
    %cond3A_1 = arith.cmpi ne, %convert_element_type3A, %cond3A : i32
    scf.if %cond3A_1 {
      "tpu.region"() ({
        %run_scoped3A = tpu.sem_alloc : memref<!tpu.dma_semaphore, #tpu.memory_space<semaphore_mem>>
        tpu.enqueue_dma source(%arg5 : memref<10112x128xf32, #tpu.memory_space<hbm>>) target(%arg12 : memref<10112x128xf32, #tpu.memory_space<vmem_shared>>) target_semaphore(%run_scoped3A : memref<!tpu.dma_semaphore, #tpu.memory_space<semaphore_mem>>)
        tpu.wait_dma2 semaphore(%run_scoped3A : memref<!tpu.dma_semaphore, #tpu.memory_space<semaphore_mem>>) src(%arg5 : memref<10112x128xf32, #tpu.memory_space<hbm>>) dst(%arg12 : memref<10112x128xf32, #tpu.memory_space<vmem_shared>>)
        tpu.yield
      }) : () -> ()
    } else {
    }
    %eq3A_2 = arith.constant 0 : i32
    %eq3A_3 = arith.cmpi eq, %arg0, %eq3A_2 : i32
    %mul3A = arith.constant 160 : i32
    %mul3A_4 = arith.muli %arg1, %mul3A : i32
    %jit3A = arith.constant 0 : i32
    %jit3A_5 = arith.constant 120 : i32
    %select_n3A = arith.select %eq3A_3, %jit3A, %jit3A_5 : i32
    %add3A = arith.addi %mul3A_4, %select_n3A : i32
    %jit3A_6 = arith.constant 120 : i32
    %jit3A_7 = arith.constant 40 : i32
    %select_n3A_8 = arith.select %eq3A_3, %jit3A_6, %jit3A_7 : i32
    %convert_element_type3A_9 = arith.extui %eq3A_3 : i1 to i32
    %cond3A_10 = arith.constant 0 : i32
    %cond3A_11 = arith.cmpi ne, %convert_element_type3A_9, %cond3A_10 : i32
    scf.if %cond3A_11 {
      %mul3A_109 = arith.constant 160 : i32
      %mul3A_110 = arith.muli %arg1, %mul3A_109 : i32
      "tpu.region"() ({
        %run_scoped3A = tpu.sem_alloc : memref<!tpu.dma_semaphore, #tpu.memory_space<semaphore_mem>>
        %dma_start3A_111 = arith.constant 0 : i32
        %dma_start3A_112 = tpu.memref_slice %arg3[%mul3A_110, %dma_start3A_111] : memref<2560x128xi32, #tpu.memory_space<hbm>> -> memref<120x128xi32, #tpu.memory_space<hbm>>
        %dma_start3A_113 = arith.constant 0 : i32
        %dma_start3A_114 = tpu.memref_slice %arg3[%mul3A_110, %dma_start3A_113] : memref<2560x128xi32, #tpu.memory_space<hbm>> -> memref<120x128xi32, #tpu.memory_space<hbm>>
        tpu.enqueue_dma source(%dma_start3A_114 : memref<120x128xi32, #tpu.memory_space<hbm>>) target(%arg7 : memref<120x128xi32, #tpu.memory_space<vmem>>) target_semaphore(%run_scoped3A : memref<!tpu.dma_semaphore, #tpu.memory_space<semaphore_mem>>)
        %dma_wait3A = arith.constant 0 : i32
        %dma_wait3A_115 = tpu.memref_slice %arg3[%mul3A_110, %dma_wait3A] : memref<2560x128xi32, #tpu.memory_space<hbm>> -> memref<120x128xi32, #tpu.memory_space<hbm>>
        %dma_wait3A_116 = arith.constant 0 : i32
        %dma_wait3A_117 = tpu.memref_slice %arg3[%mul3A_110, %dma_wait3A_116] : memref<2560x128xi32, #tpu.memory_space<hbm>> -> memref<120x128xi32, #tpu.memory_space<hbm>>
        tpu.wait_dma2 semaphore(%run_scoped3A : memref<!tpu.dma_semaphore, #tpu.memory_space<semaphore_mem>>) src(%dma_wait3A_117 : memref<120x128xi32, #tpu.memory_space<hbm>>) dst(%arg7 : memref<120x128xi32, #tpu.memory_space<vmem>>)
        tpu.yield
      }) : () -> ()
    } else {
    }
    %not3A = arith.constant true
    %not3A_12 = arith.xori %eq3A_3, %not3A : i1
    %convert_element_type3A_13 = arith.extui %not3A_12 : i1 to i32
    %cond3A_14 = arith.constant 0 : i32
    %cond3A_15 = arith.cmpi ne, %convert_element_type3A_13, %cond3A_14 : i32
    scf.if %cond3A_15 {
      %mul3A_109 = arith.constant 160 : i32
      %mul3A_110 = arith.muli %arg1, %mul3A_109 : i32
      %add3A_111 = arith.constant 120 : i32
      %add3A_112 = arith.addi %mul3A_110, %add3A_111 : i32
      "tpu.region"() ({
        %run_scoped3A = tpu.sem_alloc : memref<!tpu.dma_semaphore, #tpu.memory_space<semaphore_mem>>
        %dma_start3A_113 = arith.constant 0 : i32
        %dma_start3A_114 = arith.constant 0 : i32
        %dma_start3A_115 = tpu.memref_slice %arg7[%dma_start3A_113, %dma_start3A_114] : memref<120x128xi32, #tpu.memory_space<vmem>> -> memref<40x128xi32, #tpu.memory_space<vmem>>
        %dma_start3A_116 = arith.constant 0 : i32
        %dma_start3A_117 = tpu.memref_slice %arg3[%add3A_112, %dma_start3A_116] : memref<2560x128xi32, #tpu.memory_space<hbm>> -> memref<40x128xi32, #tpu.memory_space<hbm>>
        %dma_start3A_118 = arith.constant 0 : i32
        %dma_start3A_119 = arith.constant 0 : i32
        %dma_start3A_120 = tpu.memref_slice %arg7[%dma_start3A_118, %dma_start3A_119] : memref<120x128xi32, #tpu.memory_space<vmem>> -> memref<40x128xi32, #tpu.memory_space<vmem>>
        %dma_start3A_121 = arith.constant 0 : i32
        %dma_start3A_122 = tpu.memref_slice %arg3[%add3A_112, %dma_start3A_121] : memref<2560x128xi32, #tpu.memory_space<hbm>> -> memref<40x128xi32, #tpu.memory_space<hbm>>
        tpu.enqueue_dma source(%dma_start3A_122 : memref<40x128xi32, #tpu.memory_space<hbm>>) target(%dma_start3A_120 : memref<40x128xi32, #tpu.memory_space<vmem>>) target_semaphore(%run_scoped3A : memref<!tpu.dma_semaphore, #tpu.memory_space<semaphore_mem>>)
        %dma_wait3A = arith.constant 0 : i32
        %dma_wait3A_123 = arith.constant 0 : i32
        %dma_wait3A_124 = tpu.memref_slice %arg7[%dma_wait3A, %dma_wait3A_123] : memref<120x128xi32, #tpu.memory_space<vmem>> -> memref<40x128xi32, #tpu.memory_space<vmem>>
        %dma_wait3A_125 = arith.constant 0 : i32
        %dma_wait3A_126 = tpu.memref_slice %arg3[%add3A_112, %dma_wait3A_125] : memref<2560x128xi32, #tpu.memory_space<hbm>> -> memref<40x128xi32, #tpu.memory_space<hbm>>
        %dma_wait3A_127 = arith.constant 0 : i32
        %dma_wait3A_128 = arith.constant 0 : i32
        %dma_wait3A_129 = tpu.memref_slice %arg7[%dma_wait3A_127, %dma_wait3A_128] : memref<120x128xi32, #tpu.memory_space<vmem>> -> memref<40x128xi32, #tpu.memory_space<vmem>>
        %dma_wait3A_130 = arith.constant 0 : i32
        %dma_wait3A_131 = tpu.memref_slice %arg3[%add3A_112, %dma_wait3A_130] : memref<2560x128xi32, #tpu.memory_space<hbm>> -> memref<40x128xi32, #tpu.memory_space<hbm>>
        tpu.wait_dma2 semaphore(%run_scoped3A : memref<!tpu.dma_semaphore, #tpu.memory_space<semaphore_mem>>) src(%dma_wait3A_131 : memref<40x128xi32, #tpu.memory_space<hbm>>) dst(%dma_wait3A_129 : memref<40x128xi32, #tpu.memory_space<vmem>>)
        tpu.yield
      }) : () -> ()
    } else {
    }
    %barrier3A = arith.constant 0 : index
    tpu.barrier barrier_id(%barrier3A)
    %dma_start3A = arith.constant 0 : i32
    %dma_start3A_16 = arith.constant 0 : i32
    %dma_start3A_17 = tpu.memref_slice %arg4[%add3A, %dma_start3A, %dma_start3A_16] : memref<2560x1x128xi32, #tpu.memory_space<hbm>> -> memref<1x1x128xi32, #tpu.memory_space<hbm>>
    %dma_start3A_18 = tpu.memref_squeeze %dma_start3A_17 : memref<1x1x128xi32, #tpu.memory_space<hbm>> -> memref<1x128xi32, #tpu.memory_space<hbm>>
    %dma_start3A_19 = arith.constant 0 : i32
    %dma_start3A_20 = arith.constant 0 : i32
    %dma_start3A_21 = tpu.memref_slice %arg4[%add3A, %dma_start3A_19, %dma_start3A_20] : memref<2560x1x128xi32, #tpu.memory_space<hbm>> -> memref<1x1x128xi32, #tpu.memory_space<hbm>>
    %dma_start3A_22 = tpu.memref_squeeze %dma_start3A_21 : memref<1x1x128xi32, #tpu.memory_space<hbm>> -> memref<1x128xi32, #tpu.memory_space<hbm>>
    tpu.enqueue_dma source(%dma_start3A_22 : memref<1x128xi32, #tpu.memory_space<hbm>>) target(%arg8 : memref<1x128xi32, #tpu.memory_space<vmem>>) target_semaphore(%arg15 : memref<!tpu.dma_semaphore, #tpu.memory_space<semaphore_mem>>)
    %add3A_23 = arith.constant 1 : i32
    %add3A_24 = arith.addi %add3A, %add3A_23 : i32
    %dma_start3A_25 = arith.constant 0 : i32
    %dma_start3A_26 = arith.constant 0 : i32
    %dma_start3A_27 = tpu.memref_slice %arg4[%add3A_24, %dma_start3A_25, %dma_start3A_26] : memref<2560x1x128xi32, #tpu.memory_space<hbm>> -> memref<1x1x128xi32, #tpu.memory_space<hbm>>
    %dma_start3A_28 = tpu.memref_squeeze %dma_start3A_27 : memref<1x1x128xi32, #tpu.memory_space<hbm>> -> memref<1x128xi32, #tpu.memory_space<hbm>>
    %dma_start3A_29 = arith.constant 0 : i32
    %dma_start3A_30 = arith.constant 0 : i32
    %dma_start3A_31 = tpu.memref_slice %arg4[%add3A_24, %dma_start3A_29, %dma_start3A_30] : memref<2560x1x128xi32, #tpu.memory_space<hbm>> -> memref<1x1x128xi32, #tpu.memory_space<hbm>>
    %dma_start3A_32 = tpu.memref_squeeze %dma_start3A_31 : memref<1x1x128xi32, #tpu.memory_space<hbm>> -> memref<1x128xi32, #tpu.memory_space<hbm>>
    tpu.enqueue_dma source(%dma_start3A_32 : memref<1x128xi32, #tpu.memory_space<hbm>>) target(%arg9 : memref<1x128xi32, #tpu.memory_space<vmem>>) target_semaphore(%arg16 : memref<!tpu.dma_semaphore, #tpu.memory_space<semaphore_mem>>)
    %dma_start3A_33 = arith.constant 0 : i32
    %dma_start3A_34 = arith.constant 0 : i32
    %dma_start3A_35 = arith.constant 0 : i32
    %dma_start3A_36 = tpu.memref_slice %arg10[%dma_start3A_34, %dma_start3A_35] : memref<128x128xf32, #tpu.memory_space<vmem>> -> memref<64x128xf32, #tpu.memory_space<vmem>>
    %dma_start3A_37 = arith.constant 0 : i32
    %dma_start3A_38 = tpu.memref_slice %arg7[%dma_start3A_33, %dma_start3A_37] : memref<120x128xi32, #tpu.memory_space<vmem>> -> memref<1x64xi32, #tpu.memory_space<vmem>>
    %dma_start3A_39 = tpu.memref_squeeze %dma_start3A_38 : memref<1x64xi32, #tpu.memory_space<vmem>> -> memref<64xi32, #tpu.memory_space<vmem>>
    %dma_start3A_40 = arith.constant 0 : i32
    %dma_start3A_41 = arith.constant 0 : i32
    %dma_start3A_42 = tpu.memref_slice %arg2[%dma_start3A_40, %dma_start3A_41] : memref<10000x128xf32, #tpu.memory_space<hbm>> -> memref<10000x128xf32, #tpu.memory_space<hbm>>
    tpu.enqueue_indirect_dma source(%dma_start3A_42 : memref<10000x128xf32, #tpu.memory_space<hbm>>) target(%dma_start3A_36 : memref<64x128xf32, #tpu.memory_space<vmem>>) offsets(%dma_start3A_39 : memref<64xi32, #tpu.memory_space<vmem>>) semaphore(%arg13 : memref<!tpu.dma_semaphore, #tpu.memory_space<semaphore_mem>>)
    %dma_start3A_43 = arith.constant 0 : i32
    %dma_start3A_44 = arith.constant 64 : i32
    %dma_start3A_45 = arith.constant 0 : i32
    %dma_start3A_46 = tpu.memref_slice %arg10[%dma_start3A_44, %dma_start3A_45] : memref<128x128xf32, #tpu.memory_space<vmem>> -> memref<64x128xf32, #tpu.memory_space<vmem>>
    %dma_start3A_47 = arith.constant 64 : i32
    %dma_start3A_48 = tpu.memref_slice %arg7[%dma_start3A_43, %dma_start3A_47] : memref<120x128xi32, #tpu.memory_space<vmem>> -> memref<1x64xi32, #tpu.memory_space<vmem>>
    %dma_start3A_49 = tpu.memref_squeeze %dma_start3A_48 : memref<1x64xi32, #tpu.memory_space<vmem>> -> memref<64xi32, #tpu.memory_space<vmem>>
    %dma_start3A_50 = arith.constant 0 : i32
    %dma_start3A_51 = arith.constant 0 : i32
    %dma_start3A_52 = tpu.memref_slice %arg2[%dma_start3A_50, %dma_start3A_51] : memref<10000x128xf32, #tpu.memory_space<hbm>> -> memref<10000x128xf32, #tpu.memory_space<hbm>>
    tpu.enqueue_indirect_dma source(%dma_start3A_52 : memref<10000x128xf32, #tpu.memory_space<hbm>>) target(%dma_start3A_46 : memref<64x128xf32, #tpu.memory_space<vmem>>) offsets(%dma_start3A_49 : memref<64xi32, #tpu.memory_space<vmem>>) semaphore(%arg13 : memref<!tpu.dma_semaphore, #tpu.memory_space<semaphore_mem>>)
    %jit3A_53 = arith.constant 2 : i32
    %div3A = arith.divsi %select_n3A_8, %jit3A_53 : i32
    %sign3A = arith.constant 0 : i32
    %sign3A_54 = arith.cmpi sgt, %select_n3A_8, %sign3A : i32
    %sign3A_55 = arith.extui %sign3A_54 : i1 to i32
    %sign3A_56 = arith.constant 0 : i32
    %sign3A_57 = arith.cmpi slt, %select_n3A_8, %sign3A_56 : i32
    %sign3A_58 = arith.extui %sign3A_57 : i1 to i32
    %sign3A_59 = arith.subi %sign3A_55, %sign3A_58 : i32
    %sign3A_60 = arith.constant 0 : i32
    %sign3A_61 = arith.cmpi sgt, %jit3A_53, %sign3A_60 : i32
    %sign3A_62 = arith.extui %sign3A_61 : i1 to i32
    %sign3A_63 = arith.constant 0 : i32
    %sign3A_64 = arith.cmpi slt, %jit3A_53, %sign3A_63 : i32
    %sign3A_65 = arith.extui %sign3A_64 : i1 to i32
    %sign3A_66 = arith.subi %sign3A_62, %sign3A_65 : i32
    %ne3A = arith.cmpi ne, %sign3A_59, %sign3A_66 : i32
    %rem3A = arith.remsi %select_n3A_8, %jit3A_53 : i32
    %ne3A_67 = arith.constant 0 : i32
    %ne3A_68 = arith.cmpi ne, %rem3A, %ne3A_67 : i32
    %and3A = arith.andi %ne3A, %ne3A_68 : i1
    %sub3A = arith.constant 1 : i32
    %sub3A_69 = arith.subi %div3A, %sub3A : i32
    %select_n3A_70 = arith.select %and3A, %sub3A_69, %div3A : i32
    %sub3A_71 = arith.constant 1 : i32
    %sub3A_72 = arith.subi %select_n3A_70, %sub3A_71 : i32
    %jit3A_73 = arith.constant 2 : i32
    %div3A_74 = arith.divsi %select_n3A_8, %jit3A_73 : i32
    %sign3A_75 = arith.constant 0 : i32
    %sign3A_76 = arith.cmpi sgt, %select_n3A_8, %sign3A_75 : i32
    %sign3A_77 = arith.extui %sign3A_76 : i1 to i32
    %sign3A_78 = arith.constant 0 : i32
    %sign3A_79 = arith.cmpi slt, %select_n3A_8, %sign3A_78 : i32
    %sign3A_80 = arith.extui %sign3A_79 : i1 to i32
    %sign3A_81 = arith.subi %sign3A_77, %sign3A_80 : i32
    %sign3A_82 = arith.constant 0 : i32
    %sign3A_83 = arith.cmpi sgt, %jit3A_73, %sign3A_82 : i32
    %sign3A_84 = arith.extui %sign3A_83 : i1 to i32
    %sign3A_85 = arith.constant 0 : i32
    %sign3A_86 = arith.cmpi slt, %jit3A_73, %sign3A_85 : i32
    %sign3A_87 = arith.extui %sign3A_86 : i1 to i32
    %sign3A_88 = arith.subi %sign3A_84, %sign3A_87 : i32
    %ne3A_89 = arith.cmpi ne, %sign3A_81, %sign3A_88 : i32
    %rem3A_90 = arith.remsi %select_n3A_8, %jit3A_73 : i32
    %ne3A_91 = arith.constant 0 : i32
    %ne3A_92 = arith.cmpi ne, %rem3A_90, %ne3A_91 : i32
    %and3A_93 = arith.andi %ne3A_89, %ne3A_92 : i1
    %sub3A_94 = arith.constant 1 : i32
    %sub3A_95 = arith.subi %div3A_74, %sub3A_94 : i32
    %select_n3A_96 = arith.select %and3A_93, %sub3A_95, %div3A_74 : i32
    %while3A = arith.constant 0 : i32
    %while3A_97 = arith.constant 0 : i32
    %while3A_98 = arith.subi %select_n3A_96, %while3A_97 : i32
    %while3A_99 = arith.addi %while3A_97, %while3A_98 : i32
    %while3A_100 = arith.constant 1 : i32
    %while3A_101 = arith.divsi %while3A_98, %while3A_100 : i32
    %while3A_102 = arith.muli %while3A_101, %while3A_100 : i32
    %while3A_103 = arith.addi %while3A_97, %while3A_102 : i32
    %while3A_104 = arith.constant 1 : i32
    scf.for %while3A_109 = %while3A_97 to %while3A_103 step %while3A_104  : i32 {
      %mul3A_110 = arith.constant 2 : i32
      %mul3A_111 = arith.muli %mul3A_110, %while3A_109 : i32
      %add3A_112 = arith.constant 1 : i32
      %add3A_113 = arith.addi %mul3A_111, %add3A_112 : i32
      %dma_wait3A = arith.constant 0 : i32
      %dma_wait3A_114 = arith.constant 0 : i32
      %dma_wait3A_115 = tpu.memref_slice %arg10[%dma_wait3A, %dma_wait3A_114] : memref<128x128xf32, #tpu.memory_space<vmem>> -> memref<64x128xf32, #tpu.memory_space<vmem>>
      %dma_wait3A_116 = arith.constant 0 : i32
      %dma_wait3A_117 = tpu.memref_slice %arg7[%mul3A_111, %dma_wait3A_116] : memref<120x128xi32, #tpu.memory_space<vmem>> -> memref<1x64xi32, #tpu.memory_space<vmem>>
      %dma_wait3A_118 = tpu.memref_squeeze %dma_wait3A_117 : memref<1x64xi32, #tpu.memory_space<vmem>> -> memref<64xi32, #tpu.memory_space<vmem>>
      %dma_wait3A_119 = arith.constant 0 : i32
      %dma_wait3A_120 = arith.constant 0 : i32
      %dma_wait3A_121 = tpu.memref_slice %arg2[%dma_wait3A_119, %dma_wait3A_120] : memref<10000x128xf32, #tpu.memory_space<hbm>> -> memref<10000x128xf32, #tpu.memory_space<hbm>>
      tpu.wait_indirect_dma semaphore(%arg13 : memref<!tpu.dma_semaphore, #tpu.memory_space<semaphore_mem>>) src(%dma_wait3A_121 : memref<10000x128xf32, #tpu.memory_space<hbm>>) dst(%dma_wait3A_115 : memref<64x128xf32, #tpu.memory_space<vmem>>)
      %dma_wait3A_122 = arith.constant 64 : i32
      %dma_wait3A_123 = arith.constant 0 : i32
      %dma_wait3A_124 = tpu.memref_slice %arg10[%dma_wait3A_122, %dma_wait3A_123] : memref<128x128xf32, #tpu.memory_space<vmem>> -> memref<64x128xf32, #tpu.memory_space<vmem>>
      %dma_wait3A_125 = arith.constant 64 : i32
      %dma_wait3A_126 = tpu.memref_slice %arg7[%mul3A_111, %dma_wait3A_125] : memref<120x128xi32, #tpu.memory_space<vmem>> -> memref<1x64xi32, #tpu.memory_space<vmem>>
      %dma_wait3A_127 = tpu.memref_squeeze %dma_wait3A_126 : memref<1x64xi32, #tpu.memory_space<vmem>> -> memref<64xi32, #tpu.memory_space<vmem>>
      %dma_wait3A_128 = arith.constant 0 : i32
      %dma_wait3A_129 = arith.constant 0 : i32
      %dma_wait3A_130 = tpu.memref_slice %arg2[%dma_wait3A_128, %dma_wait3A_129] : memref<10000x128xf32, #tpu.memory_space<hbm>> -> memref<10000x128xf32, #tpu.memory_space<hbm>>
      tpu.wait_indirect_dma semaphore(%arg13 : memref<!tpu.dma_semaphore, #tpu.memory_space<semaphore_mem>>) src(%dma_wait3A_130 : memref<10000x128xf32, #tpu.memory_space<hbm>>) dst(%dma_wait3A_124 : memref<64x128xf32, #tpu.memory_space<vmem>>)
      %dma_start3A_131 = arith.constant 0 : i32
      %dma_start3A_132 = arith.constant 0 : i32
      %dma_start3A_133 = tpu.memref_slice %arg11[%dma_start3A_131, %dma_start3A_132] : memref<128x128xf32, #tpu.memory_space<vmem>> -> memref<64x128xf32, #tpu.memory_space<vmem>>
      %dma_start3A_134 = arith.constant 0 : i32
      %dma_start3A_135 = tpu.memref_slice %arg7[%add3A_113, %dma_start3A_134] : memref<120x128xi32, #tpu.memory_space<vmem>> -> memref<1x64xi32, #tpu.memory_space<vmem>>
      %dma_start3A_136 = tpu.memref_squeeze %dma_start3A_135 : memref<1x64xi32, #tpu.memory_space<vmem>> -> memref<64xi32, #tpu.memory_space<vmem>>
      %dma_start3A_137 = arith.constant 0 : i32
      %dma_start3A_138 = arith.constant 0 : i32
      %dma_start3A_139 = tpu.memref_slice %arg2[%dma_start3A_137, %dma_start3A_138] : memref<10000x128xf32, #tpu.memory_space<hbm>> -> memref<10000x128xf32, #tpu.memory_space<hbm>>
      tpu.enqueue_indirect_dma source(%dma_start3A_139 : memref<10000x128xf32, #tpu.memory_space<hbm>>) target(%dma_start3A_133 : memref<64x128xf32, #tpu.memory_space<vmem>>) offsets(%dma_start3A_136 : memref<64xi32, #tpu.memory_space<vmem>>) semaphore(%arg14 : memref<!tpu.dma_semaphore, #tpu.memory_space<semaphore_mem>>)
      %dma_start3A_140 = arith.constant 64 : i32
      %dma_start3A_141 = arith.constant 0 : i32
      %dma_start3A_142 = tpu.memref_slice %arg11[%dma_start3A_140, %dma_start3A_141] : memref<128x128xf32, #tpu.memory_space<vmem>> -> memref<64x128xf32, #tpu.memory_space<vmem>>
      %dma_start3A_143 = arith.constant 64 : i32
      %dma_start3A_144 = tpu.memref_slice %arg7[%add3A_113, %dma_start3A_143] : memref<120x128xi32, #tpu.memory_space<vmem>> -> memref<1x64xi32, #tpu.memory_space<vmem>>
      %dma_start3A_145 = tpu.memref_squeeze %dma_start3A_144 : memref<1x64xi32, #tpu.memory_space<vmem>> -> memref<64xi32, #tpu.memory_space<vmem>>
      %dma_start3A_146 = arith.constant 0 : i32
      %dma_start3A_147 = arith.constant 0 : i32
      %dma_start3A_148 = tpu.memref_slice %arg2[%dma_start3A_146, %dma_start3A_147] : memref<10000x128xf32, #tpu.memory_space<hbm>> -> memref<10000x128xf32, #tpu.memory_space<hbm>>
      tpu.enqueue_indirect_dma source(%dma_start3A_148 : memref<10000x128xf32, #tpu.memory_space<hbm>>) target(%dma_start3A_142 : memref<64x128xf32, #tpu.memory_space<vmem>>) offsets(%dma_start3A_145 : memref<64xi32, #tpu.memory_space<vmem>>) semaphore(%arg14 : memref<!tpu.dma_semaphore, #tpu.memory_space<semaphore_mem>>)
      %dma_wait3A_149 = arith.constant 0 : i32
      %dma_wait3A_150 = arith.constant 0 : i32
      %dma_wait3A_151 = tpu.memref_slice %arg4[%add3A, %dma_wait3A_149, %dma_wait3A_150] : memref<2560x1x128xi32, #tpu.memory_space<hbm>> -> memref<1x1x128xi32, #tpu.memory_space<hbm>>
      %dma_wait3A_152 = tpu.memref_squeeze %dma_wait3A_151 : memref<1x1x128xi32, #tpu.memory_space<hbm>> -> memref<1x128xi32, #tpu.memory_space<hbm>>
      %dma_wait3A_153 = arith.constant 0 : i32
      %dma_wait3A_154 = arith.constant 0 : i32
      %dma_wait3A_155 = tpu.memref_slice %arg4[%add3A, %dma_wait3A_153, %dma_wait3A_154] : memref<2560x1x128xi32, #tpu.memory_space<hbm>> -> memref<1x1x128xi32, #tpu.memory_space<hbm>>
      %dma_wait3A_156 = tpu.memref_squeeze %dma_wait3A_155 : memref<1x1x128xi32, #tpu.memory_space<hbm>> -> memref<1x128xi32, #tpu.memory_space<hbm>>
      tpu.wait_dma2 semaphore(%arg15 : memref<!tpu.dma_semaphore, #tpu.memory_space<semaphore_mem>>) src(%dma_wait3A_156 : memref<1x128xi32, #tpu.memory_space<hbm>>) dst(%arg8 : memref<1x128xi32, #tpu.memory_space<vmem>>)
      %run_scoped3A = arith.constant 0 : i32
      "tpu.region"() ({
        %run_scoped3A_197 = tpu.sem_alloc : memref<!tpu.dma_semaphore, #tpu.memory_space<semaphore_mem>>
        %dma_start3A_198 = arith.constant 0 : i32
        %dma_start3A_199 = tpu.memref_slice %arg8[%run_scoped3A, %dma_start3A_198] : memref<1x128xi32, #tpu.memory_space<vmem>> -> memref<1x128xi32, #tpu.memory_space<vmem>>
        %dma_start3A_200 = tpu.memref_squeeze %dma_start3A_199 : memref<1x128xi32, #tpu.memory_space<vmem>> -> memref<128xi32, #tpu.memory_space<vmem>>
        %dma_start3A_201 = arith.constant 0 : i32
        %dma_start3A_202 = arith.constant 0 : i32
        %dma_start3A_203 = tpu.memref_slice %arg12[%dma_start3A_201, %dma_start3A_202] : memref<10112x128xf32, #tpu.memory_space<vmem_shared>> -> memref<10112x128xf32, #tpu.memory_space<vmem_shared>>
        tpu.enqueue_indirect_dma source(%arg10 : memref<128x128xf32, #tpu.memory_space<vmem>>) target(%dma_start3A_203 : memref<10112x128xf32, #tpu.memory_space<vmem_shared>>) offsets(%dma_start3A_200 : memref<128xi32, #tpu.memory_space<vmem>>) semaphore(%run_scoped3A_197 : memref<!tpu.dma_semaphore, #tpu.memory_space<semaphore_mem>>) {add = true}
        %dma_wait3A_204 = arith.constant 0 : i32
        %dma_wait3A_205 = tpu.memref_slice %arg8[%run_scoped3A, %dma_wait3A_204] : memref<1x128xi32, #tpu.memory_space<vmem>> -> memref<1x128xi32, #tpu.memory_space<vmem>>
        %dma_wait3A_206 = tpu.memref_squeeze %dma_wait3A_205 : memref<1x128xi32, #tpu.memory_space<vmem>> -> memref<128xi32, #tpu.memory_space<vmem>>
        %dma_wait3A_207 = arith.constant 0 : i32
        %dma_wait3A_208 = arith.constant 0 : i32
        %dma_wait3A_209 = tpu.memref_slice %arg12[%dma_wait3A_207, %dma_wait3A_208] : memref<10112x128xf32, #tpu.memory_space<vmem_shared>> -> memref<10112x128xf32, #tpu.memory_space<vmem_shared>>
        tpu.wait_indirect_dma semaphore(%run_scoped3A_197 : memref<!tpu.dma_semaphore, #tpu.memory_space<semaphore_mem>>) src(%arg10 : memref<128x128xf32, #tpu.memory_space<vmem>>) dst(%dma_wait3A_209 : memref<10112x128xf32, #tpu.memory_space<vmem_shared>>)
        tpu.yield
      }) : () -> ()
      %lt3A = arith.cmpi slt, %while3A_109, %sub3A_72 : i32
      %convert_element_type3A_157 = arith.extui %lt3A : i1 to i32
      %cond3A_158 = arith.constant 0 : i32
      %cond3A_159 = arith.cmpi ne, %convert_element_type3A_157, %cond3A_158 : i32
      scf.if %cond3A_159 {
        %add3A_197 = arith.addi %add3A, %mul3A_111 : i32
        %add3A_198 = arith.constant 2 : i32
        %add3A_199 = arith.addi %add3A_197, %add3A_198 : i32
        %dma_start3A_200 = arith.constant 0 : i32
        %dma_start3A_201 = arith.constant 0 : i32
        %dma_start3A_202 = tpu.memref_slice %arg4[%add3A_199, %dma_start3A_200, %dma_start3A_201] : memref<2560x1x128xi32, #tpu.memory_space<hbm>> -> memref<1x1x128xi32, #tpu.memory_space<hbm>>
        %dma_start3A_203 = tpu.memref_squeeze %dma_start3A_202 : memref<1x1x128xi32, #tpu.memory_space<hbm>> -> memref<1x128xi32, #tpu.memory_space<hbm>>
        %dma_start3A_204 = arith.constant 0 : i32
        %dma_start3A_205 = arith.constant 0 : i32
        %dma_start3A_206 = tpu.memref_slice %arg4[%add3A_199, %dma_start3A_204, %dma_start3A_205] : memref<2560x1x128xi32, #tpu.memory_space<hbm>> -> memref<1x1x128xi32, #tpu.memory_space<hbm>>
        %dma_start3A_207 = tpu.memref_squeeze %dma_start3A_206 : memref<1x1x128xi32, #tpu.memory_space<hbm>> -> memref<1x128xi32, #tpu.memory_space<hbm>>
        tpu.enqueue_dma source(%dma_start3A_207 : memref<1x128xi32, #tpu.memory_space<hbm>>) target(%arg8 : memref<1x128xi32, #tpu.memory_space<vmem>>) target_semaphore(%arg15 : memref<!tpu.dma_semaphore, #tpu.memory_space<semaphore_mem>>)
      } else {
      }
      %dma_wait3A_160 = arith.constant 0 : i32
      %dma_wait3A_161 = arith.constant 0 : i32
      %dma_wait3A_162 = tpu.memref_slice %arg11[%dma_wait3A_160, %dma_wait3A_161] : memref<128x128xf32, #tpu.memory_space<vmem>> -> memref<64x128xf32, #tpu.memory_space<vmem>>
      %dma_wait3A_163 = arith.constant 0 : i32
      %dma_wait3A_164 = tpu.memref_slice %arg7[%add3A_113, %dma_wait3A_163] : memref<120x128xi32, #tpu.memory_space<vmem>> -> memref<1x64xi32, #tpu.memory_space<vmem>>
      %dma_wait3A_165 = tpu.memref_squeeze %dma_wait3A_164 : memref<1x64xi32, #tpu.memory_space<vmem>> -> memref<64xi32, #tpu.memory_space<vmem>>
      %dma_wait3A_166 = arith.constant 0 : i32
      %dma_wait3A_167 = arith.constant 0 : i32
      %dma_wait3A_168 = tpu.memref_slice %arg2[%dma_wait3A_166, %dma_wait3A_167] : memref<10000x128xf32, #tpu.memory_space<hbm>> -> memref<10000x128xf32, #tpu.memory_space<hbm>>
      tpu.wait_indirect_dma semaphore(%arg14 : memref<!tpu.dma_semaphore, #tpu.memory_space<semaphore_mem>>) src(%dma_wait3A_168 : memref<10000x128xf32, #tpu.memory_space<hbm>>) dst(%dma_wait3A_162 : memref<64x128xf32, #tpu.memory_space<vmem>>)
      %dma_wait3A_169 = arith.constant 64 : i32
      %dma_wait3A_170 = arith.constant 0 : i32
      %dma_wait3A_171 = tpu.memref_slice %arg11[%dma_wait3A_169, %dma_wait3A_170] : memref<128x128xf32, #tpu.memory_space<vmem>> -> memref<64x128xf32, #tpu.memory_space<vmem>>
      %dma_wait3A_172 = arith.constant 64 : i32
      %dma_wait3A_173 = tpu.memref_slice %arg7[%add3A_113, %dma_wait3A_172] : memref<120x128xi32, #tpu.memory_space<vmem>> -> memref<1x64xi32, #tpu.memory_space<vmem>>
      %dma_wait3A_174 = tpu.memref_squeeze %dma_wait3A_173 : memref<1x64xi32, #tpu.memory_space<vmem>> -> memref<64xi32, #tpu.memory_space<vmem>>
      %dma_wait3A_175 = arith.constant 0 : i32
      %dma_wait3A_176 = arith.constant 0 : i32
      %dma_wait3A_177 = tpu.memref_slice %arg2[%dma_wait3A_175, %dma_wait3A_176] : memref<10000x128xf32, #tpu.memory_space<hbm>> -> memref<10000x128xf32, #tpu.memory_space<hbm>>
      tpu.wait_indirect_dma semaphore(%arg14 : memref<!tpu.dma_semaphore, #tpu.memory_space<semaphore_mem>>) src(%dma_wait3A_177 : memref<10000x128xf32, #tpu.memory_space<hbm>>) dst(%dma_wait3A_171 : memref<64x128xf32, #tpu.memory_space<vmem>>)
      %lt3A_178 = arith.cmpi slt, %while3A_109, %sub3A_72 : i32
      %convert_element_type3A_179 = arith.extui %lt3A_178 : i1 to i32
      %cond3A_180 = arith.constant 0 : i32
      %cond3A_181 = arith.cmpi ne, %convert_element_type3A_179, %cond3A_180 : i32
      scf.if %cond3A_181 {
        %add3A_197 = arith.constant 2 : i32
        %add3A_198 = arith.addi %mul3A_111, %add3A_197 : i32
        %dma_start3A_199 = arith.constant 0 : i32
        %dma_start3A_200 = arith.constant 0 : i32
        %dma_start3A_201 = tpu.memref_slice %arg10[%dma_start3A_199, %dma_start3A_200] : memref<128x128xf32, #tpu.memory_space<vmem>> -> memref<64x128xf32, #tpu.memory_space<vmem>>
        %dma_start3A_202 = arith.constant 0 : i32
        %dma_start3A_203 = tpu.memref_slice %arg7[%add3A_198, %dma_start3A_202] : memref<120x128xi32, #tpu.memory_space<vmem>> -> memref<1x64xi32, #tpu.memory_space<vmem>>
        %dma_start3A_204 = tpu.memref_squeeze %dma_start3A_203 : memref<1x64xi32, #tpu.memory_space<vmem>> -> memref<64xi32, #tpu.memory_space<vmem>>
        %dma_start3A_205 = arith.constant 0 : i32
        %dma_start3A_206 = arith.constant 0 : i32
        %dma_start3A_207 = tpu.memref_slice %arg2[%dma_start3A_205, %dma_start3A_206] : memref<10000x128xf32, #tpu.memory_space<hbm>> -> memref<10000x128xf32, #tpu.memory_space<hbm>>
        tpu.enqueue_indirect_dma source(%dma_start3A_207 : memref<10000x128xf32, #tpu.memory_space<hbm>>) target(%dma_start3A_201 : memref<64x128xf32, #tpu.memory_space<vmem>>) offsets(%dma_start3A_204 : memref<64xi32, #tpu.memory_space<vmem>>) semaphore(%arg13 : memref<!tpu.dma_semaphore, #tpu.memory_space<semaphore_mem>>)
        %dma_start3A_208 = arith.constant 64 : i32
        %dma_start3A_209 = arith.constant 0 : i32
        %dma_start3A_210 = tpu.memref_slice %arg10[%dma_start3A_208, %dma_start3A_209] : memref<128x128xf32, #tpu.memory_space<vmem>> -> memref<64x128xf32, #tpu.memory_space<vmem>>
        %dma_start3A_211 = arith.constant 64 : i32
        %dma_start3A_212 = tpu.memref_slice %arg7[%add3A_198, %dma_start3A_211] : memref<120x128xi32, #tpu.memory_space<vmem>> -> memref<1x64xi32, #tpu.memory_space<vmem>>
        %dma_start3A_213 = tpu.memref_squeeze %dma_start3A_212 : memref<1x64xi32, #tpu.memory_space<vmem>> -> memref<64xi32, #tpu.memory_space<vmem>>
        %dma_start3A_214 = arith.constant 0 : i32
        %dma_start3A_215 = arith.constant 0 : i32
        %dma_start3A_216 = tpu.memref_slice %arg2[%dma_start3A_214, %dma_start3A_215] : memref<10000x128xf32, #tpu.memory_space<hbm>> -> memref<10000x128xf32, #tpu.memory_space<hbm>>
        tpu.enqueue_indirect_dma source(%dma_start3A_216 : memref<10000x128xf32, #tpu.memory_space<hbm>>) target(%dma_start3A_210 : memref<64x128xf32, #tpu.memory_space<vmem>>) offsets(%dma_start3A_213 : memref<64xi32, #tpu.memory_space<vmem>>) semaphore(%arg13 : memref<!tpu.dma_semaphore, #tpu.memory_space<semaphore_mem>>)
      } else {
      }
      %add3A_182 = arith.constant 1 : i32
      %add3A_183 = arith.addi %add3A, %add3A_182 : i32
      %dma_wait3A_184 = arith.constant 0 : i32
      %dma_wait3A_185 = arith.constant 0 : i32
      %dma_wait3A_186 = tpu.memref_slice %arg4[%add3A_183, %dma_wait3A_184, %dma_wait3A_185] : memref<2560x1x128xi32, #tpu.memory_space<hbm>> -> memref<1x1x128xi32, #tpu.memory_space<hbm>>
      %dma_wait3A_187 = tpu.memref_squeeze %dma_wait3A_186 : memref<1x1x128xi32, #tpu.memory_space<hbm>> -> memref<1x128xi32, #tpu.memory_space<hbm>>
      %dma_wait3A_188 = arith.constant 0 : i32
      %dma_wait3A_189 = arith.constant 0 : i32
      %dma_wait3A_190 = tpu.memref_slice %arg4[%add3A_183, %dma_wait3A_188, %dma_wait3A_189] : memref<2560x1x128xi32, #tpu.memory_space<hbm>> -> memref<1x1x128xi32, #tpu.memory_space<hbm>>
      %dma_wait3A_191 = tpu.memref_squeeze %dma_wait3A_190 : memref<1x1x128xi32, #tpu.memory_space<hbm>> -> memref<1x128xi32, #tpu.memory_space<hbm>>
      tpu.wait_dma2 semaphore(%arg16 : memref<!tpu.dma_semaphore, #tpu.memory_space<semaphore_mem>>) src(%dma_wait3A_191 : memref<1x128xi32, #tpu.memory_space<hbm>>) dst(%arg9 : memref<1x128xi32, #tpu.memory_space<vmem>>)
      %run_scoped3A_192 = arith.constant 0 : i32
      "tpu.region"() ({
        %run_scoped3A_197 = tpu.sem_alloc : memref<!tpu.dma_semaphore, #tpu.memory_space<semaphore_mem>>
        %dma_start3A_198 = arith.constant 0 : i32
        %dma_start3A_199 = tpu.memref_slice %arg9[%run_scoped3A_192, %dma_start3A_198] : memref<1x128xi32, #tpu.memory_space<vmem>> -> memref<1x128xi32, #tpu.memory_space<vmem>>
        %dma_start3A_200 = tpu.memref_squeeze %dma_start3A_199 : memref<1x128xi32, #tpu.memory_space<vmem>> -> memref<128xi32, #tpu.memory_space<vmem>>
        %dma_start3A_201 = arith.constant 0 : i32
        %dma_start3A_202 = arith.constant 0 : i32
        %dma_start3A_203 = tpu.memref_slice %arg12[%dma_start3A_201, %dma_start3A_202] : memref<10112x128xf32, #tpu.memory_space<vmem_shared>> -> memref<10112x128xf32, #tpu.memory_space<vmem_shared>>
        tpu.enqueue_indirect_dma source(%arg11 : memref<128x128xf32, #tpu.memory_space<vmem>>) target(%dma_start3A_203 : memref<10112x128xf32, #tpu.memory_space<vmem_shared>>) offsets(%dma_start3A_200 : memref<128xi32, #tpu.memory_space<vmem>>) semaphore(%run_scoped3A_197 : memref<!tpu.dma_semaphore, #tpu.memory_space<semaphore_mem>>) {add = true}
        %dma_wait3A_204 = arith.constant 0 : i32
        %dma_wait3A_205 = tpu.memref_slice %arg9[%run_scoped3A_192, %dma_wait3A_204] : memref<1x128xi32, #tpu.memory_space<vmem>> -> memref<1x128xi32, #tpu.memory_space<vmem>>
        %dma_wait3A_206 = tpu.memref_squeeze %dma_wait3A_205 : memref<1x128xi32, #tpu.memory_space<vmem>> -> memref<128xi32, #tpu.memory_space<vmem>>
        %dma_wait3A_207 = arith.constant 0 : i32
        %dma_wait3A_208 = arith.constant 0 : i32
        %dma_wait3A_209 = tpu.memref_slice %arg12[%dma_wait3A_207, %dma_wait3A_208] : memref<10112x128xf32, #tpu.memory_space<vmem_shared>> -> memref<10112x128xf32, #tpu.memory_space<vmem_shared>>
        tpu.wait_indirect_dma semaphore(%run_scoped3A_197 : memref<!tpu.dma_semaphore, #tpu.memory_space<semaphore_mem>>) src(%arg11 : memref<128x128xf32, #tpu.memory_space<vmem>>) dst(%dma_wait3A_209 : memref<10112x128xf32, #tpu.memory_space<vmem_shared>>)
        tpu.yield
      }) : () -> ()
      %lt3A_193 = arith.cmpi slt, %while3A_109, %sub3A_72 : i32
      %convert_element_type3A_194 = arith.extui %lt3A_193 : i1 to i32
      %cond3A_195 = arith.constant 0 : i32
      %cond3A_196 = arith.cmpi ne, %convert_element_type3A_194, %cond3A_195 : i32
      scf.if %cond3A_196 {
        %add3A_197 = arith.addi %add3A, %add3A_113 : i32
        %add3A_198 = arith.constant 2 : i32
        %add3A_199 = arith.addi %add3A_197, %add3A_198 : i32
        %dma_start3A_200 = arith.constant 0 : i32
        %dma_start3A_201 = arith.constant 0 : i32
        %dma_start3A_202 = tpu.memref_slice %arg4[%add3A_199, %dma_start3A_200, %dma_start3A_201] : memref<2560x1x128xi32, #tpu.memory_space<hbm>> -> memref<1x1x128xi32, #tpu.memory_space<hbm>>
        %dma_start3A_203 = tpu.memref_squeeze %dma_start3A_202 : memref<1x1x128xi32, #tpu.memory_space<hbm>> -> memref<1x128xi32, #tpu.memory_space<hbm>>
        %dma_start3A_204 = arith.constant 0 : i32
        %dma_start3A_205 = arith.constant 0 : i32
        %dma_start3A_206 = tpu.memref_slice %arg4[%add3A_199, %dma_start3A_204, %dma_start3A_205] : memref<2560x1x128xi32, #tpu.memory_space<hbm>> -> memref<1x1x128xi32, #tpu.memory_space<hbm>>
        %dma_start3A_207 = tpu.memref_squeeze %dma_start3A_206 : memref<1x1x128xi32, #tpu.memory_space<hbm>> -> memref<1x128xi32, #tpu.memory_space<hbm>>
        tpu.enqueue_dma source(%dma_start3A_207 : memref<1x128xi32, #tpu.memory_space<hbm>>) target(%arg9 : memref<1x128xi32, #tpu.memory_space<vmem>>) target_semaphore(%arg16 : memref<!tpu.dma_semaphore, #tpu.memory_space<semaphore_mem>>)
      } else {
      }
    }
    %while3A_105 = arith.constant 1 : i32
    scf.for %while3A_109 = %while3A_103 to %while3A_99 step %while3A_105  : i32 {
      %mul3A_110 = arith.constant 2 : i32
      %mul3A_111 = arith.muli %mul3A_110, %while3A_109 : i32
      %add3A_112 = arith.constant 1 : i32
      %add3A_113 = arith.addi %mul3A_111, %add3A_112 : i32
      %dma_wait3A = arith.constant 0 : i32
      %dma_wait3A_114 = arith.constant 0 : i32
      %dma_wait3A_115 = tpu.memref_slice %arg10[%dma_wait3A, %dma_wait3A_114] : memref<128x128xf32, #tpu.memory_space<vmem>> -> memref<64x128xf32, #tpu.memory_space<vmem>>
      %dma_wait3A_116 = arith.constant 0 : i32
      %dma_wait3A_117 = tpu.memref_slice %arg7[%mul3A_111, %dma_wait3A_116] : memref<120x128xi32, #tpu.memory_space<vmem>> -> memref<1x64xi32, #tpu.memory_space<vmem>>
      %dma_wait3A_118 = tpu.memref_squeeze %dma_wait3A_117 : memref<1x64xi32, #tpu.memory_space<vmem>> -> memref<64xi32, #tpu.memory_space<vmem>>
      %dma_wait3A_119 = arith.constant 0 : i32
      %dma_wait3A_120 = arith.constant 0 : i32
      %dma_wait3A_121 = tpu.memref_slice %arg2[%dma_wait3A_119, %dma_wait3A_120] : memref<10000x128xf32, #tpu.memory_space<hbm>> -> memref<10000x128xf32, #tpu.memory_space<hbm>>
      tpu.wait_indirect_dma semaphore(%arg13 : memref<!tpu.dma_semaphore, #tpu.memory_space<semaphore_mem>>) src(%dma_wait3A_121 : memref<10000x128xf32, #tpu.memory_space<hbm>>) dst(%dma_wait3A_115 : memref<64x128xf32, #tpu.memory_space<vmem>>)
      %dma_wait3A_122 = arith.constant 64 : i32
      %dma_wait3A_123 = arith.constant 0 : i32
      %dma_wait3A_124 = tpu.memref_slice %arg10[%dma_wait3A_122, %dma_wait3A_123] : memref<128x128xf32, #tpu.memory_space<vmem>> -> memref<64x128xf32, #tpu.memory_space<vmem>>
      %dma_wait3A_125 = arith.constant 64 : i32
      %dma_wait3A_126 = tpu.memref_slice %arg7[%mul3A_111, %dma_wait3A_125] : memref<120x128xi32, #tpu.memory_space<vmem>> -> memref<1x64xi32, #tpu.memory_space<vmem>>
      %dma_wait3A_127 = tpu.memref_squeeze %dma_wait3A_126 : memref<1x64xi32, #tpu.memory_space<vmem>> -> memref<64xi32, #tpu.memory_space<vmem>>
      %dma_wait3A_128 = arith.constant 0 : i32
      %dma_wait3A_129 = arith.constant 0 : i32
      %dma_wait3A_130 = tpu.memref_slice %arg2[%dma_wait3A_128, %dma_wait3A_129] : memref<10000x128xf32, #tpu.memory_space<hbm>> -> memref<10000x128xf32, #tpu.memory_space<hbm>>
      tpu.wait_indirect_dma semaphore(%arg13 : memref<!tpu.dma_semaphore, #tpu.memory_space<semaphore_mem>>) src(%dma_wait3A_130 : memref<10000x128xf32, #tpu.memory_space<hbm>>) dst(%dma_wait3A_124 : memref<64x128xf32, #tpu.memory_space<vmem>>)
      %dma_start3A_131 = arith.constant 0 : i32
      %dma_start3A_132 = arith.constant 0 : i32
      %dma_start3A_133 = tpu.memref_slice %arg11[%dma_start3A_131, %dma_start3A_132] : memref<128x128xf32, #tpu.memory_space<vmem>> -> memref<64x128xf32, #tpu.memory_space<vmem>>
      %dma_start3A_134 = arith.constant 0 : i32
      %dma_start3A_135 = tpu.memref_slice %arg7[%add3A_113, %dma_start3A_134] : memref<120x128xi32, #tpu.memory_space<vmem>> -> memref<1x64xi32, #tpu.memory_space<vmem>>
      %dma_start3A_136 = tpu.memref_squeeze %dma_start3A_135 : memref<1x64xi32, #tpu.memory_space<vmem>> -> memref<64xi32, #tpu.memory_space<vmem>>
      %dma_start3A_137 = arith.constant 0 : i32
      %dma_start3A_138 = arith.constant 0 : i32
      %dma_start3A_139 = tpu.memref_slice %arg2[%dma_start3A_137, %dma_start3A_138] : memref<10000x128xf32, #tpu.memory_space<hbm>> -> memref<10000x128xf32, #tpu.memory_space<hbm>>
      tpu.enqueue_indirect_dma source(%dma_start3A_139 : memref<10000x128xf32, #tpu.memory_space<hbm>>) target(%dma_start3A_133 : memref<64x128xf32, #tpu.memory_space<vmem>>) offsets(%dma_start3A_136 : memref<64xi32, #tpu.memory_space<vmem>>) semaphore(%arg14 : memref<!tpu.dma_semaphore, #tpu.memory_space<semaphore_mem>>)
      %dma_start3A_140 = arith.constant 64 : i32
      %dma_start3A_141 = arith.constant 0 : i32
      %dma_start3A_142 = tpu.memref_slice %arg11[%dma_start3A_140, %dma_start3A_141] : memref<128x128xf32, #tpu.memory_space<vmem>> -> memref<64x128xf32, #tpu.memory_space<vmem>>
      %dma_start3A_143 = arith.constant 64 : i32
      %dma_start3A_144 = tpu.memref_slice %arg7[%add3A_113, %dma_start3A_143] : memref<120x128xi32, #tpu.memory_space<vmem>> -> memref<1x64xi32, #tpu.memory_space<vmem>>
      %dma_start3A_145 = tpu.memref_squeeze %dma_start3A_144 : memref<1x64xi32, #tpu.memory_space<vmem>> -> memref<64xi32, #tpu.memory_space<vmem>>
      %dma_start3A_146 = arith.constant 0 : i32
      %dma_start3A_147 = arith.constant 0 : i32
      %dma_start3A_148 = tpu.memref_slice %arg2[%dma_start3A_146, %dma_start3A_147] : memref<10000x128xf32, #tpu.memory_space<hbm>> -> memref<10000x128xf32, #tpu.memory_space<hbm>>
      tpu.enqueue_indirect_dma source(%dma_start3A_148 : memref<10000x128xf32, #tpu.memory_space<hbm>>) target(%dma_start3A_142 : memref<64x128xf32, #tpu.memory_space<vmem>>) offsets(%dma_start3A_145 : memref<64xi32, #tpu.memory_space<vmem>>) semaphore(%arg14 : memref<!tpu.dma_semaphore, #tpu.memory_space<semaphore_mem>>)
      %dma_wait3A_149 = arith.constant 0 : i32
      %dma_wait3A_150 = arith.constant 0 : i32
      %dma_wait3A_151 = tpu.memref_slice %arg4[%add3A, %dma_wait3A_149, %dma_wait3A_150] : memref<2560x1x128xi32, #tpu.memory_space<hbm>> -> memref<1x1x128xi32, #tpu.memory_space<hbm>>
      %dma_wait3A_152 = tpu.memref_squeeze %dma_wait3A_151 : memref<1x1x128xi32, #tpu.memory_space<hbm>> -> memref<1x128xi32, #tpu.memory_space<hbm>>
      %dma_wait3A_153 = arith.constant 0 : i32
      %dma_wait3A_154 = arith.constant 0 : i32
      %dma_wait3A_155 = tpu.memref_slice %arg4[%add3A, %dma_wait3A_153, %dma_wait3A_154] : memref<2560x1x128xi32, #tpu.memory_space<hbm>> -> memref<1x1x128xi32, #tpu.memory_space<hbm>>
      %dma_wait3A_156 = tpu.memref_squeeze %dma_wait3A_155 : memref<1x1x128xi32, #tpu.memory_space<hbm>> -> memref<1x128xi32, #tpu.memory_space<hbm>>
      tpu.wait_dma2 semaphore(%arg15 : memref<!tpu.dma_semaphore, #tpu.memory_space<semaphore_mem>>) src(%dma_wait3A_156 : memref<1x128xi32, #tpu.memory_space<hbm>>) dst(%arg8 : memref<1x128xi32, #tpu.memory_space<vmem>>)
      %run_scoped3A = arith.constant 0 : i32
      "tpu.region"() ({
        %run_scoped3A_197 = tpu.sem_alloc : memref<!tpu.dma_semaphore, #tpu.memory_space<semaphore_mem>>
        %dma_start3A_198 = arith.constant 0 : i32
        %dma_start3A_199 = tpu.memref_slice %arg8[%run_scoped3A, %dma_start3A_198] : memref<1x128xi32, #tpu.memory_space<vmem>> -> memref<1x128xi32, #tpu.memory_space<vmem>>
        %dma_start3A_200 = tpu.memref_squeeze %dma_start3A_199 : memref<1x128xi32, #tpu.memory_space<vmem>> -> memref<128xi32, #tpu.memory_space<vmem>>
        %dma_start3A_201 = arith.constant 0 : i32
        %dma_start3A_202 = arith.constant 0 : i32
        %dma_start3A_203 = tpu.memref_slice %arg12[%dma_start3A_201, %dma_start3A_202] : memref<10112x128xf32, #tpu.memory_space<vmem_shared>> -> memref<10112x128xf32, #tpu.memory_space<vmem_shared>>
        tpu.enqueue_indirect_dma source(%arg10 : memref<128x128xf32, #tpu.memory_space<vmem>>) target(%dma_start3A_203 : memref<10112x128xf32, #tpu.memory_space<vmem_shared>>) offsets(%dma_start3A_200 : memref<128xi32, #tpu.memory_space<vmem>>) semaphore(%run_scoped3A_197 : memref<!tpu.dma_semaphore, #tpu.memory_space<semaphore_mem>>) {add = true}
        %dma_wait3A_204 = arith.constant 0 : i32
        %dma_wait3A_205 = tpu.memref_slice %arg8[%run_scoped3A, %dma_wait3A_204] : memref<1x128xi32, #tpu.memory_space<vmem>> -> memref<1x128xi32, #tpu.memory_space<vmem>>
        %dma_wait3A_206 = tpu.memref_squeeze %dma_wait3A_205 : memref<1x128xi32, #tpu.memory_space<vmem>> -> memref<128xi32, #tpu.memory_space<vmem>>
        %dma_wait3A_207 = arith.constant 0 : i32
        %dma_wait3A_208 = arith.constant 0 : i32
        %dma_wait3A_209 = tpu.memref_slice %arg12[%dma_wait3A_207, %dma_wait3A_208] : memref<10112x128xf32, #tpu.memory_space<vmem_shared>> -> memref<10112x128xf32, #tpu.memory_space<vmem_shared>>
        tpu.wait_indirect_dma semaphore(%run_scoped3A_197 : memref<!tpu.dma_semaphore, #tpu.memory_space<semaphore_mem>>) src(%arg10 : memref<128x128xf32, #tpu.memory_space<vmem>>) dst(%dma_wait3A_209 : memref<10112x128xf32, #tpu.memory_space<vmem_shared>>)
        tpu.yield
      }) : () -> ()
      %lt3A = arith.cmpi slt, %while3A_109, %sub3A_72 : i32
      %convert_element_type3A_157 = arith.extui %lt3A : i1 to i32
      %cond3A_158 = arith.constant 0 : i32
      %cond3A_159 = arith.cmpi ne, %convert_element_type3A_157, %cond3A_158 : i32
      scf.if %cond3A_159 {
        %add3A_197 = arith.addi %add3A, %mul3A_111 : i32
        %add3A_198 = arith.constant 2 : i32
        %add3A_199 = arith.addi %add3A_197, %add3A_198 : i32
        %dma_start3A_200 = arith.constant 0 : i32
        %dma_start3A_201 = arith.constant 0 : i32
        %dma_start3A_202 = tpu.memref_slice %arg4[%add3A_199, %dma_start3A_200, %dma_start3A_201] : memref<2560x1x128xi32, #tpu.memory_space<hbm>> -> memref<1x1x128xi32, #tpu.memory_space<hbm>>
        %dma_start3A_203 = tpu.memref_squeeze %dma_start3A_202 : memref<1x1x128xi32, #tpu.memory_space<hbm>> -> memref<1x128xi32, #tpu.memory_space<hbm>>
        %dma_start3A_204 = arith.constant 0 : i32
        %dma_start3A_205 = arith.constant 0 : i32
        %dma_start3A_206 = tpu.memref_slice %arg4[%add3A_199, %dma_start3A_204, %dma_start3A_205] : memref<2560x1x128xi32, #tpu.memory_space<hbm>> -> memref<1x1x128xi32, #tpu.memory_space<hbm>>
        %dma_start3A_207 = tpu.memref_squeeze %dma_start3A_206 : memref<1x1x128xi32, #tpu.memory_space<hbm>> -> memref<1x128xi32, #tpu.memory_space<hbm>>
        tpu.enqueue_dma source(%dma_start3A_207 : memref<1x128xi32, #tpu.memory_space<hbm>>) target(%arg8 : memref<1x128xi32, #tpu.memory_space<vmem>>) target_semaphore(%arg15 : memref<!tpu.dma_semaphore, #tpu.memory_space<semaphore_mem>>)
      } else {
      }
      %dma_wait3A_160 = arith.constant 0 : i32
      %dma_wait3A_161 = arith.constant 0 : i32
      %dma_wait3A_162 = tpu.memref_slice %arg11[%dma_wait3A_160, %dma_wait3A_161] : memref<128x128xf32, #tpu.memory_space<vmem>> -> memref<64x128xf32, #tpu.memory_space<vmem>>
      %dma_wait3A_163 = arith.constant 0 : i32
      %dma_wait3A_164 = tpu.memref_slice %arg7[%add3A_113, %dma_wait3A_163] : memref<120x128xi32, #tpu.memory_space<vmem>> -> memref<1x64xi32, #tpu.memory_space<vmem>>
      %dma_wait3A_165 = tpu.memref_squeeze %dma_wait3A_164 : memref<1x64xi32, #tpu.memory_space<vmem>> -> memref<64xi32, #tpu.memory_space<vmem>>
      %dma_wait3A_166 = arith.constant 0 : i32
      %dma_wait3A_167 = arith.constant 0 : i32
      %dma_wait3A_168 = tpu.memref_slice %arg2[%dma_wait3A_166, %dma_wait3A_167] : memref<10000x128xf32, #tpu.memory_space<hbm>> -> memref<10000x128xf32, #tpu.memory_space<hbm>>
      tpu.wait_indirect_dma semaphore(%arg14 : memref<!tpu.dma_semaphore, #tpu.memory_space<semaphore_mem>>) src(%dma_wait3A_168 : memref<10000x128xf32, #tpu.memory_space<hbm>>) dst(%dma_wait3A_162 : memref<64x128xf32, #tpu.memory_space<vmem>>)
      %dma_wait3A_169 = arith.constant 64 : i32
      %dma_wait3A_170 = arith.constant 0 : i32
      %dma_wait3A_171 = tpu.memref_slice %arg11[%dma_wait3A_169, %dma_wait3A_170] : memref<128x128xf32, #tpu.memory_space<vmem>> -> memref<64x128xf32, #tpu.memory_space<vmem>>
      %dma_wait3A_172 = arith.constant 64 : i32
      %dma_wait3A_173 = tpu.memref_slice %arg7[%add3A_113, %dma_wait3A_172] : memref<120x128xi32, #tpu.memory_space<vmem>> -> memref<1x64xi32, #tpu.memory_space<vmem>>
      %dma_wait3A_174 = tpu.memref_squeeze %dma_wait3A_173 : memref<1x64xi32, #tpu.memory_space<vmem>> -> memref<64xi32, #tpu.memory_space<vmem>>
      %dma_wait3A_175 = arith.constant 0 : i32
      %dma_wait3A_176 = arith.constant 0 : i32
      %dma_wait3A_177 = tpu.memref_slice %arg2[%dma_wait3A_175, %dma_wait3A_176] : memref<10000x128xf32, #tpu.memory_space<hbm>> -> memref<10000x128xf32, #tpu.memory_space<hbm>>
      tpu.wait_indirect_dma semaphore(%arg14 : memref<!tpu.dma_semaphore, #tpu.memory_space<semaphore_mem>>) src(%dma_wait3A_177 : memref<10000x128xf32, #tpu.memory_space<hbm>>) dst(%dma_wait3A_171 : memref<64x128xf32, #tpu.memory_space<vmem>>)
      %lt3A_178 = arith.cmpi slt, %while3A_109, %sub3A_72 : i32
      %convert_element_type3A_179 = arith.extui %lt3A_178 : i1 to i32
      %cond3A_180 = arith.constant 0 : i32
      %cond3A_181 = arith.cmpi ne, %convert_element_type3A_179, %cond3A_180 : i32
      scf.if %cond3A_181 {
        %add3A_197 = arith.constant 2 : i32
        %add3A_198 = arith.addi %mul3A_111, %add3A_197 : i32
        %dma_start3A_199 = arith.constant 0 : i32
        %dma_start3A_200 = arith.constant 0 : i32
        %dma_start3A_201 = tpu.memref_slice %arg10[%dma_start3A_199, %dma_start3A_200] : memref<128x128xf32, #tpu.memory_space<vmem>> -> memref<64x128xf32, #tpu.memory_space<vmem>>
        %dma_start3A_202 = arith.constant 0 : i32
        %dma_start3A_203 = tpu.memref_slice %arg7[%add3A_198, %dma_start3A_202] : memref<120x128xi32, #tpu.memory_space<vmem>> -> memref<1x64xi32, #tpu.memory_space<vmem>>
        %dma_start3A_204 = tpu.memref_squeeze %dma_start3A_203 : memref<1x64xi32, #tpu.memory_space<vmem>> -> memref<64xi32, #tpu.memory_space<vmem>>
        %dma_start3A_205 = arith.constant 0 : i32
        %dma_start3A_206 = arith.constant 0 : i32
        %dma_start3A_207 = tpu.memref_slice %arg2[%dma_start3A_205, %dma_start3A_206] : memref<10000x128xf32, #tpu.memory_space<hbm>> -> memref<10000x128xf32, #tpu.memory_space<hbm>>
        tpu.enqueue_indirect_dma source(%dma_start3A_207 : memref<10000x128xf32, #tpu.memory_space<hbm>>) target(%dma_start3A_201 : memref<64x128xf32, #tpu.memory_space<vmem>>) offsets(%dma_start3A_204 : memref<64xi32, #tpu.memory_space<vmem>>) semaphore(%arg13 : memref<!tpu.dma_semaphore, #tpu.memory_space<semaphore_mem>>)
        %dma_start3A_208 = arith.constant 64 : i32
        %dma_start3A_209 = arith.constant 0 : i32
        %dma_start3A_210 = tpu.memref_slice %arg10[%dma_start3A_208, %dma_start3A_209] : memref<128x128xf32, #tpu.memory_space<vmem>> -> memref<64x128xf32, #tpu.memory_space<vmem>>
        %dma_start3A_211 = arith.constant 64 : i32
        %dma_start3A_212 = tpu.memref_slice %arg7[%add3A_198, %dma_start3A_211] : memref<120x128xi32, #tpu.memory_space<vmem>> -> memref<1x64xi32, #tpu.memory_space<vmem>>
        %dma_start3A_213 = tpu.memref_squeeze %dma_start3A_212 : memref<1x64xi32, #tpu.memory_space<vmem>> -> memref<64xi32, #tpu.memory_space<vmem>>
        %dma_start3A_214 = arith.constant 0 : i32
        %dma_start3A_215 = arith.constant 0 : i32
        %dma_start3A_216 = tpu.memref_slice %arg2[%dma_start3A_214, %dma_start3A_215] : memref<10000x128xf32, #tpu.memory_space<hbm>> -> memref<10000x128xf32, #tpu.memory_space<hbm>>
        tpu.enqueue_indirect_dma source(%dma_start3A_216 : memref<10000x128xf32, #tpu.memory_space<hbm>>) target(%dma_start3A_210 : memref<64x128xf32, #tpu.memory_space<vmem>>) offsets(%dma_start3A_213 : memref<64xi32, #tpu.memory_space<vmem>>) semaphore(%arg13 : memref<!tpu.dma_semaphore, #tpu.memory_space<semaphore_mem>>)
      } else {
      }
      %add3A_182 = arith.constant 1 : i32
      %add3A_183 = arith.addi %add3A, %add3A_182 : i32
      %dma_wait3A_184 = arith.constant 0 : i32
      %dma_wait3A_185 = arith.constant 0 : i32
      %dma_wait3A_186 = tpu.memref_slice %arg4[%add3A_183, %dma_wait3A_184, %dma_wait3A_185] : memref<2560x1x128xi32, #tpu.memory_space<hbm>> -> memref<1x1x128xi32, #tpu.memory_space<hbm>>
      %dma_wait3A_187 = tpu.memref_squeeze %dma_wait3A_186 : memref<1x1x128xi32, #tpu.memory_space<hbm>> -> memref<1x128xi32, #tpu.memory_space<hbm>>
      %dma_wait3A_188 = arith.constant 0 : i32
      %dma_wait3A_189 = arith.constant 0 : i32
      %dma_wait3A_190 = tpu.memref_slice %arg4[%add3A_183, %dma_wait3A_188, %dma_wait3A_189] : memref<2560x1x128xi32, #tpu.memory_space<hbm>> -> memref<1x1x128xi32, #tpu.memory_space<hbm>>
      %dma_wait3A_191 = tpu.memref_squeeze %dma_wait3A_190 : memref<1x1x128xi32, #tpu.memory_space<hbm>> -> memref<1x128xi32, #tpu.memory_space<hbm>>
      tpu.wait_dma2 semaphore(%arg16 : memref<!tpu.dma_semaphore, #tpu.memory_space<semaphore_mem>>) src(%dma_wait3A_191 : memref<1x128xi32, #tpu.memory_space<hbm>>) dst(%arg9 : memref<1x128xi32, #tpu.memory_space<vmem>>)
      %run_scoped3A_192 = arith.constant 0 : i32
      "tpu.region"() ({
        %run_scoped3A_197 = tpu.sem_alloc : memref<!tpu.dma_semaphore, #tpu.memory_space<semaphore_mem>>
        %dma_start3A_198 = arith.constant 0 : i32
        %dma_start3A_199 = tpu.memref_slice %arg9[%run_scoped3A_192, %dma_start3A_198] : memref<1x128xi32, #tpu.memory_space<vmem>> -> memref<1x128xi32, #tpu.memory_space<vmem>>
        %dma_start3A_200 = tpu.memref_squeeze %dma_start3A_199 : memref<1x128xi32, #tpu.memory_space<vmem>> -> memref<128xi32, #tpu.memory_space<vmem>>
        %dma_start3A_201 = arith.constant 0 : i32
        %dma_start3A_202 = arith.constant 0 : i32
        %dma_start3A_203 = tpu.memref_slice %arg12[%dma_start3A_201, %dma_start3A_202] : memref<10112x128xf32, #tpu.memory_space<vmem_shared>> -> memref<10112x128xf32, #tpu.memory_space<vmem_shared>>
        tpu.enqueue_indirect_dma source(%arg11 : memref<128x128xf32, #tpu.memory_space<vmem>>) target(%dma_start3A_203 : memref<10112x128xf32, #tpu.memory_space<vmem_shared>>) offsets(%dma_start3A_200 : memref<128xi32, #tpu.memory_space<vmem>>) semaphore(%run_scoped3A_197 : memref<!tpu.dma_semaphore, #tpu.memory_space<semaphore_mem>>) {add = true}
        %dma_wait3A_204 = arith.constant 0 : i32
        %dma_wait3A_205 = tpu.memref_slice %arg9[%run_scoped3A_192, %dma_wait3A_204] : memref<1x128xi32, #tpu.memory_space<vmem>> -> memref<1x128xi32, #tpu.memory_space<vmem>>
        %dma_wait3A_206 = tpu.memref_squeeze %dma_wait3A_205 : memref<1x128xi32, #tpu.memory_space<vmem>> -> memref<128xi32, #tpu.memory_space<vmem>>
        %dma_wait3A_207 = arith.constant 0 : i32
        %dma_wait3A_208 = arith.constant 0 : i32
        %dma_wait3A_209 = tpu.memref_slice %arg12[%dma_wait3A_207, %dma_wait3A_208] : memref<10112x128xf32, #tpu.memory_space<vmem_shared>> -> memref<10112x128xf32, #tpu.memory_space<vmem_shared>>
        tpu.wait_indirect_dma semaphore(%run_scoped3A_197 : memref<!tpu.dma_semaphore, #tpu.memory_space<semaphore_mem>>) src(%arg11 : memref<128x128xf32, #tpu.memory_space<vmem>>) dst(%dma_wait3A_209 : memref<10112x128xf32, #tpu.memory_space<vmem_shared>>)
        tpu.yield
      }) : () -> ()
      %lt3A_193 = arith.cmpi slt, %while3A_109, %sub3A_72 : i32
      %convert_element_type3A_194 = arith.extui %lt3A_193 : i1 to i32
      %cond3A_195 = arith.constant 0 : i32
      %cond3A_196 = arith.cmpi ne, %convert_element_type3A_194, %cond3A_195 : i32
      scf.if %cond3A_196 {
        %add3A_197 = arith.addi %add3A, %add3A_113 : i32
        %add3A_198 = arith.constant 2 : i32
        %add3A_199 = arith.addi %add3A_197, %add3A_198 : i32
        %dma_start3A_200 = arith.constant 0 : i32
        %dma_start3A_201 = arith.constant 0 : i32
        %dma_start3A_202 = tpu.memref_slice %arg4[%add3A_199, %dma_start3A_200, %dma_start3A_201] : memref<2560x1x128xi32, #tpu.memory_space<hbm>> -> memref<1x1x128xi32, #tpu.memory_space<hbm>>
        %dma_start3A_203 = tpu.memref_squeeze %dma_start3A_202 : memref<1x1x128xi32, #tpu.memory_space<hbm>> -> memref<1x128xi32, #tpu.memory_space<hbm>>
        %dma_start3A_204 = arith.constant 0 : i32
        %dma_start3A_205 = arith.constant 0 : i32
        %dma_start3A_206 = tpu.memref_slice %arg4[%add3A_199, %dma_start3A_204, %dma_start3A_205] : memref<2560x1x128xi32, #tpu.memory_space<hbm>> -> memref<1x1x128xi32, #tpu.memory_space<hbm>>
        %dma_start3A_207 = tpu.memref_squeeze %dma_start3A_206 : memref<1x1x128xi32, #tpu.memory_space<hbm>> -> memref<1x128xi32, #tpu.memory_space<hbm>>
        tpu.enqueue_dma source(%dma_start3A_207 : memref<1x128xi32, #tpu.memory_space<hbm>>) target(%arg9 : memref<1x128xi32, #tpu.memory_space<vmem>>) target_semaphore(%arg16 : memref<!tpu.dma_semaphore, #tpu.memory_space<semaphore_mem>>)
      } else {
      }
    }
    %barrier3A_106 = arith.constant 0 : index
    tpu.barrier barrier_id(%barrier3A_106)
    %mul3A_107 = arith.constant 632 : i32
    %mul3A_108 = arith.muli %arg1, %mul3A_107 : i32
    "tpu.region"() ({
      %run_scoped3A = tpu.sem_alloc : memref<!tpu.dma_semaphore, #tpu.memory_space<semaphore_mem>>
      %dma_start3A_109 = arith.constant 0 : i32
      %dma_start3A_110 = tpu.memref_slice %arg6[%arg0, %mul3A_108, %dma_start3A_109] : memref<2x10112x128xf32, #tpu.memory_space<hbm>> -> memref<1x632x128xf32, #tpu.memory_space<hbm>>
      %dma_start3A_111 = tpu.memref_squeeze %dma_start3A_110 : memref<1x632x128xf32, #tpu.memory_space<hbm>> -> memref<632x128xf32, #tpu.memory_space<hbm>>
      %dma_start3A_112 = arith.constant 0 : i32
      %dma_start3A_113 = tpu.memref_slice %arg12[%mul3A_108, %dma_start3A_112] : memref<10112x128xf32, #tpu.memory_space<vmem_shared>> -> memref<632x128xf32, #tpu.memory_space<vmem_shared>>
      tpu.enqueue_dma source(%dma_start3A_113 : memref<632x128xf32, #tpu.memory_space<vmem_shared>>) target(%dma_start3A_111 : memref<632x128xf32, #tpu.memory_space<hbm>>) target_semaphore(%run_scoped3A : memref<!tpu.dma_semaphore, #tpu.memory_space<semaphore_mem>>)
      %dma_wait3A = arith.constant 0 : i32
      %dma_wait3A_114 = tpu.memref_slice %arg6[%arg0, %mul3A_108, %dma_wait3A] : memref<2x10112x128xf32, #tpu.memory_space<hbm>> -> memref<1x632x128xf32, #tpu.memory_space<hbm>>
      %dma_wait3A_115 = tpu.memref_squeeze %dma_wait3A_114 : memref<1x632x128xf32, #tpu.memory_space<hbm>> -> memref<632x128xf32, #tpu.memory_space<hbm>>
      %dma_wait3A_116 = arith.constant 0 : i32
      %dma_wait3A_117 = tpu.memref_slice %arg12[%mul3A_108, %dma_wait3A_116] : memref<10112x128xf32, #tpu.memory_space<vmem_shared>> -> memref<632x128xf32, #tpu.memory_space<vmem_shared>>
      tpu.wait_dma2 semaphore(%run_scoped3A : memref<!tpu.dma_semaphore, #tpu.memory_space<semaphore_mem>>) src(%dma_wait3A_117 : memref<632x128xf32, #tpu.memory_space<vmem_shared>>) dst(%dma_wait3A_115 : memref<632x128xf32, #tpu.memory_space<hbm>>)
      tpu.yield
    }) : () -> ()
    return
  }
}

#map = affine_map<(d0, d1) -> (0, 0, 0)>
#map1 = affine_map<(d0, d1) -> (0, 0)>
module attributes {stable_mosaic.version = 14 : i64} {
  func.func @_deg(%arg0: i32, %arg1: i32, %arg2: memref<2560x1x128xi32, #tpu.memory_space<hbm>>, %arg3: memref<10112x128xf32, #tpu.memory_space<hbm>>, %arg4: memref<128x128xf32, #tpu.memory_space<hbm>>, %arg5: memref<2x10112x128xf32, #tpu.memory_space<hbm>>, %arg6: memref<1x128xi32, #tpu.memory_space<vmem>>, %arg7: memref<1x128xi32, #tpu.memory_space<vmem>>, %arg8: memref<128x128xf32, #tpu.memory_space<vmem>>, %arg9: memref<10112x128xf32, #tpu.memory_space<vmem_shared>>, %arg10: memref<!tpu.dma_semaphore, #tpu.memory_space<semaphore_mem>>, %arg11: memref<!tpu.dma_semaphore, #tpu.memory_space<semaphore_mem>>) attributes {dimension_semantics = [#tpu.dimension_semantics<core_parallel>, #tpu.dimension_semantics<subcore_parallel>], iteration_bounds = array<i64: 2, 16>, scalar_prefetch = 0 : i64, scratch_operands = 6 : i64, tpu.core_type = #tpu.core_type<sc_vector_subcore>, window_params = [{transform_indices = #map}, {transform_indices = #map1}, {transform_indices = #map1}, {transform_indices = #map}]} {
    %mul3A = arith.constant 2 : i32
    %mul3A_0 = arith.muli %arg1, %mul3A : i32
    %add3A = arith.addi %mul3A_0, %arg0 : i32
    %eq3A = arith.constant 0 : i32
    %eq3A_1 = arith.cmpi eq, %arg1, %eq3A : i32
    %convert_element_type3A = arith.extui %eq3A_1 : i1 to i32
    %cond3A = arith.constant 0 : i32
    %cond3A_2 = arith.cmpi ne, %convert_element_type3A, %cond3A : i32
    scf.if %cond3A_2 {
      "tpu.region"() ({
        %run_scoped3A = tpu.sem_alloc : memref<!tpu.dma_semaphore, #tpu.memory_space<semaphore_mem>>
        tpu.enqueue_dma source(%arg3 : memref<10112x128xf32, #tpu.memory_space<hbm>>) target(%arg9 : memref<10112x128xf32, #tpu.memory_space<vmem_shared>>) target_semaphore(%run_scoped3A : memref<!tpu.dma_semaphore, #tpu.memory_space<semaphore_mem>>)
        tpu.wait_dma2 semaphore(%run_scoped3A : memref<!tpu.dma_semaphore, #tpu.memory_space<semaphore_mem>>) src(%arg3 : memref<10112x128xf32, #tpu.memory_space<hbm>>) dst(%arg9 : memref<10112x128xf32, #tpu.memory_space<vmem_shared>>)
        tpu.yield
      }) : () -> ()
    } else {
    }
    %mul3A_3 = arith.constant 80 : i32
    %mul3A_4 = arith.muli %add3A, %mul3A_3 : i32
    "tpu.region"() ({
      %run_scoped3A = tpu.sem_alloc : memref<!tpu.dma_semaphore, #tpu.memory_space<semaphore_mem>>
      tpu.enqueue_dma source(%arg4 : memref<128x128xf32, #tpu.memory_space<hbm>>) target(%arg8 : memref<128x128xf32, #tpu.memory_space<vmem>>) target_semaphore(%run_scoped3A : memref<!tpu.dma_semaphore, #tpu.memory_space<semaphore_mem>>)
      tpu.wait_dma2 semaphore(%run_scoped3A : memref<!tpu.dma_semaphore, #tpu.memory_space<semaphore_mem>>) src(%arg4 : memref<128x128xf32, #tpu.memory_space<hbm>>) dst(%arg8 : memref<128x128xf32, #tpu.memory_space<vmem>>)
      tpu.yield
    }) : () -> ()
    %barrier3A = arith.constant 0 : index
    tpu.barrier barrier_id(%barrier3A)
    %dma_start3A = arith.constant 0 : i32
    %dma_start3A_5 = arith.constant 0 : i32
    %dma_start3A_6 = tpu.memref_slice %arg2[%mul3A_4, %dma_start3A, %dma_start3A_5] : memref<2560x1x128xi32, #tpu.memory_space<hbm>> -> memref<1x1x128xi32, #tpu.memory_space<hbm>>
    %dma_start3A_7 = tpu.memref_squeeze %dma_start3A_6 : memref<1x1x128xi32, #tpu.memory_space<hbm>> -> memref<1x128xi32, #tpu.memory_space<hbm>>
    %dma_start3A_8 = arith.constant 0 : i32
    %dma_start3A_9 = arith.constant 0 : i32
    %dma_start3A_10 = tpu.memref_slice %arg2[%mul3A_4, %dma_start3A_8, %dma_start3A_9] : memref<2560x1x128xi32, #tpu.memory_space<hbm>> -> memref<1x1x128xi32, #tpu.memory_space<hbm>>
    %dma_start3A_11 = tpu.memref_squeeze %dma_start3A_10 : memref<1x1x128xi32, #tpu.memory_space<hbm>> -> memref<1x128xi32, #tpu.memory_space<hbm>>
    tpu.enqueue_dma source(%dma_start3A_11 : memref<1x128xi32, #tpu.memory_space<hbm>>) target(%arg6 : memref<1x128xi32, #tpu.memory_space<vmem>>) target_semaphore(%arg10 : memref<!tpu.dma_semaphore, #tpu.memory_space<semaphore_mem>>)
    %add3A_12 = arith.constant 1 : i32
    %add3A_13 = arith.addi %mul3A_4, %add3A_12 : i32
    %dma_start3A_14 = arith.constant 0 : i32
    %dma_start3A_15 = arith.constant 0 : i32
    %dma_start3A_16 = tpu.memref_slice %arg2[%add3A_13, %dma_start3A_14, %dma_start3A_15] : memref<2560x1x128xi32, #tpu.memory_space<hbm>> -> memref<1x1x128xi32, #tpu.memory_space<hbm>>
    %dma_start3A_17 = tpu.memref_squeeze %dma_start3A_16 : memref<1x1x128xi32, #tpu.memory_space<hbm>> -> memref<1x128xi32, #tpu.memory_space<hbm>>
    %dma_start3A_18 = arith.constant 0 : i32
    %dma_start3A_19 = arith.constant 0 : i32
    %dma_start3A_20 = tpu.memref_slice %arg2[%add3A_13, %dma_start3A_18, %dma_start3A_19] : memref<2560x1x128xi32, #tpu.memory_space<hbm>> -> memref<1x1x128xi32, #tpu.memory_space<hbm>>
    %dma_start3A_21 = tpu.memref_squeeze %dma_start3A_20 : memref<1x1x128xi32, #tpu.memory_space<hbm>> -> memref<1x128xi32, #tpu.memory_space<hbm>>
    tpu.enqueue_dma source(%dma_start3A_21 : memref<1x128xi32, #tpu.memory_space<hbm>>) target(%arg7 : memref<1x128xi32, #tpu.memory_space<vmem>>) target_semaphore(%arg11 : memref<!tpu.dma_semaphore, #tpu.memory_space<semaphore_mem>>)
    %scan3A = arith.constant 0 : i32
    %scan3A_22 = arith.constant 0 : i32
    %scan3A_23 = arith.constant 40 : i32
    %scan3A_24 = arith.addi %scan3A_22, %scan3A_23 : i32
    %scan3A_25 = arith.constant 1 : i32
    scf.for %scan3A_30 = %scan3A_22 to %scan3A_24 step %scan3A_25  : i32 {
      %mul3A_31 = arith.constant 2 : i32
      %mul3A_32 = arith.muli %mul3A_31, %scan3A_30 : i32
      %add3A_33 = arith.constant 1 : i32
      %add3A_34 = arith.addi %mul3A_32, %add3A_33 : i32
      %dma_wait3A = arith.constant 0 : i32
      %dma_wait3A_35 = arith.constant 0 : i32
      %dma_wait3A_36 = tpu.memref_slice %arg2[%mul3A_4, %dma_wait3A, %dma_wait3A_35] : memref<2560x1x128xi32, #tpu.memory_space<hbm>> -> memref<1x1x128xi32, #tpu.memory_space<hbm>>
      %dma_wait3A_37 = tpu.memref_squeeze %dma_wait3A_36 : memref<1x1x128xi32, #tpu.memory_space<hbm>> -> memref<1x128xi32, #tpu.memory_space<hbm>>
      %dma_wait3A_38 = arith.constant 0 : i32
      %dma_wait3A_39 = arith.constant 0 : i32
      %dma_wait3A_40 = tpu.memref_slice %arg2[%mul3A_4, %dma_wait3A_38, %dma_wait3A_39] : memref<2560x1x128xi32, #tpu.memory_space<hbm>> -> memref<1x1x128xi32, #tpu.memory_space<hbm>>
      %dma_wait3A_41 = tpu.memref_squeeze %dma_wait3A_40 : memref<1x1x128xi32, #tpu.memory_space<hbm>> -> memref<1x128xi32, #tpu.memory_space<hbm>>
      tpu.wait_dma2 semaphore(%arg10 : memref<!tpu.dma_semaphore, #tpu.memory_space<semaphore_mem>>) src(%dma_wait3A_41 : memref<1x128xi32, #tpu.memory_space<hbm>>) dst(%arg6 : memref<1x128xi32, #tpu.memory_space<vmem>>)
      %run_scoped3A = arith.constant 0 : i32
      "tpu.region"() ({
        %run_scoped3A_62 = tpu.sem_alloc : memref<!tpu.dma_semaphore, #tpu.memory_space<semaphore_mem>>
        %dma_start3A_63 = arith.constant 0 : i32
        %dma_start3A_64 = tpu.memref_slice %arg6[%run_scoped3A, %dma_start3A_63] : memref<1x128xi32, #tpu.memory_space<vmem>> -> memref<1x128xi32, #tpu.memory_space<vmem>>
        %dma_start3A_65 = tpu.memref_squeeze %dma_start3A_64 : memref<1x128xi32, #tpu.memory_space<vmem>> -> memref<128xi32, #tpu.memory_space<vmem>>
        %dma_start3A_66 = arith.constant 0 : i32
        %dma_start3A_67 = arith.constant 0 : i32
        %dma_start3A_68 = tpu.memref_slice %arg9[%dma_start3A_66, %dma_start3A_67] : memref<10112x128xf32, #tpu.memory_space<vmem_shared>> -> memref<10112x128xf32, #tpu.memory_space<vmem_shared>>
        tpu.enqueue_indirect_dma source(%arg8 : memref<128x128xf32, #tpu.memory_space<vmem>>) target(%dma_start3A_68 : memref<10112x128xf32, #tpu.memory_space<vmem_shared>>) offsets(%dma_start3A_65 : memref<128xi32, #tpu.memory_space<vmem>>) semaphore(%run_scoped3A_62 : memref<!tpu.dma_semaphore, #tpu.memory_space<semaphore_mem>>) {add = true}
        %dma_wait3A_69 = arith.constant 0 : i32
        %dma_wait3A_70 = tpu.memref_slice %arg6[%run_scoped3A, %dma_wait3A_69] : memref<1x128xi32, #tpu.memory_space<vmem>> -> memref<1x128xi32, #tpu.memory_space<vmem>>
        %dma_wait3A_71 = tpu.memref_squeeze %dma_wait3A_70 : memref<1x128xi32, #tpu.memory_space<vmem>> -> memref<128xi32, #tpu.memory_space<vmem>>
        %dma_wait3A_72 = arith.constant 0 : i32
        %dma_wait3A_73 = arith.constant 0 : i32
        %dma_wait3A_74 = tpu.memref_slice %arg9[%dma_wait3A_72, %dma_wait3A_73] : memref<10112x128xf32, #tpu.memory_space<vmem_shared>> -> memref<10112x128xf32, #tpu.memory_space<vmem_shared>>
        tpu.wait_indirect_dma semaphore(%run_scoped3A_62 : memref<!tpu.dma_semaphore, #tpu.memory_space<semaphore_mem>>) src(%arg8 : memref<128x128xf32, #tpu.memory_space<vmem>>) dst(%dma_wait3A_74 : memref<10112x128xf32, #tpu.memory_space<vmem_shared>>)
        tpu.yield
      }) : () -> ()
      %lt3A = arith.constant 39 : i32
      %lt3A_42 = arith.cmpi slt, %scan3A_30, %lt3A : i32
      %convert_element_type3A_43 = arith.extui %lt3A_42 : i1 to i32
      %cond3A_44 = arith.constant 0 : i32
      %cond3A_45 = arith.cmpi ne, %convert_element_type3A_43, %cond3A_44 : i32
      scf.if %cond3A_45 {
        %add3A_62 = arith.addi %mul3A_4, %mul3A_32 : i32
        %add3A_63 = arith.constant 2 : i32
        %add3A_64 = arith.addi %add3A_62, %add3A_63 : i32
        %dma_start3A_65 = arith.constant 0 : i32
        %dma_start3A_66 = arith.constant 0 : i32
        %dma_start3A_67 = tpu.memref_slice %arg2[%add3A_64, %dma_start3A_65, %dma_start3A_66] : memref<2560x1x128xi32, #tpu.memory_space<hbm>> -> memref<1x1x128xi32, #tpu.memory_space<hbm>>
        %dma_start3A_68 = tpu.memref_squeeze %dma_start3A_67 : memref<1x1x128xi32, #tpu.memory_space<hbm>> -> memref<1x128xi32, #tpu.memory_space<hbm>>
        %dma_start3A_69 = arith.constant 0 : i32
        %dma_start3A_70 = arith.constant 0 : i32
        %dma_start3A_71 = tpu.memref_slice %arg2[%add3A_64, %dma_start3A_69, %dma_start3A_70] : memref<2560x1x128xi32, #tpu.memory_space<hbm>> -> memref<1x1x128xi32, #tpu.memory_space<hbm>>
        %dma_start3A_72 = tpu.memref_squeeze %dma_start3A_71 : memref<1x1x128xi32, #tpu.memory_space<hbm>> -> memref<1x128xi32, #tpu.memory_space<hbm>>
        tpu.enqueue_dma source(%dma_start3A_72 : memref<1x128xi32, #tpu.memory_space<hbm>>) target(%arg6 : memref<1x128xi32, #tpu.memory_space<vmem>>) target_semaphore(%arg10 : memref<!tpu.dma_semaphore, #tpu.memory_space<semaphore_mem>>)
      } else {
      }
      %add3A_46 = arith.constant 1 : i32
      %add3A_47 = arith.addi %mul3A_4, %add3A_46 : i32
      %dma_wait3A_48 = arith.constant 0 : i32
      %dma_wait3A_49 = arith.constant 0 : i32
      %dma_wait3A_50 = tpu.memref_slice %arg2[%add3A_47, %dma_wait3A_48, %dma_wait3A_49] : memref<2560x1x128xi32, #tpu.memory_space<hbm>> -> memref<1x1x128xi32, #tpu.memory_space<hbm>>
      %dma_wait3A_51 = tpu.memref_squeeze %dma_wait3A_50 : memref<1x1x128xi32, #tpu.memory_space<hbm>> -> memref<1x128xi32, #tpu.memory_space<hbm>>
      %dma_wait3A_52 = arith.constant 0 : i32
      %dma_wait3A_53 = arith.constant 0 : i32
      %dma_wait3A_54 = tpu.memref_slice %arg2[%add3A_47, %dma_wait3A_52, %dma_wait3A_53] : memref<2560x1x128xi32, #tpu.memory_space<hbm>> -> memref<1x1x128xi32, #tpu.memory_space<hbm>>
      %dma_wait3A_55 = tpu.memref_squeeze %dma_wait3A_54 : memref<1x1x128xi32, #tpu.memory_space<hbm>> -> memref<1x128xi32, #tpu.memory_space<hbm>>
      tpu.wait_dma2 semaphore(%arg11 : memref<!tpu.dma_semaphore, #tpu.memory_space<semaphore_mem>>) src(%dma_wait3A_55 : memref<1x128xi32, #tpu.memory_space<hbm>>) dst(%arg7 : memref<1x128xi32, #tpu.memory_space<vmem>>)
      %run_scoped3A_56 = arith.constant 0 : i32
      "tpu.region"() ({
        %run_scoped3A_62 = tpu.sem_alloc : memref<!tpu.dma_semaphore, #tpu.memory_space<semaphore_mem>>
        %dma_start3A_63 = arith.constant 0 : i32
        %dma_start3A_64 = tpu.memref_slice %arg7[%run_scoped3A_56, %dma_start3A_63] : memref<1x128xi32, #tpu.memory_space<vmem>> -> memref<1x128xi32, #tpu.memory_space<vmem>>
        %dma_start3A_65 = tpu.memref_squeeze %dma_start3A_64 : memref<1x128xi32, #tpu.memory_space<vmem>> -> memref<128xi32, #tpu.memory_space<vmem>>
        %dma_start3A_66 = arith.constant 0 : i32
        %dma_start3A_67 = arith.constant 0 : i32
        %dma_start3A_68 = tpu.memref_slice %arg9[%dma_start3A_66, %dma_start3A_67] : memref<10112x128xf32, #tpu.memory_space<vmem_shared>> -> memref<10112x128xf32, #tpu.memory_space<vmem_shared>>
        tpu.enqueue_indirect_dma source(%arg8 : memref<128x128xf32, #tpu.memory_space<vmem>>) target(%dma_start3A_68 : memref<10112x128xf32, #tpu.memory_space<vmem_shared>>) offsets(%dma_start3A_65 : memref<128xi32, #tpu.memory_space<vmem>>) semaphore(%run_scoped3A_62 : memref<!tpu.dma_semaphore, #tpu.memory_space<semaphore_mem>>) {add = true}
        %dma_wait3A_69 = arith.constant 0 : i32
        %dma_wait3A_70 = tpu.memref_slice %arg7[%run_scoped3A_56, %dma_wait3A_69] : memref<1x128xi32, #tpu.memory_space<vmem>> -> memref<1x128xi32, #tpu.memory_space<vmem>>
        %dma_wait3A_71 = tpu.memref_squeeze %dma_wait3A_70 : memref<1x128xi32, #tpu.memory_space<vmem>> -> memref<128xi32, #tpu.memory_space<vmem>>
        %dma_wait3A_72 = arith.constant 0 : i32
        %dma_wait3A_73 = arith.constant 0 : i32
        %dma_wait3A_74 = tpu.memref_slice %arg9[%dma_wait3A_72, %dma_wait3A_73] : memref<10112x128xf32, #tpu.memory_space<vmem_shared>> -> memref<10112x128xf32, #tpu.memory_space<vmem_shared>>
        tpu.wait_indirect_dma semaphore(%run_scoped3A_62 : memref<!tpu.dma_semaphore, #tpu.memory_space<semaphore_mem>>) src(%arg8 : memref<128x128xf32, #tpu.memory_space<vmem>>) dst(%dma_wait3A_74 : memref<10112x128xf32, #tpu.memory_space<vmem_shared>>)
        tpu.yield
      }) : () -> ()
      %lt3A_57 = arith.constant 39 : i32
      %lt3A_58 = arith.cmpi slt, %scan3A_30, %lt3A_57 : i32
      %convert_element_type3A_59 = arith.extui %lt3A_58 : i1 to i32
      %cond3A_60 = arith.constant 0 : i32
      %cond3A_61 = arith.cmpi ne, %convert_element_type3A_59, %cond3A_60 : i32
      scf.if %cond3A_61 {
        %add3A_62 = arith.addi %mul3A_4, %add3A_34 : i32
        %add3A_63 = arith.constant 2 : i32
        %add3A_64 = arith.addi %add3A_62, %add3A_63 : i32
        %dma_start3A_65 = arith.constant 0 : i32
        %dma_start3A_66 = arith.constant 0 : i32
        %dma_start3A_67 = tpu.memref_slice %arg2[%add3A_64, %dma_start3A_65, %dma_start3A_66] : memref<2560x1x128xi32, #tpu.memory_space<hbm>> -> memref<1x1x128xi32, #tpu.memory_space<hbm>>
        %dma_start3A_68 = tpu.memref_squeeze %dma_start3A_67 : memref<1x1x128xi32, #tpu.memory_space<hbm>> -> memref<1x128xi32, #tpu.memory_space<hbm>>
        %dma_start3A_69 = arith.constant 0 : i32
        %dma_start3A_70 = arith.constant 0 : i32
        %dma_start3A_71 = tpu.memref_slice %arg2[%add3A_64, %dma_start3A_69, %dma_start3A_70] : memref<2560x1x128xi32, #tpu.memory_space<hbm>> -> memref<1x1x128xi32, #tpu.memory_space<hbm>>
        %dma_start3A_72 = tpu.memref_squeeze %dma_start3A_71 : memref<1x1x128xi32, #tpu.memory_space<hbm>> -> memref<1x128xi32, #tpu.memory_space<hbm>>
        tpu.enqueue_dma source(%dma_start3A_72 : memref<1x128xi32, #tpu.memory_space<hbm>>) target(%arg7 : memref<1x128xi32, #tpu.memory_space<vmem>>) target_semaphore(%arg11 : memref<!tpu.dma_semaphore, #tpu.memory_space<semaphore_mem>>)
      } else {
      }
    }
    %scan3A_26 = arith.constant 40 : i32
    %barrier3A_27 = arith.constant 0 : index
    tpu.barrier barrier_id(%barrier3A_27)
    %mul3A_28 = arith.constant 632 : i32
    %mul3A_29 = arith.muli %arg1, %mul3A_28 : i32
    "tpu.region"() ({
      %run_scoped3A = tpu.sem_alloc : memref<!tpu.dma_semaphore, #tpu.memory_space<semaphore_mem>>
      %dma_start3A_30 = arith.constant 0 : i32
      %dma_start3A_31 = tpu.memref_slice %arg5[%arg0, %mul3A_29, %dma_start3A_30] : memref<2x10112x128xf32, #tpu.memory_space<hbm>> -> memref<1x632x128xf32, #tpu.memory_space<hbm>>
      %dma_start3A_32 = tpu.memref_squeeze %dma_start3A_31 : memref<1x632x128xf32, #tpu.memory_space<hbm>> -> memref<632x128xf32, #tpu.memory_space<hbm>>
      %dma_start3A_33 = arith.constant 0 : i32
      %dma_start3A_34 = tpu.memref_slice %arg9[%mul3A_29, %dma_start3A_33] : memref<10112x128xf32, #tpu.memory_space<vmem_shared>> -> memref<632x128xf32, #tpu.memory_space<vmem_shared>>
      tpu.enqueue_dma source(%dma_start3A_34 : memref<632x128xf32, #tpu.memory_space<vmem_shared>>) target(%dma_start3A_32 : memref<632x128xf32, #tpu.memory_space<hbm>>) target_semaphore(%run_scoped3A : memref<!tpu.dma_semaphore, #tpu.memory_space<semaphore_mem>>)
      %dma_wait3A = arith.constant 0 : i32
      %dma_wait3A_35 = tpu.memref_slice %arg5[%arg0, %mul3A_29, %dma_wait3A] : memref<2x10112x128xf32, #tpu.memory_space<hbm>> -> memref<1x632x128xf32, #tpu.memory_space<hbm>>
      %dma_wait3A_36 = tpu.memref_squeeze %dma_wait3A_35 : memref<1x632x128xf32, #tpu.memory_space<hbm>> -> memref<632x128xf32, #tpu.memory_space<hbm>>
      %dma_wait3A_37 = arith.constant 0 : i32
      %dma_wait3A_38 = tpu.memref_slice %arg9[%mul3A_29, %dma_wait3A_37] : memref<10112x128xf32, #tpu.memory_space<vmem_shared>> -> memref<632x128xf32, #tpu.memory_space<vmem_shared>>
      tpu.wait_dma2 semaphore(%run_scoped3A : memref<!tpu.dma_semaphore, #tpu.memory_space<semaphore_mem>>) src(%dma_wait3A_38 : memref<632x128xf32, #tpu.memory_space<vmem_shared>>) dst(%dma_wait3A_36 : memref<632x128xf32, #tpu.memory_space<hbm>>)
      tpu.yield
    }) : () -> ()
    return
  }
}

#map = affine_map<(d0, d1) -> (0, 0)>
#map1 = affine_map<(d0, d1) -> (0, 0, 0)>
module attributes {stable_mosaic.version = 14 : i64} {
  func.func @_agg(%arg0: i32, %arg1: i32, %arg2: memref<10000x128xf32, #tpu.memory_space<hbm>>, %arg3: memref<2560x128xi32, #tpu.memory_space<hbm>>, %arg4: memref<2560x1x128xi32, #tpu.memory_space<hbm>>, %arg5: memref<10112x128xf32, #tpu.memory_space<hbm>>, %arg6: memref<2x10112x128xf32, #tpu.memory_space<hbm>>, %arg7: memref<120x128xi32, #tpu.memory_space<vmem>>, %arg8: memref<1x128xi32, #tpu.memory_space<vmem>>, %arg9: memref<1x128xi32, #tpu.memory_space<vmem>>, %arg10: memref<128x128xf32, #tpu.memory_space<vmem>>, %arg11: memref<128x128xf32, #tpu.memory_space<vmem>>, %arg12: memref<10112x128xf32, #tpu.memory_space<vmem_shared>>, %arg13: memref<!tpu.dma_semaphore, #tpu.memory_space<semaphore_mem>>, %arg14: memref<!tpu.dma_semaphore, #tpu.memory_space<semaphore_mem>>, %arg15: memref<!tpu.dma_semaphore, #tpu.memory_space<semaphore_mem>>, %arg16: memref<!tpu.dma_semaphore, #tpu.memory_space<semaphore_mem>>) attributes {dimension_semantics = [#tpu.dimension_semantics<core_parallel>, #tpu.dimension_semantics<subcore_parallel>], iteration_bounds = array<i64: 2, 16>, scalar_prefetch = 0 : i64, scratch_operands = 10 : i64, tpu.core_type = #tpu.core_type<sc_vector_subcore>, window_params = [{transform_indices = #map}, {transform_indices = #map}, {transform_indices = #map1}, {transform_indices = #map}, {transform_indices = #map1}]} {
    %eq3A = arith.constant 0 : i32
    %eq3A_0 = arith.cmpi eq, %arg1, %eq3A : i32
    %convert_element_type3A = arith.extui %eq3A_0 : i1 to i32
    %cond3A = arith.constant 0 : i32
    %cond3A_1 = arith.cmpi ne, %convert_element_type3A, %cond3A : i32
    scf.if %cond3A_1 {
      "tpu.region"() ({
        %run_scoped3A = tpu.sem_alloc : memref<!tpu.dma_semaphore, #tpu.memory_space<semaphore_mem>>
        tpu.enqueue_dma source(%arg5 : memref<10112x128xf32, #tpu.memory_space<hbm>>) target(%arg12 : memref<10112x128xf32, #tpu.memory_space<vmem_shared>>) target_semaphore(%run_scoped3A : memref<!tpu.dma_semaphore, #tpu.memory_space<semaphore_mem>>)
        tpu.wait_dma2 semaphore(%run_scoped3A : memref<!tpu.dma_semaphore, #tpu.memory_space<semaphore_mem>>) src(%arg5 : memref<10112x128xf32, #tpu.memory_space<hbm>>) dst(%arg12 : memref<10112x128xf32, #tpu.memory_space<vmem_shared>>)
        tpu.yield
      }) : () -> ()
    } else {
    }
    %eq3A_2 = arith.constant 0 : i32
    %eq3A_3 = arith.cmpi eq, %arg0, %eq3A_2 : i32
    %mul3A = arith.constant 160 : i32
    %mul3A_4 = arith.muli %arg1, %mul3A : i32
    %jit3A = arith.constant 0 : i32
    %jit3A_5 = arith.constant 120 : i32
    %select_n3A = arith.select %eq3A_3, %jit3A, %jit3A_5 : i32
    %add3A = arith.addi %mul3A_4, %select_n3A : i32
    %jit3A_6 = arith.constant 120 : i32
    %jit3A_7 = arith.constant 40 : i32
    %select_n3A_8 = arith.select %eq3A_3, %jit3A_6, %jit3A_7 : i32
    %convert_element_type3A_9 = arith.extui %eq3A_3 : i1 to i32
    %cond3A_10 = arith.constant 0 : i32
    %cond3A_11 = arith.cmpi ne, %convert_element_type3A_9, %cond3A_10 : i32
    scf.if %cond3A_11 {
      %mul3A_109 = arith.constant 160 : i32
      %mul3A_110 = arith.muli %arg1, %mul3A_109 : i32
      "tpu.region"() ({
        %run_scoped3A = tpu.sem_alloc : memref<!tpu.dma_semaphore, #tpu.memory_space<semaphore_mem>>
        %dma_start3A_111 = arith.constant 0 : i32
        %dma_start3A_112 = tpu.memref_slice %arg3[%mul3A_110, %dma_start3A_111] : memref<2560x128xi32, #tpu.memory_space<hbm>> -> memref<120x128xi32, #tpu.memory_space<hbm>>
        %dma_start3A_113 = arith.constant 0 : i32
        %dma_start3A_114 = tpu.memref_slice %arg3[%mul3A_110, %dma_start3A_113] : memref<2560x128xi32, #tpu.memory_space<hbm>> -> memref<120x128xi32, #tpu.memory_space<hbm>>
        tpu.enqueue_dma source(%dma_start3A_114 : memref<120x128xi32, #tpu.memory_space<hbm>>) target(%arg7 : memref<120x128xi32, #tpu.memory_space<vmem>>) target_semaphore(%run_scoped3A : memref<!tpu.dma_semaphore, #tpu.memory_space<semaphore_mem>>)
        %dma_wait3A = arith.constant 0 : i32
        %dma_wait3A_115 = tpu.memref_slice %arg3[%mul3A_110, %dma_wait3A] : memref<2560x128xi32, #tpu.memory_space<hbm>> -> memref<120x128xi32, #tpu.memory_space<hbm>>
        %dma_wait3A_116 = arith.constant 0 : i32
        %dma_wait3A_117 = tpu.memref_slice %arg3[%mul3A_110, %dma_wait3A_116] : memref<2560x128xi32, #tpu.memory_space<hbm>> -> memref<120x128xi32, #tpu.memory_space<hbm>>
        tpu.wait_dma2 semaphore(%run_scoped3A : memref<!tpu.dma_semaphore, #tpu.memory_space<semaphore_mem>>) src(%dma_wait3A_117 : memref<120x128xi32, #tpu.memory_space<hbm>>) dst(%arg7 : memref<120x128xi32, #tpu.memory_space<vmem>>)
        tpu.yield
      }) : () -> ()
    } else {
    }
    %not3A = arith.constant true
    %not3A_12 = arith.xori %eq3A_3, %not3A : i1
    %convert_element_type3A_13 = arith.extui %not3A_12 : i1 to i32
    %cond3A_14 = arith.constant 0 : i32
    %cond3A_15 = arith.cmpi ne, %convert_element_type3A_13, %cond3A_14 : i32
    scf.if %cond3A_15 {
      %mul3A_109 = arith.constant 160 : i32
      %mul3A_110 = arith.muli %arg1, %mul3A_109 : i32
      %add3A_111 = arith.constant 120 : i32
      %add3A_112 = arith.addi %mul3A_110, %add3A_111 : i32
      "tpu.region"() ({
        %run_scoped3A = tpu.sem_alloc : memref<!tpu.dma_semaphore, #tpu.memory_space<semaphore_mem>>
        %dma_start3A_113 = arith.constant 0 : i32
        %dma_start3A_114 = arith.constant 0 : i32
        %dma_start3A_115 = tpu.memref_slice %arg7[%dma_start3A_113, %dma_start3A_114] : memref<120x128xi32, #tpu.memory_space<vmem>> -> memref<40x128xi32, #tpu.memory_space<vmem>>
        %dma_start3A_116 = arith.constant 0 : i32
        %dma_start3A_117 = tpu.memref_slice %arg3[%add3A_112, %dma_start3A_116] : memref<2560x128xi32, #tpu.memory_space<hbm>> -> memref<40x128xi32, #tpu.memory_space<hbm>>
        %dma_start3A_118 = arith.constant 0 : i32
        %dma_start3A_119 = arith.constant 0 : i32
        %dma_start3A_120 = tpu.memref_slice %arg7[%dma_start3A_118, %dma_start3A_119] : memref<120x128xi32, #tpu.memory_space<vmem>> -> memref<40x128xi32, #tpu.memory_space<vmem>>
        %dma_start3A_121 = arith.constant 0 : i32
        %dma_start3A_122 = tpu.memref_slice %arg3[%add3A_112, %dma_start3A_121] : memref<2560x128xi32, #tpu.memory_space<hbm>> -> memref<40x128xi32, #tpu.memory_space<hbm>>
        tpu.enqueue_dma source(%dma_start3A_122 : memref<40x128xi32, #tpu.memory_space<hbm>>) target(%dma_start3A_120 : memref<40x128xi32, #tpu.memory_space<vmem>>) target_semaphore(%run_scoped3A : memref<!tpu.dma_semaphore, #tpu.memory_space<semaphore_mem>>)
        %dma_wait3A = arith.constant 0 : i32
        %dma_wait3A_123 = arith.constant 0 : i32
        %dma_wait3A_124 = tpu.memref_slice %arg7[%dma_wait3A, %dma_wait3A_123] : memref<120x128xi32, #tpu.memory_space<vmem>> -> memref<40x128xi32, #tpu.memory_space<vmem>>
        %dma_wait3A_125 = arith.constant 0 : i32
        %dma_wait3A_126 = tpu.memref_slice %arg3[%add3A_112, %dma_wait3A_125] : memref<2560x128xi32, #tpu.memory_space<hbm>> -> memref<40x128xi32, #tpu.memory_space<hbm>>
        %dma_wait3A_127 = arith.constant 0 : i32
        %dma_wait3A_128 = arith.constant 0 : i32
        %dma_wait3A_129 = tpu.memref_slice %arg7[%dma_wait3A_127, %dma_wait3A_128] : memref<120x128xi32, #tpu.memory_space<vmem>> -> memref<40x128xi32, #tpu.memory_space<vmem>>
        %dma_wait3A_130 = arith.constant 0 : i32
        %dma_wait3A_131 = tpu.memref_slice %arg3[%add3A_112, %dma_wait3A_130] : memref<2560x128xi32, #tpu.memory_space<hbm>> -> memref<40x128xi32, #tpu.memory_space<hbm>>
        tpu.wait_dma2 semaphore(%run_scoped3A : memref<!tpu.dma_semaphore, #tpu.memory_space<semaphore_mem>>) src(%dma_wait3A_131 : memref<40x128xi32, #tpu.memory_space<hbm>>) dst(%dma_wait3A_129 : memref<40x128xi32, #tpu.memory_space<vmem>>)
        tpu.yield
      }) : () -> ()
    } else {
    }
    %barrier3A = arith.constant 0 : index
    tpu.barrier barrier_id(%barrier3A)
    %dma_start3A = arith.constant 0 : i32
    %dma_start3A_16 = arith.constant 0 : i32
    %dma_start3A_17 = tpu.memref_slice %arg4[%add3A, %dma_start3A, %dma_start3A_16] : memref<2560x1x128xi32, #tpu.memory_space<hbm>> -> memref<1x1x128xi32, #tpu.memory_space<hbm>>
    %dma_start3A_18 = tpu.memref_squeeze %dma_start3A_17 : memref<1x1x128xi32, #tpu.memory_space<hbm>> -> memref<1x128xi32, #tpu.memory_space<hbm>>
    %dma_start3A_19 = arith.constant 0 : i32
    %dma_start3A_20 = arith.constant 0 : i32
    %dma_start3A_21 = tpu.memref_slice %arg4[%add3A, %dma_start3A_19, %dma_start3A_20] : memref<2560x1x128xi32, #tpu.memory_space<hbm>> -> memref<1x1x128xi32, #tpu.memory_space<hbm>>
    %dma_start3A_22 = tpu.memref_squeeze %dma_start3A_21 : memref<1x1x128xi32, #tpu.memory_space<hbm>> -> memref<1x128xi32, #tpu.memory_space<hbm>>
    tpu.enqueue_dma source(%dma_start3A_22 : memref<1x128xi32, #tpu.memory_space<hbm>>) target(%arg8 : memref<1x128xi32, #tpu.memory_space<vmem>>) target_semaphore(%arg15 : memref<!tpu.dma_semaphore, #tpu.memory_space<semaphore_mem>>)
    %add3A_23 = arith.constant 1 : i32
    %add3A_24 = arith.addi %add3A, %add3A_23 : i32
    %dma_start3A_25 = arith.constant 0 : i32
    %dma_start3A_26 = arith.constant 0 : i32
    %dma_start3A_27 = tpu.memref_slice %arg4[%add3A_24, %dma_start3A_25, %dma_start3A_26] : memref<2560x1x128xi32, #tpu.memory_space<hbm>> -> memref<1x1x128xi32, #tpu.memory_space<hbm>>
    %dma_start3A_28 = tpu.memref_squeeze %dma_start3A_27 : memref<1x1x128xi32, #tpu.memory_space<hbm>> -> memref<1x128xi32, #tpu.memory_space<hbm>>
    %dma_start3A_29 = arith.constant 0 : i32
    %dma_start3A_30 = arith.constant 0 : i32
    %dma_start3A_31 = tpu.memref_slice %arg4[%add3A_24, %dma_start3A_29, %dma_start3A_30] : memref<2560x1x128xi32, #tpu.memory_space<hbm>> -> memref<1x1x128xi32, #tpu.memory_space<hbm>>
    %dma_start3A_32 = tpu.memref_squeeze %dma_start3A_31 : memref<1x1x128xi32, #tpu.memory_space<hbm>> -> memref<1x128xi32, #tpu.memory_space<hbm>>
    tpu.enqueue_dma source(%dma_start3A_32 : memref<1x128xi32, #tpu.memory_space<hbm>>) target(%arg9 : memref<1x128xi32, #tpu.memory_space<vmem>>) target_semaphore(%arg16 : memref<!tpu.dma_semaphore, #tpu.memory_space<semaphore_mem>>)
    %dma_start3A_33 = arith.constant 0 : i32
    %dma_start3A_34 = arith.constant 0 : i32
    %dma_start3A_35 = arith.constant 0 : i32
    %dma_start3A_36 = tpu.memref_slice %arg10[%dma_start3A_34, %dma_start3A_35] : memref<128x128xf32, #tpu.memory_space<vmem>> -> memref<64x128xf32, #tpu.memory_space<vmem>>
    %dma_start3A_37 = arith.constant 0 : i32
    %dma_start3A_38 = tpu.memref_slice %arg7[%dma_start3A_33, %dma_start3A_37] : memref<120x128xi32, #tpu.memory_space<vmem>> -> memref<1x64xi32, #tpu.memory_space<vmem>>
    %dma_start3A_39 = tpu.memref_squeeze %dma_start3A_38 : memref<1x64xi32, #tpu.memory_space<vmem>> -> memref<64xi32, #tpu.memory_space<vmem>>
    %dma_start3A_40 = arith.constant 0 : i32
    %dma_start3A_41 = arith.constant 0 : i32
    %dma_start3A_42 = tpu.memref_slice %arg2[%dma_start3A_40, %dma_start3A_41] : memref<10000x128xf32, #tpu.memory_space<hbm>> -> memref<10000x128xf32, #tpu.memory_space<hbm>>
    tpu.enqueue_indirect_dma source(%dma_start3A_42 : memref<10000x128xf32, #tpu.memory_space<hbm>>) target(%dma_start3A_36 : memref<64x128xf32, #tpu.memory_space<vmem>>) offsets(%dma_start3A_39 : memref<64xi32, #tpu.memory_space<vmem>>) semaphore(%arg13 : memref<!tpu.dma_semaphore, #tpu.memory_space<semaphore_mem>>)
    %dma_start3A_43 = arith.constant 0 : i32
    %dma_start3A_44 = arith.constant 64 : i32
    %dma_start3A_45 = arith.constant 0 : i32
    %dma_start3A_46 = tpu.memref_slice %arg10[%dma_start3A_44, %dma_start3A_45] : memref<128x128xf32, #tpu.memory_space<vmem>> -> memref<64x128xf32, #tpu.memory_space<vmem>>
    %dma_start3A_47 = arith.constant 64 : i32
    %dma_start3A_48 = tpu.memref_slice %arg7[%dma_start3A_43, %dma_start3A_47] : memref<120x128xi32, #tpu.memory_space<vmem>> -> memref<1x64xi32, #tpu.memory_space<vmem>>
    %dma_start3A_49 = tpu.memref_squeeze %dma_start3A_48 : memref<1x64xi32, #tpu.memory_space<vmem>> -> memref<64xi32, #tpu.memory_space<vmem>>
    %dma_start3A_50 = arith.constant 0 : i32
    %dma_start3A_51 = arith.constant 0 : i32
    %dma_start3A_52 = tpu.memref_slice %arg2[%dma_start3A_50, %dma_start3A_51] : memref<10000x128xf32, #tpu.memory_space<hbm>> -> memref<10000x128xf32, #tpu.memory_space<hbm>>
    tpu.enqueue_indirect_dma source(%dma_start3A_52 : memref<10000x128xf32, #tpu.memory_space<hbm>>) target(%dma_start3A_46 : memref<64x128xf32, #tpu.memory_space<vmem>>) offsets(%dma_start3A_49 : memref<64xi32, #tpu.memory_space<vmem>>) semaphore(%arg13 : memref<!tpu.dma_semaphore, #tpu.memory_space<semaphore_mem>>)
    %jit3A_53 = arith.constant 2 : i32
    %div3A = arith.divsi %select_n3A_8, %jit3A_53 : i32
    %sign3A = arith.constant 0 : i32
    %sign3A_54 = arith.cmpi sgt, %select_n3A_8, %sign3A : i32
    %sign3A_55 = arith.extui %sign3A_54 : i1 to i32
    %sign3A_56 = arith.constant 0 : i32
    %sign3A_57 = arith.cmpi slt, %select_n3A_8, %sign3A_56 : i32
    %sign3A_58 = arith.extui %sign3A_57 : i1 to i32
    %sign3A_59 = arith.subi %sign3A_55, %sign3A_58 : i32
    %sign3A_60 = arith.constant 0 : i32
    %sign3A_61 = arith.cmpi sgt, %jit3A_53, %sign3A_60 : i32
    %sign3A_62 = arith.extui %sign3A_61 : i1 to i32
    %sign3A_63 = arith.constant 0 : i32
    %sign3A_64 = arith.cmpi slt, %jit3A_53, %sign3A_63 : i32
    %sign3A_65 = arith.extui %sign3A_64 : i1 to i32
    %sign3A_66 = arith.subi %sign3A_62, %sign3A_65 : i32
    %ne3A = arith.cmpi ne, %sign3A_59, %sign3A_66 : i32
    %rem3A = arith.remsi %select_n3A_8, %jit3A_53 : i32
    %ne3A_67 = arith.constant 0 : i32
    %ne3A_68 = arith.cmpi ne, %rem3A, %ne3A_67 : i32
    %and3A = arith.andi %ne3A, %ne3A_68 : i1
    %sub3A = arith.constant 1 : i32
    %sub3A_69 = arith.subi %div3A, %sub3A : i32
    %select_n3A_70 = arith.select %and3A, %sub3A_69, %div3A : i32
    %sub3A_71 = arith.constant 1 : i32
    %sub3A_72 = arith.subi %select_n3A_70, %sub3A_71 : i32
    %jit3A_73 = arith.constant 2 : i32
    %div3A_74 = arith.divsi %select_n3A_8, %jit3A_73 : i32
    %sign3A_75 = arith.constant 0 : i32
    %sign3A_76 = arith.cmpi sgt, %select_n3A_8, %sign3A_75 : i32
    %sign3A_77 = arith.extui %sign3A_76 : i1 to i32
    %sign3A_78 = arith.constant 0 : i32
    %sign3A_79 = arith.cmpi slt, %select_n3A_8, %sign3A_78 : i32
    %sign3A_80 = arith.extui %sign3A_79 : i1 to i32
    %sign3A_81 = arith.subi %sign3A_77, %sign3A_80 : i32
    %sign3A_82 = arith.constant 0 : i32
    %sign3A_83 = arith.cmpi sgt, %jit3A_73, %sign3A_82 : i32
    %sign3A_84 = arith.extui %sign3A_83 : i1 to i32
    %sign3A_85 = arith.constant 0 : i32
    %sign3A_86 = arith.cmpi slt, %jit3A_73, %sign3A_85 : i32
    %sign3A_87 = arith.extui %sign3A_86 : i1 to i32
    %sign3A_88 = arith.subi %sign3A_84, %sign3A_87 : i32
    %ne3A_89 = arith.cmpi ne, %sign3A_81, %sign3A_88 : i32
    %rem3A_90 = arith.remsi %select_n3A_8, %jit3A_73 : i32
    %ne3A_91 = arith.constant 0 : i32
    %ne3A_92 = arith.cmpi ne, %rem3A_90, %ne3A_91 : i32
    %and3A_93 = arith.andi %ne3A_89, %ne3A_92 : i1
    %sub3A_94 = arith.constant 1 : i32
    %sub3A_95 = arith.subi %div3A_74, %sub3A_94 : i32
    %select_n3A_96 = arith.select %and3A_93, %sub3A_95, %div3A_74 : i32
    %while3A = arith.constant 0 : i32
    %while3A_97 = arith.constant 0 : i32
    %while3A_98 = arith.subi %select_n3A_96, %while3A_97 : i32
    %while3A_99 = arith.addi %while3A_97, %while3A_98 : i32
    %while3A_100 = arith.constant 1 : i32
    %while3A_101 = arith.divsi %while3A_98, %while3A_100 : i32
    %while3A_102 = arith.muli %while3A_101, %while3A_100 : i32
    %while3A_103 = arith.addi %while3A_97, %while3A_102 : i32
    %while3A_104 = arith.constant 1 : i32
    scf.for %while3A_109 = %while3A_97 to %while3A_103 step %while3A_104  : i32 {
      %mul3A_110 = arith.constant 2 : i32
      %mul3A_111 = arith.muli %mul3A_110, %while3A_109 : i32
      %add3A_112 = arith.constant 1 : i32
      %add3A_113 = arith.addi %mul3A_111, %add3A_112 : i32
      %dma_wait3A = arith.constant 0 : i32
      %dma_wait3A_114 = arith.constant 0 : i32
      %dma_wait3A_115 = tpu.memref_slice %arg10[%dma_wait3A, %dma_wait3A_114] : memref<128x128xf32, #tpu.memory_space<vmem>> -> memref<64x128xf32, #tpu.memory_space<vmem>>
      %dma_wait3A_116 = arith.constant 0 : i32
      %dma_wait3A_117 = tpu.memref_slice %arg7[%mul3A_111, %dma_wait3A_116] : memref<120x128xi32, #tpu.memory_space<vmem>> -> memref<1x64xi32, #tpu.memory_space<vmem>>
      %dma_wait3A_118 = tpu.memref_squeeze %dma_wait3A_117 : memref<1x64xi32, #tpu.memory_space<vmem>> -> memref<64xi32, #tpu.memory_space<vmem>>
      %dma_wait3A_119 = arith.constant 0 : i32
      %dma_wait3A_120 = arith.constant 0 : i32
      %dma_wait3A_121 = tpu.memref_slice %arg2[%dma_wait3A_119, %dma_wait3A_120] : memref<10000x128xf32, #tpu.memory_space<hbm>> -> memref<10000x128xf32, #tpu.memory_space<hbm>>
      tpu.wait_indirect_dma semaphore(%arg13 : memref<!tpu.dma_semaphore, #tpu.memory_space<semaphore_mem>>) src(%dma_wait3A_121 : memref<10000x128xf32, #tpu.memory_space<hbm>>) dst(%dma_wait3A_115 : memref<64x128xf32, #tpu.memory_space<vmem>>)
      %dma_wait3A_122 = arith.constant 64 : i32
      %dma_wait3A_123 = arith.constant 0 : i32
      %dma_wait3A_124 = tpu.memref_slice %arg10[%dma_wait3A_122, %dma_wait3A_123] : memref<128x128xf32, #tpu.memory_space<vmem>> -> memref<64x128xf32, #tpu.memory_space<vmem>>
      %dma_wait3A_125 = arith.constant 64 : i32
      %dma_wait3A_126 = tpu.memref_slice %arg7[%mul3A_111, %dma_wait3A_125] : memref<120x128xi32, #tpu.memory_space<vmem>> -> memref<1x64xi32, #tpu.memory_space<vmem>>
      %dma_wait3A_127 = tpu.memref_squeeze %dma_wait3A_126 : memref<1x64xi32, #tpu.memory_space<vmem>> -> memref<64xi32, #tpu.memory_space<vmem>>
      %dma_wait3A_128 = arith.constant 0 : i32
      %dma_wait3A_129 = arith.constant 0 : i32
      %dma_wait3A_130 = tpu.memref_slice %arg2[%dma_wait3A_128, %dma_wait3A_129] : memref<10000x128xf32, #tpu.memory_space<hbm>> -> memref<10000x128xf32, #tpu.memory_space<hbm>>
      tpu.wait_indirect_dma semaphore(%arg13 : memref<!tpu.dma_semaphore, #tpu.memory_space<semaphore_mem>>) src(%dma_wait3A_130 : memref<10000x128xf32, #tpu.memory_space<hbm>>) dst(%dma_wait3A_124 : memref<64x128xf32, #tpu.memory_space<vmem>>)
      %dma_start3A_131 = arith.constant 0 : i32
      %dma_start3A_132 = arith.constant 0 : i32
      %dma_start3A_133 = tpu.memref_slice %arg11[%dma_start3A_131, %dma_start3A_132] : memref<128x128xf32, #tpu.memory_space<vmem>> -> memref<64x128xf32, #tpu.memory_space<vmem>>
      %dma_start3A_134 = arith.constant 0 : i32
      %dma_start3A_135 = tpu.memref_slice %arg7[%add3A_113, %dma_start3A_134] : memref<120x128xi32, #tpu.memory_space<vmem>> -> memref<1x64xi32, #tpu.memory_space<vmem>>
      %dma_start3A_136 = tpu.memref_squeeze %dma_start3A_135 : memref<1x64xi32, #tpu.memory_space<vmem>> -> memref<64xi32, #tpu.memory_space<vmem>>
      %dma_start3A_137 = arith.constant 0 : i32
      %dma_start3A_138 = arith.constant 0 : i32
      %dma_start3A_139 = tpu.memref_slice %arg2[%dma_start3A_137, %dma_start3A_138] : memref<10000x128xf32, #tpu.memory_space<hbm>> -> memref<10000x128xf32, #tpu.memory_space<hbm>>
      tpu.enqueue_indirect_dma source(%dma_start3A_139 : memref<10000x128xf32, #tpu.memory_space<hbm>>) target(%dma_start3A_133 : memref<64x128xf32, #tpu.memory_space<vmem>>) offsets(%dma_start3A_136 : memref<64xi32, #tpu.memory_space<vmem>>) semaphore(%arg14 : memref<!tpu.dma_semaphore, #tpu.memory_space<semaphore_mem>>)
      %dma_start3A_140 = arith.constant 64 : i32
      %dma_start3A_141 = arith.constant 0 : i32
      %dma_start3A_142 = tpu.memref_slice %arg11[%dma_start3A_140, %dma_start3A_141] : memref<128x128xf32, #tpu.memory_space<vmem>> -> memref<64x128xf32, #tpu.memory_space<vmem>>
      %dma_start3A_143 = arith.constant 64 : i32
      %dma_start3A_144 = tpu.memref_slice %arg7[%add3A_113, %dma_start3A_143] : memref<120x128xi32, #tpu.memory_space<vmem>> -> memref<1x64xi32, #tpu.memory_space<vmem>>
      %dma_start3A_145 = tpu.memref_squeeze %dma_start3A_144 : memref<1x64xi32, #tpu.memory_space<vmem>> -> memref<64xi32, #tpu.memory_space<vmem>>
      %dma_start3A_146 = arith.constant 0 : i32
      %dma_start3A_147 = arith.constant 0 : i32
      %dma_start3A_148 = tpu.memref_slice %arg2[%dma_start3A_146, %dma_start3A_147] : memref<10000x128xf32, #tpu.memory_space<hbm>> -> memref<10000x128xf32, #tpu.memory_space<hbm>>
      tpu.enqueue_indirect_dma source(%dma_start3A_148 : memref<10000x128xf32, #tpu.memory_space<hbm>>) target(%dma_start3A_142 : memref<64x128xf32, #tpu.memory_space<vmem>>) offsets(%dma_start3A_145 : memref<64xi32, #tpu.memory_space<vmem>>) semaphore(%arg14 : memref<!tpu.dma_semaphore, #tpu.memory_space<semaphore_mem>>)
      %dma_wait3A_149 = arith.constant 0 : i32
      %dma_wait3A_150 = arith.constant 0 : i32
      %dma_wait3A_151 = tpu.memref_slice %arg4[%add3A, %dma_wait3A_149, %dma_wait3A_150] : memref<2560x1x128xi32, #tpu.memory_space<hbm>> -> memref<1x1x128xi32, #tpu.memory_space<hbm>>
      %dma_wait3A_152 = tpu.memref_squeeze %dma_wait3A_151 : memref<1x1x128xi32, #tpu.memory_space<hbm>> -> memref<1x128xi32, #tpu.memory_space<hbm>>
      %dma_wait3A_153 = arith.constant 0 : i32
      %dma_wait3A_154 = arith.constant 0 : i32
      %dma_wait3A_155 = tpu.memref_slice %arg4[%add3A, %dma_wait3A_153, %dma_wait3A_154] : memref<2560x1x128xi32, #tpu.memory_space<hbm>> -> memref<1x1x128xi32, #tpu.memory_space<hbm>>
      %dma_wait3A_156 = tpu.memref_squeeze %dma_wait3A_155 : memref<1x1x128xi32, #tpu.memory_space<hbm>> -> memref<1x128xi32, #tpu.memory_space<hbm>>
      tpu.wait_dma2 semaphore(%arg15 : memref<!tpu.dma_semaphore, #tpu.memory_space<semaphore_mem>>) src(%dma_wait3A_156 : memref<1x128xi32, #tpu.memory_space<hbm>>) dst(%arg8 : memref<1x128xi32, #tpu.memory_space<vmem>>)
      %run_scoped3A = arith.constant 0 : i32
      "tpu.region"() ({
        %run_scoped3A_197 = tpu.sem_alloc : memref<!tpu.dma_semaphore, #tpu.memory_space<semaphore_mem>>
        %dma_start3A_198 = arith.constant 0 : i32
        %dma_start3A_199 = tpu.memref_slice %arg8[%run_scoped3A, %dma_start3A_198] : memref<1x128xi32, #tpu.memory_space<vmem>> -> memref<1x128xi32, #tpu.memory_space<vmem>>
        %dma_start3A_200 = tpu.memref_squeeze %dma_start3A_199 : memref<1x128xi32, #tpu.memory_space<vmem>> -> memref<128xi32, #tpu.memory_space<vmem>>
        %dma_start3A_201 = arith.constant 0 : i32
        %dma_start3A_202 = arith.constant 0 : i32
        %dma_start3A_203 = tpu.memref_slice %arg12[%dma_start3A_201, %dma_start3A_202] : memref<10112x128xf32, #tpu.memory_space<vmem_shared>> -> memref<10112x128xf32, #tpu.memory_space<vmem_shared>>
        tpu.enqueue_indirect_dma source(%arg10 : memref<128x128xf32, #tpu.memory_space<vmem>>) target(%dma_start3A_203 : memref<10112x128xf32, #tpu.memory_space<vmem_shared>>) offsets(%dma_start3A_200 : memref<128xi32, #tpu.memory_space<vmem>>) semaphore(%run_scoped3A_197 : memref<!tpu.dma_semaphore, #tpu.memory_space<semaphore_mem>>) {add = true}
        %dma_wait3A_204 = arith.constant 0 : i32
        %dma_wait3A_205 = tpu.memref_slice %arg8[%run_scoped3A, %dma_wait3A_204] : memref<1x128xi32, #tpu.memory_space<vmem>> -> memref<1x128xi32, #tpu.memory_space<vmem>>
        %dma_wait3A_206 = tpu.memref_squeeze %dma_wait3A_205 : memref<1x128xi32, #tpu.memory_space<vmem>> -> memref<128xi32, #tpu.memory_space<vmem>>
        %dma_wait3A_207 = arith.constant 0 : i32
        %dma_wait3A_208 = arith.constant 0 : i32
        %dma_wait3A_209 = tpu.memref_slice %arg12[%dma_wait3A_207, %dma_wait3A_208] : memref<10112x128xf32, #tpu.memory_space<vmem_shared>> -> memref<10112x128xf32, #tpu.memory_space<vmem_shared>>
        tpu.wait_indirect_dma semaphore(%run_scoped3A_197 : memref<!tpu.dma_semaphore, #tpu.memory_space<semaphore_mem>>) src(%arg10 : memref<128x128xf32, #tpu.memory_space<vmem>>) dst(%dma_wait3A_209 : memref<10112x128xf32, #tpu.memory_space<vmem_shared>>)
        tpu.yield
      }) : () -> ()
      %lt3A = arith.cmpi slt, %while3A_109, %sub3A_72 : i32
      %convert_element_type3A_157 = arith.extui %lt3A : i1 to i32
      %cond3A_158 = arith.constant 0 : i32
      %cond3A_159 = arith.cmpi ne, %convert_element_type3A_157, %cond3A_158 : i32
      scf.if %cond3A_159 {
        %add3A_197 = arith.addi %add3A, %mul3A_111 : i32
        %add3A_198 = arith.constant 2 : i32
        %add3A_199 = arith.addi %add3A_197, %add3A_198 : i32
        %dma_start3A_200 = arith.constant 0 : i32
        %dma_start3A_201 = arith.constant 0 : i32
        %dma_start3A_202 = tpu.memref_slice %arg4[%add3A_199, %dma_start3A_200, %dma_start3A_201] : memref<2560x1x128xi32, #tpu.memory_space<hbm>> -> memref<1x1x128xi32, #tpu.memory_space<hbm>>
        %dma_start3A_203 = tpu.memref_squeeze %dma_start3A_202 : memref<1x1x128xi32, #tpu.memory_space<hbm>> -> memref<1x128xi32, #tpu.memory_space<hbm>>
        %dma_start3A_204 = arith.constant 0 : i32
        %dma_start3A_205 = arith.constant 0 : i32
        %dma_start3A_206 = tpu.memref_slice %arg4[%add3A_199, %dma_start3A_204, %dma_start3A_205] : memref<2560x1x128xi32, #tpu.memory_space<hbm>> -> memref<1x1x128xi32, #tpu.memory_space<hbm>>
        %dma_start3A_207 = tpu.memref_squeeze %dma_start3A_206 : memref<1x1x128xi32, #tpu.memory_space<hbm>> -> memref<1x128xi32, #tpu.memory_space<hbm>>
        tpu.enqueue_dma source(%dma_start3A_207 : memref<1x128xi32, #tpu.memory_space<hbm>>) target(%arg8 : memref<1x128xi32, #tpu.memory_space<vmem>>) target_semaphore(%arg15 : memref<!tpu.dma_semaphore, #tpu.memory_space<semaphore_mem>>)
      } else {
      }
      %dma_wait3A_160 = arith.constant 0 : i32
      %dma_wait3A_161 = arith.constant 0 : i32
      %dma_wait3A_162 = tpu.memref_slice %arg11[%dma_wait3A_160, %dma_wait3A_161] : memref<128x128xf32, #tpu.memory_space<vmem>> -> memref<64x128xf32, #tpu.memory_space<vmem>>
      %dma_wait3A_163 = arith.constant 0 : i32
      %dma_wait3A_164 = tpu.memref_slice %arg7[%add3A_113, %dma_wait3A_163] : memref<120x128xi32, #tpu.memory_space<vmem>> -> memref<1x64xi32, #tpu.memory_space<vmem>>
      %dma_wait3A_165 = tpu.memref_squeeze %dma_wait3A_164 : memref<1x64xi32, #tpu.memory_space<vmem>> -> memref<64xi32, #tpu.memory_space<vmem>>
      %dma_wait3A_166 = arith.constant 0 : i32
      %dma_wait3A_167 = arith.constant 0 : i32
      %dma_wait3A_168 = tpu.memref_slice %arg2[%dma_wait3A_166, %dma_wait3A_167] : memref<10000x128xf32, #tpu.memory_space<hbm>> -> memref<10000x128xf32, #tpu.memory_space<hbm>>
      tpu.wait_indirect_dma semaphore(%arg14 : memref<!tpu.dma_semaphore, #tpu.memory_space<semaphore_mem>>) src(%dma_wait3A_168 : memref<10000x128xf32, #tpu.memory_space<hbm>>) dst(%dma_wait3A_162 : memref<64x128xf32, #tpu.memory_space<vmem>>)
      %dma_wait3A_169 = arith.constant 64 : i32
      %dma_wait3A_170 = arith.constant 0 : i32
      %dma_wait3A_171 = tpu.memref_slice %arg11[%dma_wait3A_169, %dma_wait3A_170] : memref<128x128xf32, #tpu.memory_space<vmem>> -> memref<64x128xf32, #tpu.memory_space<vmem>>
      %dma_wait3A_172 = arith.constant 64 : i32
      %dma_wait3A_173 = tpu.memref_slice %arg7[%add3A_113, %dma_wait3A_172] : memref<120x128xi32, #tpu.memory_space<vmem>> -> memref<1x64xi32, #tpu.memory_space<vmem>>
      %dma_wait3A_174 = tpu.memref_squeeze %dma_wait3A_173 : memref<1x64xi32, #tpu.memory_space<vmem>> -> memref<64xi32, #tpu.memory_space<vmem>>
      %dma_wait3A_175 = arith.constant 0 : i32
      %dma_wait3A_176 = arith.constant 0 : i32
      %dma_wait3A_177 = tpu.memref_slice %arg2[%dma_wait3A_175, %dma_wait3A_176] : memref<10000x128xf32, #tpu.memory_space<hbm>> -> memref<10000x128xf32, #tpu.memory_space<hbm>>
      tpu.wait_indirect_dma semaphore(%arg14 : memref<!tpu.dma_semaphore, #tpu.memory_space<semaphore_mem>>) src(%dma_wait3A_177 : memref<10000x128xf32, #tpu.memory_space<hbm>>) dst(%dma_wait3A_171 : memref<64x128xf32, #tpu.memory_space<vmem>>)
      %lt3A_178 = arith.cmpi slt, %while3A_109, %sub3A_72 : i32
      %convert_element_type3A_179 = arith.extui %lt3A_178 : i1 to i32
      %cond3A_180 = arith.constant 0 : i32
      %cond3A_181 = arith.cmpi ne, %convert_element_type3A_179, %cond3A_180 : i32
      scf.if %cond3A_181 {
        %add3A_197 = arith.constant 2 : i32
        %add3A_198 = arith.addi %mul3A_111, %add3A_197 : i32
        %dma_start3A_199 = arith.constant 0 : i32
        %dma_start3A_200 = arith.constant 0 : i32
        %dma_start3A_201 = tpu.memref_slice %arg10[%dma_start3A_199, %dma_start3A_200] : memref<128x128xf32, #tpu.memory_space<vmem>> -> memref<64x128xf32, #tpu.memory_space<vmem>>
        %dma_start3A_202 = arith.constant 0 : i32
        %dma_start3A_203 = tpu.memref_slice %arg7[%add3A_198, %dma_start3A_202] : memref<120x128xi32, #tpu.memory_space<vmem>> -> memref<1x64xi32, #tpu.memory_space<vmem>>
        %dma_start3A_204 = tpu.memref_squeeze %dma_start3A_203 : memref<1x64xi32, #tpu.memory_space<vmem>> -> memref<64xi32, #tpu.memory_space<vmem>>
        %dma_start3A_205 = arith.constant 0 : i32
        %dma_start3A_206 = arith.constant 0 : i32
        %dma_start3A_207 = tpu.memref_slice %arg2[%dma_start3A_205, %dma_start3A_206] : memref<10000x128xf32, #tpu.memory_space<hbm>> -> memref<10000x128xf32, #tpu.memory_space<hbm>>
        tpu.enqueue_indirect_dma source(%dma_start3A_207 : memref<10000x128xf32, #tpu.memory_space<hbm>>) target(%dma_start3A_201 : memref<64x128xf32, #tpu.memory_space<vmem>>) offsets(%dma_start3A_204 : memref<64xi32, #tpu.memory_space<vmem>>) semaphore(%arg13 : memref<!tpu.dma_semaphore, #tpu.memory_space<semaphore_mem>>)
        %dma_start3A_208 = arith.constant 64 : i32
        %dma_start3A_209 = arith.constant 0 : i32
        %dma_start3A_210 = tpu.memref_slice %arg10[%dma_start3A_208, %dma_start3A_209] : memref<128x128xf32, #tpu.memory_space<vmem>> -> memref<64x128xf32, #tpu.memory_space<vmem>>
        %dma_start3A_211 = arith.constant 64 : i32
        %dma_start3A_212 = tpu.memref_slice %arg7[%add3A_198, %dma_start3A_211] : memref<120x128xi32, #tpu.memory_space<vmem>> -> memref<1x64xi32, #tpu.memory_space<vmem>>
        %dma_start3A_213 = tpu.memref_squeeze %dma_start3A_212 : memref<1x64xi32, #tpu.memory_space<vmem>> -> memref<64xi32, #tpu.memory_space<vmem>>
        %dma_start3A_214 = arith.constant 0 : i32
        %dma_start3A_215 = arith.constant 0 : i32
        %dma_start3A_216 = tpu.memref_slice %arg2[%dma_start3A_214, %dma_start3A_215] : memref<10000x128xf32, #tpu.memory_space<hbm>> -> memref<10000x128xf32, #tpu.memory_space<hbm>>
        tpu.enqueue_indirect_dma source(%dma_start3A_216 : memref<10000x128xf32, #tpu.memory_space<hbm>>) target(%dma_start3A_210 : memref<64x128xf32, #tpu.memory_space<vmem>>) offsets(%dma_start3A_213 : memref<64xi32, #tpu.memory_space<vmem>>) semaphore(%arg13 : memref<!tpu.dma_semaphore, #tpu.memory_space<semaphore_mem>>)
      } else {
      }
      %add3A_182 = arith.constant 1 : i32
      %add3A_183 = arith.addi %add3A, %add3A_182 : i32
      %dma_wait3A_184 = arith.constant 0 : i32
      %dma_wait3A_185 = arith.constant 0 : i32
      %dma_wait3A_186 = tpu.memref_slice %arg4[%add3A_183, %dma_wait3A_184, %dma_wait3A_185] : memref<2560x1x128xi32, #tpu.memory_space<hbm>> -> memref<1x1x128xi32, #tpu.memory_space<hbm>>
      %dma_wait3A_187 = tpu.memref_squeeze %dma_wait3A_186 : memref<1x1x128xi32, #tpu.memory_space<hbm>> -> memref<1x128xi32, #tpu.memory_space<hbm>>
      %dma_wait3A_188 = arith.constant 0 : i32
      %dma_wait3A_189 = arith.constant 0 : i32
      %dma_wait3A_190 = tpu.memref_slice %arg4[%add3A_183, %dma_wait3A_188, %dma_wait3A_189] : memref<2560x1x128xi32, #tpu.memory_space<hbm>> -> memref<1x1x128xi32, #tpu.memory_space<hbm>>
      %dma_wait3A_191 = tpu.memref_squeeze %dma_wait3A_190 : memref<1x1x128xi32, #tpu.memory_space<hbm>> -> memref<1x128xi32, #tpu.memory_space<hbm>>
      tpu.wait_dma2 semaphore(%arg16 : memref<!tpu.dma_semaphore, #tpu.memory_space<semaphore_mem>>) src(%dma_wait3A_191 : memref<1x128xi32, #tpu.memory_space<hbm>>) dst(%arg9 : memref<1x128xi32, #tpu.memory_space<vmem>>)
      %run_scoped3A_192 = arith.constant 0 : i32
      "tpu.region"() ({
        %run_scoped3A_197 = tpu.sem_alloc : memref<!tpu.dma_semaphore, #tpu.memory_space<semaphore_mem>>
        %dma_start3A_198 = arith.constant 0 : i32
        %dma_start3A_199 = tpu.memref_slice %arg9[%run_scoped3A_192, %dma_start3A_198] : memref<1x128xi32, #tpu.memory_space<vmem>> -> memref<1x128xi32, #tpu.memory_space<vmem>>
        %dma_start3A_200 = tpu.memref_squeeze %dma_start3A_199 : memref<1x128xi32, #tpu.memory_space<vmem>> -> memref<128xi32, #tpu.memory_space<vmem>>
        %dma_start3A_201 = arith.constant 0 : i32
        %dma_start3A_202 = arith.constant 0 : i32
        %dma_start3A_203 = tpu.memref_slice %arg12[%dma_start3A_201, %dma_start3A_202] : memref<10112x128xf32, #tpu.memory_space<vmem_shared>> -> memref<10112x128xf32, #tpu.memory_space<vmem_shared>>
        tpu.enqueue_indirect_dma source(%arg11 : memref<128x128xf32, #tpu.memory_space<vmem>>) target(%dma_start3A_203 : memref<10112x128xf32, #tpu.memory_space<vmem_shared>>) offsets(%dma_start3A_200 : memref<128xi32, #tpu.memory_space<vmem>>) semaphore(%run_scoped3A_197 : memref<!tpu.dma_semaphore, #tpu.memory_space<semaphore_mem>>) {add = true}
        %dma_wait3A_204 = arith.constant 0 : i32
        %dma_wait3A_205 = tpu.memref_slice %arg9[%run_scoped3A_192, %dma_wait3A_204] : memref<1x128xi32, #tpu.memory_space<vmem>> -> memref<1x128xi32, #tpu.memory_space<vmem>>
        %dma_wait3A_206 = tpu.memref_squeeze %dma_wait3A_205 : memref<1x128xi32, #tpu.memory_space<vmem>> -> memref<128xi32, #tpu.memory_space<vmem>>
        %dma_wait3A_207 = arith.constant 0 : i32
        %dma_wait3A_208 = arith.constant 0 : i32
        %dma_wait3A_209 = tpu.memref_slice %arg12[%dma_wait3A_207, %dma_wait3A_208] : memref<10112x128xf32, #tpu.memory_space<vmem_shared>> -> memref<10112x128xf32, #tpu.memory_space<vmem_shared>>
        tpu.wait_indirect_dma semaphore(%run_scoped3A_197 : memref<!tpu.dma_semaphore, #tpu.memory_space<semaphore_mem>>) src(%arg11 : memref<128x128xf32, #tpu.memory_space<vmem>>) dst(%dma_wait3A_209 : memref<10112x128xf32, #tpu.memory_space<vmem_shared>>)
        tpu.yield
      }) : () -> ()
      %lt3A_193 = arith.cmpi slt, %while3A_109, %sub3A_72 : i32
      %convert_element_type3A_194 = arith.extui %lt3A_193 : i1 to i32
      %cond3A_195 = arith.constant 0 : i32
      %cond3A_196 = arith.cmpi ne, %convert_element_type3A_194, %cond3A_195 : i32
      scf.if %cond3A_196 {
        %add3A_197 = arith.addi %add3A, %add3A_113 : i32
        %add3A_198 = arith.constant 2 : i32
        %add3A_199 = arith.addi %add3A_197, %add3A_198 : i32
        %dma_start3A_200 = arith.constant 0 : i32
        %dma_start3A_201 = arith.constant 0 : i32
        %dma_start3A_202 = tpu.memref_slice %arg4[%add3A_199, %dma_start3A_200, %dma_start3A_201] : memref<2560x1x128xi32, #tpu.memory_space<hbm>> -> memref<1x1x128xi32, #tpu.memory_space<hbm>>
        %dma_start3A_203 = tpu.memref_squeeze %dma_start3A_202 : memref<1x1x128xi32, #tpu.memory_space<hbm>> -> memref<1x128xi32, #tpu.memory_space<hbm>>
        %dma_start3A_204 = arith.constant 0 : i32
        %dma_start3A_205 = arith.constant 0 : i32
        %dma_start3A_206 = tpu.memref_slice %arg4[%add3A_199, %dma_start3A_204, %dma_start3A_205] : memref<2560x1x128xi32, #tpu.memory_space<hbm>> -> memref<1x1x128xi32, #tpu.memory_space<hbm>>
        %dma_start3A_207 = tpu.memref_squeeze %dma_start3A_206 : memref<1x1x128xi32, #tpu.memory_space<hbm>> -> memref<1x128xi32, #tpu.memory_space<hbm>>
        tpu.enqueue_dma source(%dma_start3A_207 : memref<1x128xi32, #tpu.memory_space<hbm>>) target(%arg9 : memref<1x128xi32, #tpu.memory_space<vmem>>) target_semaphore(%arg16 : memref<!tpu.dma_semaphore, #tpu.memory_space<semaphore_mem>>)
      } else {
      }
    }
    %while3A_105 = arith.constant 1 : i32
    scf.for %while3A_109 = %while3A_103 to %while3A_99 step %while3A_105  : i32 {
      %mul3A_110 = arith.constant 2 : i32
      %mul3A_111 = arith.muli %mul3A_110, %while3A_109 : i32
      %add3A_112 = arith.constant 1 : i32
      %add3A_113 = arith.addi %mul3A_111, %add3A_112 : i32
      %dma_wait3A = arith.constant 0 : i32
      %dma_wait3A_114 = arith.constant 0 : i32
      %dma_wait3A_115 = tpu.memref_slice %arg10[%dma_wait3A, %dma_wait3A_114] : memref<128x128xf32, #tpu.memory_space<vmem>> -> memref<64x128xf32, #tpu.memory_space<vmem>>
      %dma_wait3A_116 = arith.constant 0 : i32
      %dma_wait3A_117 = tpu.memref_slice %arg7[%mul3A_111, %dma_wait3A_116] : memref<120x128xi32, #tpu.memory_space<vmem>> -> memref<1x64xi32, #tpu.memory_space<vmem>>
      %dma_wait3A_118 = tpu.memref_squeeze %dma_wait3A_117 : memref<1x64xi32, #tpu.memory_space<vmem>> -> memref<64xi32, #tpu.memory_space<vmem>>
      %dma_wait3A_119 = arith.constant 0 : i32
      %dma_wait3A_120 = arith.constant 0 : i32
      %dma_wait3A_121 = tpu.memref_slice %arg2[%dma_wait3A_119, %dma_wait3A_120] : memref<10000x128xf32, #tpu.memory_space<hbm>> -> memref<10000x128xf32, #tpu.memory_space<hbm>>
      tpu.wait_indirect_dma semaphore(%arg13 : memref<!tpu.dma_semaphore, #tpu.memory_space<semaphore_mem>>) src(%dma_wait3A_121 : memref<10000x128xf32, #tpu.memory_space<hbm>>) dst(%dma_wait3A_115 : memref<64x128xf32, #tpu.memory_space<vmem>>)
      %dma_wait3A_122 = arith.constant 64 : i32
      %dma_wait3A_123 = arith.constant 0 : i32
      %dma_wait3A_124 = tpu.memref_slice %arg10[%dma_wait3A_122, %dma_wait3A_123] : memref<128x128xf32, #tpu.memory_space<vmem>> -> memref<64x128xf32, #tpu.memory_space<vmem>>
      %dma_wait3A_125 = arith.constant 64 : i32
      %dma_wait3A_126 = tpu.memref_slice %arg7[%mul3A_111, %dma_wait3A_125] : memref<120x128xi32, #tpu.memory_space<vmem>> -> memref<1x64xi32, #tpu.memory_space<vmem>>
      %dma_wait3A_127 = tpu.memref_squeeze %dma_wait3A_126 : memref<1x64xi32, #tpu.memory_space<vmem>> -> memref<64xi32, #tpu.memory_space<vmem>>
      %dma_wait3A_128 = arith.constant 0 : i32
      %dma_wait3A_129 = arith.constant 0 : i32
      %dma_wait3A_130 = tpu.memref_slice %arg2[%dma_wait3A_128, %dma_wait3A_129] : memref<10000x128xf32, #tpu.memory_space<hbm>> -> memref<10000x128xf32, #tpu.memory_space<hbm>>
      tpu.wait_indirect_dma semaphore(%arg13 : memref<!tpu.dma_semaphore, #tpu.memory_space<semaphore_mem>>) src(%dma_wait3A_130 : memref<10000x128xf32, #tpu.memory_space<hbm>>) dst(%dma_wait3A_124 : memref<64x128xf32, #tpu.memory_space<vmem>>)
      %dma_start3A_131 = arith.constant 0 : i32
      %dma_start3A_132 = arith.constant 0 : i32
      %dma_start3A_133 = tpu.memref_slice %arg11[%dma_start3A_131, %dma_start3A_132] : memref<128x128xf32, #tpu.memory_space<vmem>> -> memref<64x128xf32, #tpu.memory_space<vmem>>
      %dma_start3A_134 = arith.constant 0 : i32
      %dma_start3A_135 = tpu.memref_slice %arg7[%add3A_113, %dma_start3A_134] : memref<120x128xi32, #tpu.memory_space<vmem>> -> memref<1x64xi32, #tpu.memory_space<vmem>>
      %dma_start3A_136 = tpu.memref_squeeze %dma_start3A_135 : memref<1x64xi32, #tpu.memory_space<vmem>> -> memref<64xi32, #tpu.memory_space<vmem>>
      %dma_start3A_137 = arith.constant 0 : i32
      %dma_start3A_138 = arith.constant 0 : i32
      %dma_start3A_139 = tpu.memref_slice %arg2[%dma_start3A_137, %dma_start3A_138] : memref<10000x128xf32, #tpu.memory_space<hbm>> -> memref<10000x128xf32, #tpu.memory_space<hbm>>
      tpu.enqueue_indirect_dma source(%dma_start3A_139 : memref<10000x128xf32, #tpu.memory_space<hbm>>) target(%dma_start3A_133 : memref<64x128xf32, #tpu.memory_space<vmem>>) offsets(%dma_start3A_136 : memref<64xi32, #tpu.memory_space<vmem>>) semaphore(%arg14 : memref<!tpu.dma_semaphore, #tpu.memory_space<semaphore_mem>>)
      %dma_start3A_140 = arith.constant 64 : i32
      %dma_start3A_141 = arith.constant 0 : i32
      %dma_start3A_142 = tpu.memref_slice %arg11[%dma_start3A_140, %dma_start3A_141] : memref<128x128xf32, #tpu.memory_space<vmem>> -> memref<64x128xf32, #tpu.memory_space<vmem>>
      %dma_start3A_143 = arith.constant 64 : i32
      %dma_start3A_144 = tpu.memref_slice %arg7[%add3A_113, %dma_start3A_143] : memref<120x128xi32, #tpu.memory_space<vmem>> -> memref<1x64xi32, #tpu.memory_space<vmem>>
      %dma_start3A_145 = tpu.memref_squeeze %dma_start3A_144 : memref<1x64xi32, #tpu.memory_space<vmem>> -> memref<64xi32, #tpu.memory_space<vmem>>
      %dma_start3A_146 = arith.constant 0 : i32
      %dma_start3A_147 = arith.constant 0 : i32
      %dma_start3A_148 = tpu.memref_slice %arg2[%dma_start3A_146, %dma_start3A_147] : memref<10000x128xf32, #tpu.memory_space<hbm>> -> memref<10000x128xf32, #tpu.memory_space<hbm>>
      tpu.enqueue_indirect_dma source(%dma_start3A_148 : memref<10000x128xf32, #tpu.memory_space<hbm>>) target(%dma_start3A_142 : memref<64x128xf32, #tpu.memory_space<vmem>>) offsets(%dma_start3A_145 : memref<64xi32, #tpu.memory_space<vmem>>) semaphore(%arg14 : memref<!tpu.dma_semaphore, #tpu.memory_space<semaphore_mem>>)
      %dma_wait3A_149 = arith.constant 0 : i32
      %dma_wait3A_150 = arith.constant 0 : i32
      %dma_wait3A_151 = tpu.memref_slice %arg4[%add3A, %dma_wait3A_149, %dma_wait3A_150] : memref<2560x1x128xi32, #tpu.memory_space<hbm>> -> memref<1x1x128xi32, #tpu.memory_space<hbm>>
      %dma_wait3A_152 = tpu.memref_squeeze %dma_wait3A_151 : memref<1x1x128xi32, #tpu.memory_space<hbm>> -> memref<1x128xi32, #tpu.memory_space<hbm>>
      %dma_wait3A_153 = arith.constant 0 : i32
      %dma_wait3A_154 = arith.constant 0 : i32
      %dma_wait3A_155 = tpu.memref_slice %arg4[%add3A, %dma_wait3A_153, %dma_wait3A_154] : memref<2560x1x128xi32, #tpu.memory_space<hbm>> -> memref<1x1x128xi32, #tpu.memory_space<hbm>>
      %dma_wait3A_156 = tpu.memref_squeeze %dma_wait3A_155 : memref<1x1x128xi32, #tpu.memory_space<hbm>> -> memref<1x128xi32, #tpu.memory_space<hbm>>
      tpu.wait_dma2 semaphore(%arg15 : memref<!tpu.dma_semaphore, #tpu.memory_space<semaphore_mem>>) src(%dma_wait3A_156 : memref<1x128xi32, #tpu.memory_space<hbm>>) dst(%arg8 : memref<1x128xi32, #tpu.memory_space<vmem>>)
      %run_scoped3A = arith.constant 0 : i32
      "tpu.region"() ({
        %run_scoped3A_197 = tpu.sem_alloc : memref<!tpu.dma_semaphore, #tpu.memory_space<semaphore_mem>>
        %dma_start3A_198 = arith.constant 0 : i32
        %dma_start3A_199 = tpu.memref_slice %arg8[%run_scoped3A, %dma_start3A_198] : memref<1x128xi32, #tpu.memory_space<vmem>> -> memref<1x128xi32, #tpu.memory_space<vmem>>
        %dma_start3A_200 = tpu.memref_squeeze %dma_start3A_199 : memref<1x128xi32, #tpu.memory_space<vmem>> -> memref<128xi32, #tpu.memory_space<vmem>>
        %dma_start3A_201 = arith.constant 0 : i32
        %dma_start3A_202 = arith.constant 0 : i32
        %dma_start3A_203 = tpu.memref_slice %arg12[%dma_start3A_201, %dma_start3A_202] : memref<10112x128xf32, #tpu.memory_space<vmem_shared>> -> memref<10112x128xf32, #tpu.memory_space<vmem_shared>>
        tpu.enqueue_indirect_dma source(%arg10 : memref<128x128xf32, #tpu.memory_space<vmem>>) target(%dma_start3A_203 : memref<10112x128xf32, #tpu.memory_space<vmem_shared>>) offsets(%dma_start3A_200 : memref<128xi32, #tpu.memory_space<vmem>>) semaphore(%run_scoped3A_197 : memref<!tpu.dma_semaphore, #tpu.memory_space<semaphore_mem>>) {add = true}
        %dma_wait3A_204 = arith.constant 0 : i32
        %dma_wait3A_205 = tpu.memref_slice %arg8[%run_scoped3A, %dma_wait3A_204] : memref<1x128xi32, #tpu.memory_space<vmem>> -> memref<1x128xi32, #tpu.memory_space<vmem>>
        %dma_wait3A_206 = tpu.memref_squeeze %dma_wait3A_205 : memref<1x128xi32, #tpu.memory_space<vmem>> -> memref<128xi32, #tpu.memory_space<vmem>>
        %dma_wait3A_207 = arith.constant 0 : i32
        %dma_wait3A_208 = arith.constant 0 : i32
        %dma_wait3A_209 = tpu.memref_slice %arg12[%dma_wait3A_207, %dma_wait3A_208] : memref<10112x128xf32, #tpu.memory_space<vmem_shared>> -> memref<10112x128xf32, #tpu.memory_space<vmem_shared>>
        tpu.wait_indirect_dma semaphore(%run_scoped3A_197 : memref<!tpu.dma_semaphore, #tpu.memory_space<semaphore_mem>>) src(%arg10 : memref<128x128xf32, #tpu.memory_space<vmem>>) dst(%dma_wait3A_209 : memref<10112x128xf32, #tpu.memory_space<vmem_shared>>)
        tpu.yield
      }) : () -> ()
      %lt3A = arith.cmpi slt, %while3A_109, %sub3A_72 : i32
      %convert_element_type3A_157 = arith.extui %lt3A : i1 to i32
      %cond3A_158 = arith.constant 0 : i32
      %cond3A_159 = arith.cmpi ne, %convert_element_type3A_157, %cond3A_158 : i32
      scf.if %cond3A_159 {
        %add3A_197 = arith.addi %add3A, %mul3A_111 : i32
        %add3A_198 = arith.constant 2 : i32
        %add3A_199 = arith.addi %add3A_197, %add3A_198 : i32
        %dma_start3A_200 = arith.constant 0 : i32
        %dma_start3A_201 = arith.constant 0 : i32
        %dma_start3A_202 = tpu.memref_slice %arg4[%add3A_199, %dma_start3A_200, %dma_start3A_201] : memref<2560x1x128xi32, #tpu.memory_space<hbm>> -> memref<1x1x128xi32, #tpu.memory_space<hbm>>
        %dma_start3A_203 = tpu.memref_squeeze %dma_start3A_202 : memref<1x1x128xi32, #tpu.memory_space<hbm>> -> memref<1x128xi32, #tpu.memory_space<hbm>>
        %dma_start3A_204 = arith.constant 0 : i32
        %dma_start3A_205 = arith.constant 0 : i32
        %dma_start3A_206 = tpu.memref_slice %arg4[%add3A_199, %dma_start3A_204, %dma_start3A_205] : memref<2560x1x128xi32, #tpu.memory_space<hbm>> -> memref<1x1x128xi32, #tpu.memory_space<hbm>>
        %dma_start3A_207 = tpu.memref_squeeze %dma_start3A_206 : memref<1x1x128xi32, #tpu.memory_space<hbm>> -> memref<1x128xi32, #tpu.memory_space<hbm>>
        tpu.enqueue_dma source(%dma_start3A_207 : memref<1x128xi32, #tpu.memory_space<hbm>>) target(%arg8 : memref<1x128xi32, #tpu.memory_space<vmem>>) target_semaphore(%arg15 : memref<!tpu.dma_semaphore, #tpu.memory_space<semaphore_mem>>)
      } else {
      }
      %dma_wait3A_160 = arith.constant 0 : i32
      %dma_wait3A_161 = arith.constant 0 : i32
      %dma_wait3A_162 = tpu.memref_slice %arg11[%dma_wait3A_160, %dma_wait3A_161] : memref<128x128xf32, #tpu.memory_space<vmem>> -> memref<64x128xf32, #tpu.memory_space<vmem>>
      %dma_wait3A_163 = arith.constant 0 : i32
      %dma_wait3A_164 = tpu.memref_slice %arg7[%add3A_113, %dma_wait3A_163] : memref<120x128xi32, #tpu.memory_space<vmem>> -> memref<1x64xi32, #tpu.memory_space<vmem>>
      %dma_wait3A_165 = tpu.memref_squeeze %dma_wait3A_164 : memref<1x64xi32, #tpu.memory_space<vmem>> -> memref<64xi32, #tpu.memory_space<vmem>>
      %dma_wait3A_166 = arith.constant 0 : i32
      %dma_wait3A_167 = arith.constant 0 : i32
      %dma_wait3A_168 = tpu.memref_slice %arg2[%dma_wait3A_166, %dma_wait3A_167] : memref<10000x128xf32, #tpu.memory_space<hbm>> -> memref<10000x128xf32, #tpu.memory_space<hbm>>
      tpu.wait_indirect_dma semaphore(%arg14 : memref<!tpu.dma_semaphore, #tpu.memory_space<semaphore_mem>>) src(%dma_wait3A_168 : memref<10000x128xf32, #tpu.memory_space<hbm>>) dst(%dma_wait3A_162 : memref<64x128xf32, #tpu.memory_space<vmem>>)
      %dma_wait3A_169 = arith.constant 64 : i32
      %dma_wait3A_170 = arith.constant 0 : i32
      %dma_wait3A_171 = tpu.memref_slice %arg11[%dma_wait3A_169, %dma_wait3A_170] : memref<128x128xf32, #tpu.memory_space<vmem>> -> memref<64x128xf32, #tpu.memory_space<vmem>>
      %dma_wait3A_172 = arith.constant 64 : i32
      %dma_wait3A_173 = tpu.memref_slice %arg7[%add3A_113, %dma_wait3A_172] : memref<120x128xi32, #tpu.memory_space<vmem>> -> memref<1x64xi32, #tpu.memory_space<vmem>>
      %dma_wait3A_174 = tpu.memref_squeeze %dma_wait3A_173 : memref<1x64xi32, #tpu.memory_space<vmem>> -> memref<64xi32, #tpu.memory_space<vmem>>
      %dma_wait3A_175 = arith.constant 0 : i32
      %dma_wait3A_176 = arith.constant 0 : i32
      %dma_wait3A_177 = tpu.memref_slice %arg2[%dma_wait3A_175, %dma_wait3A_176] : memref<10000x128xf32, #tpu.memory_space<hbm>> -> memref<10000x128xf32, #tpu.memory_space<hbm>>
      tpu.wait_indirect_dma semaphore(%arg14 : memref<!tpu.dma_semaphore, #tpu.memory_space<semaphore_mem>>) src(%dma_wait3A_177 : memref<10000x128xf32, #tpu.memory_space<hbm>>) dst(%dma_wait3A_171 : memref<64x128xf32, #tpu.memory_space<vmem>>)
      %lt3A_178 = arith.cmpi slt, %while3A_109, %sub3A_72 : i32
      %convert_element_type3A_179 = arith.extui %lt3A_178 : i1 to i32
      %cond3A_180 = arith.constant 0 : i32
      %cond3A_181 = arith.cmpi ne, %convert_element_type3A_179, %cond3A_180 : i32
      scf.if %cond3A_181 {
        %add3A_197 = arith.constant 2 : i32
        %add3A_198 = arith.addi %mul3A_111, %add3A_197 : i32
        %dma_start3A_199 = arith.constant 0 : i32
        %dma_start3A_200 = arith.constant 0 : i32
        %dma_start3A_201 = tpu.memref_slice %arg10[%dma_start3A_199, %dma_start3A_200] : memref<128x128xf32, #tpu.memory_space<vmem>> -> memref<64x128xf32, #tpu.memory_space<vmem>>
        %dma_start3A_202 = arith.constant 0 : i32
        %dma_start3A_203 = tpu.memref_slice %arg7[%add3A_198, %dma_start3A_202] : memref<120x128xi32, #tpu.memory_space<vmem>> -> memref<1x64xi32, #tpu.memory_space<vmem>>
        %dma_start3A_204 = tpu.memref_squeeze %dma_start3A_203 : memref<1x64xi32, #tpu.memory_space<vmem>> -> memref<64xi32, #tpu.memory_space<vmem>>
        %dma_start3A_205 = arith.constant 0 : i32
        %dma_start3A_206 = arith.constant 0 : i32
        %dma_start3A_207 = tpu.memref_slice %arg2[%dma_start3A_205, %dma_start3A_206] : memref<10000x128xf32, #tpu.memory_space<hbm>> -> memref<10000x128xf32, #tpu.memory_space<hbm>>
        tpu.enqueue_indirect_dma source(%dma_start3A_207 : memref<10000x128xf32, #tpu.memory_space<hbm>>) target(%dma_start3A_201 : memref<64x128xf32, #tpu.memory_space<vmem>>) offsets(%dma_start3A_204 : memref<64xi32, #tpu.memory_space<vmem>>) semaphore(%arg13 : memref<!tpu.dma_semaphore, #tpu.memory_space<semaphore_mem>>)
        %dma_start3A_208 = arith.constant 64 : i32
        %dma_start3A_209 = arith.constant 0 : i32
        %dma_start3A_210 = tpu.memref_slice %arg10[%dma_start3A_208, %dma_start3A_209] : memref<128x128xf32, #tpu.memory_space<vmem>> -> memref<64x128xf32, #tpu.memory_space<vmem>>
        %dma_start3A_211 = arith.constant 64 : i32
        %dma_start3A_212 = tpu.memref_slice %arg7[%add3A_198, %dma_start3A_211] : memref<120x128xi32, #tpu.memory_space<vmem>> -> memref<1x64xi32, #tpu.memory_space<vmem>>
        %dma_start3A_213 = tpu.memref_squeeze %dma_start3A_212 : memref<1x64xi32, #tpu.memory_space<vmem>> -> memref<64xi32, #tpu.memory_space<vmem>>
        %dma_start3A_214 = arith.constant 0 : i32
        %dma_start3A_215 = arith.constant 0 : i32
        %dma_start3A_216 = tpu.memref_slice %arg2[%dma_start3A_214, %dma_start3A_215] : memref<10000x128xf32, #tpu.memory_space<hbm>> -> memref<10000x128xf32, #tpu.memory_space<hbm>>
        tpu.enqueue_indirect_dma source(%dma_start3A_216 : memref<10000x128xf32, #tpu.memory_space<hbm>>) target(%dma_start3A_210 : memref<64x128xf32, #tpu.memory_space<vmem>>) offsets(%dma_start3A_213 : memref<64xi32, #tpu.memory_space<vmem>>) semaphore(%arg13 : memref<!tpu.dma_semaphore, #tpu.memory_space<semaphore_mem>>)
      } else {
      }
      %add3A_182 = arith.constant 1 : i32
      %add3A_183 = arith.addi %add3A, %add3A_182 : i32
      %dma_wait3A_184 = arith.constant 0 : i32
      %dma_wait3A_185 = arith.constant 0 : i32
      %dma_wait3A_186 = tpu.memref_slice %arg4[%add3A_183, %dma_wait3A_184, %dma_wait3A_185] : memref<2560x1x128xi32, #tpu.memory_space<hbm>> -> memref<1x1x128xi32, #tpu.memory_space<hbm>>
      %dma_wait3A_187 = tpu.memref_squeeze %dma_wait3A_186 : memref<1x1x128xi32, #tpu.memory_space<hbm>> -> memref<1x128xi32, #tpu.memory_space<hbm>>
      %dma_wait3A_188 = arith.constant 0 : i32
      %dma_wait3A_189 = arith.constant 0 : i32
      %dma_wait3A_190 = tpu.memref_slice %arg4[%add3A_183, %dma_wait3A_188, %dma_wait3A_189] : memref<2560x1x128xi32, #tpu.memory_space<hbm>> -> memref<1x1x128xi32, #tpu.memory_space<hbm>>
      %dma_wait3A_191 = tpu.memref_squeeze %dma_wait3A_190 : memref<1x1x128xi32, #tpu.memory_space<hbm>> -> memref<1x128xi32, #tpu.memory_space<hbm>>
      tpu.wait_dma2 semaphore(%arg16 : memref<!tpu.dma_semaphore, #tpu.memory_space<semaphore_mem>>) src(%dma_wait3A_191 : memref<1x128xi32, #tpu.memory_space<hbm>>) dst(%arg9 : memref<1x128xi32, #tpu.memory_space<vmem>>)
      %run_scoped3A_192 = arith.constant 0 : i32
      "tpu.region"() ({
        %run_scoped3A_197 = tpu.sem_alloc : memref<!tpu.dma_semaphore, #tpu.memory_space<semaphore_mem>>
        %dma_start3A_198 = arith.constant 0 : i32
        %dma_start3A_199 = tpu.memref_slice %arg9[%run_scoped3A_192, %dma_start3A_198] : memref<1x128xi32, #tpu.memory_space<vmem>> -> memref<1x128xi32, #tpu.memory_space<vmem>>
        %dma_start3A_200 = tpu.memref_squeeze %dma_start3A_199 : memref<1x128xi32, #tpu.memory_space<vmem>> -> memref<128xi32, #tpu.memory_space<vmem>>
        %dma_start3A_201 = arith.constant 0 : i32
        %dma_start3A_202 = arith.constant 0 : i32
        %dma_start3A_203 = tpu.memref_slice %arg12[%dma_start3A_201, %dma_start3A_202] : memref<10112x128xf32, #tpu.memory_space<vmem_shared>> -> memref<10112x128xf32, #tpu.memory_space<vmem_shared>>
        tpu.enqueue_indirect_dma source(%arg11 : memref<128x128xf32, #tpu.memory_space<vmem>>) target(%dma_start3A_203 : memref<10112x128xf32, #tpu.memory_space<vmem_shared>>) offsets(%dma_start3A_200 : memref<128xi32, #tpu.memory_space<vmem>>) semaphore(%run_scoped3A_197 : memref<!tpu.dma_semaphore, #tpu.memory_space<semaphore_mem>>) {add = true}
        %dma_wait3A_204 = arith.constant 0 : i32
        %dma_wait3A_205 = tpu.memref_slice %arg9[%run_scoped3A_192, %dma_wait3A_204] : memref<1x128xi32, #tpu.memory_space<vmem>> -> memref<1x128xi32, #tpu.memory_space<vmem>>
        %dma_wait3A_206 = tpu.memref_squeeze %dma_wait3A_205 : memref<1x128xi32, #tpu.memory_space<vmem>> -> memref<128xi32, #tpu.memory_space<vmem>>
        %dma_wait3A_207 = arith.constant 0 : i32
        %dma_wait3A_208 = arith.constant 0 : i32
        %dma_wait3A_209 = tpu.memref_slice %arg12[%dma_wait3A_207, %dma_wait3A_208] : memref<10112x128xf32, #tpu.memory_space<vmem_shared>> -> memref<10112x128xf32, #tpu.memory_space<vmem_shared>>
        tpu.wait_indirect_dma semaphore(%run_scoped3A_197 : memref<!tpu.dma_semaphore, #tpu.memory_space<semaphore_mem>>) src(%arg11 : memref<128x128xf32, #tpu.memory_space<vmem>>) dst(%dma_wait3A_209 : memref<10112x128xf32, #tpu.memory_space<vmem_shared>>)
        tpu.yield
      }) : () -> ()
      %lt3A_193 = arith.cmpi slt, %while3A_109, %sub3A_72 : i32
      %convert_element_type3A_194 = arith.extui %lt3A_193 : i1 to i32
      %cond3A_195 = arith.constant 0 : i32
      %cond3A_196 = arith.cmpi ne, %convert_element_type3A_194, %cond3A_195 : i32
      scf.if %cond3A_196 {
        %add3A_197 = arith.addi %add3A, %add3A_113 : i32
        %add3A_198 = arith.constant 2 : i32
        %add3A_199 = arith.addi %add3A_197, %add3A_198 : i32
        %dma_start3A_200 = arith.constant 0 : i32
        %dma_start3A_201 = arith.constant 0 : i32
        %dma_start3A_202 = tpu.memref_slice %arg4[%add3A_199, %dma_start3A_200, %dma_start3A_201] : memref<2560x1x128xi32, #tpu.memory_space<hbm>> -> memref<1x1x128xi32, #tpu.memory_space<hbm>>
        %dma_start3A_203 = tpu.memref_squeeze %dma_start3A_202 : memref<1x1x128xi32, #tpu.memory_space<hbm>> -> memref<1x128xi32, #tpu.memory_space<hbm>>
        %dma_start3A_204 = arith.constant 0 : i32
        %dma_start3A_205 = arith.constant 0 : i32
        %dma_start3A_206 = tpu.memref_slice %arg4[%add3A_199, %dma_start3A_204, %dma_start3A_205] : memref<2560x1x128xi32, #tpu.memory_space<hbm>> -> memref<1x1x128xi32, #tpu.memory_space<hbm>>
        %dma_start3A_207 = tpu.memref_squeeze %dma_start3A_206 : memref<1x1x128xi32, #tpu.memory_space<hbm>> -> memref<1x128xi32, #tpu.memory_space<hbm>>
        tpu.enqueue_dma source(%dma_start3A_207 : memref<1x128xi32, #tpu.memory_space<hbm>>) target(%arg9 : memref<1x128xi32, #tpu.memory_space<vmem>>) target_semaphore(%arg16 : memref<!tpu.dma_semaphore, #tpu.memory_space<semaphore_mem>>)
      } else {
      }
    }
    %barrier3A_106 = arith.constant 0 : index
    tpu.barrier barrier_id(%barrier3A_106)
    %mul3A_107 = arith.constant 632 : i32
    %mul3A_108 = arith.muli %arg1, %mul3A_107 : i32
    "tpu.region"() ({
      %run_scoped3A = tpu.sem_alloc : memref<!tpu.dma_semaphore, #tpu.memory_space<semaphore_mem>>
      %dma_start3A_109 = arith.constant 0 : i32
      %dma_start3A_110 = tpu.memref_slice %arg6[%arg0, %mul3A_108, %dma_start3A_109] : memref<2x10112x128xf32, #tpu.memory_space<hbm>> -> memref<1x632x128xf32, #tpu.memory_space<hbm>>
      %dma_start3A_111 = tpu.memref_squeeze %dma_start3A_110 : memref<1x632x128xf32, #tpu.memory_space<hbm>> -> memref<632x128xf32, #tpu.memory_space<hbm>>
      %dma_start3A_112 = arith.constant 0 : i32
      %dma_start3A_113 = tpu.memref_slice %arg12[%mul3A_108, %dma_start3A_112] : memref<10112x128xf32, #tpu.memory_space<vmem_shared>> -> memref<632x128xf32, #tpu.memory_space<vmem_shared>>
      tpu.enqueue_dma source(%dma_start3A_113 : memref<632x128xf32, #tpu.memory_space<vmem_shared>>) target(%dma_start3A_111 : memref<632x128xf32, #tpu.memory_space<hbm>>) target_semaphore(%run_scoped3A : memref<!tpu.dma_semaphore, #tpu.memory_space<semaphore_mem>>)
      %dma_wait3A = arith.constant 0 : i32
      %dma_wait3A_114 = tpu.memref_slice %arg6[%arg0, %mul3A_108, %dma_wait3A] : memref<2x10112x128xf32, #tpu.memory_space<hbm>> -> memref<1x632x128xf32, #tpu.memory_space<hbm>>
      %dma_wait3A_115 = tpu.memref_squeeze %dma_wait3A_114 : memref<1x632x128xf32, #tpu.memory_space<hbm>> -> memref<632x128xf32, #tpu.memory_space<hbm>>
      %dma_wait3A_116 = arith.constant 0 : i32
      %dma_wait3A_117 = tpu.memref_slice %arg12[%mul3A_108, %dma_wait3A_116] : memref<10112x128xf32, #tpu.memory_space<vmem_shared>> -> memref<632x128xf32, #tpu.memory_space<vmem_shared>>
      tpu.wait_dma2 semaphore(%run_scoped3A : memref<!tpu.dma_semaphore, #tpu.memory_space<semaphore_mem>>) src(%dma_wait3A_117 : memref<632x128xf32, #tpu.memory_space<vmem_shared>>) dst(%dma_wait3A_115 : memref<632x128xf32, #tpu.memory_space<hbm>>)
      tpu.yield
    }) : () -> ()
    return
  }
}

module attributes {stable_mosaic.version = 14 : i64} {
  func.func @_copy_body(%arg0: memref<10000x128xf32, #tpu.memory_space<vmem>>, %arg1: memref<10000x128xf32, #tpu.memory_space<vmem>>) attributes {dimension_semantics = [], scalar_prefetch = 0 : i64, scratch_operands = 0 : i64, tpu.core_type = #tpu.core_type<tc>} {
    %get3A = arith.constant 0 : index
    %get3A_0 = arith.constant 0 : index
    %get3A_1 = vector.load %arg0[%get3A, %get3A_0] : memref<10000x128xf32, #tpu.memory_space<vmem>>, vector<10000x128xf32>
    %swap3A = arith.constant 0 : index
    %swap3A_2 = arith.constant 0 : index
    %swap3A_3 = vector.load %arg1[%swap3A, %swap3A_2] : memref<10000x128xf32, #tpu.memory_space<vmem>>, vector<10000x128xf32>
    tpu.vector_store %arg1[%swap3A, %swap3A_2], %get3A_1 {strides = array<i32>} : memref<10000x128xf32, #tpu.memory_space<vmem>>, vector<10000x128xf32>,
    return
  }
}

module attributes {stable_mosaic.version = 14 : i64} {
  func.func @_root_body(%arg0: memref<10000x128xf32, #tpu.memory_space<vmem>>, %arg1: memref<128x128xf32, #tpu.memory_space<vmem>>, %arg2: memref<10000x128xf32, #tpu.memory_space<vmem>>) attributes {dimension_semantics = [], scalar_prefetch = 0 : i64, scratch_operands = 0 : i64, tpu.core_type = #tpu.core_type<tc>} {
    %get3A = arith.constant 0 : index
    %get3A_0 = arith.constant 0 : index
    %get3A_1 = vector.load %arg0[%get3A, %get3A_0] : memref<10000x128xf32, #tpu.memory_space<vmem>>, vector<10000x128xf32>
    %get3A_2 = arith.constant 0 : index
    %get3A_3 = arith.constant 0 : index
    %get3A_4 = vector.load %arg1[%get3A_2, %get3A_3] : memref<128x128xf32, #tpu.memory_space<vmem>>, vector<128x128xf32>
    %dot_general3A = arith.constant dense<0.000000e+00> : vector<10000x128xf32>
    %dot_general3A_5 = tpu.matmul %get3A_1, %get3A_4, %dot_general3A {dimension_numbers = #tpu.dot_dimension_numbers<[1], [0], [0], [1], [0, 0, 1, 1], [], []>, transpose_lhs_hint = false} : vector<10000x128xf32>, vector<128x128xf32>, vector<10000x128xf32> -> vector<10000x128xf32>
    %swap3A = arith.constant 0 : index
    %swap3A_6 = arith.constant 0 : index
    %swap3A_7 = vector.load %arg2[%swap3A, %swap3A_6] : memref<10000x128xf32, #tpu.memory_space<vmem>>, vector<10000x128xf32>
    tpu.vector_store %arg2[%swap3A, %swap3A_6], %dot_general3A_5 {strides = array<i32>} : memref<10000x128xf32, #tpu.memory_space<vmem>>, vector<10000x128xf32>,
    return
  }
}

module attributes {stable_mosaic.version = 14 : i64} {
  func.func @_dense_body(%arg0: memref<2x10112x128xf32, #tpu.memory_space<vmem>>, %arg1: memref<2x10112x128xf32, #tpu.memory_space<vmem>>, %arg2: memref<10000x128xf32, #tpu.memory_space<vmem>>, %arg3: memref<128x128xf32, #tpu.memory_space<vmem>>, %arg4: memref<1x128xf32, #tpu.memory_space<vmem>>, %arg5: memref<10000x128xf32, #tpu.memory_space<vmem>>) attributes {dimension_semantics = [], scalar_prefetch = 0 : i64, scratch_operands = 0 : i64, tpu.core_type = #tpu.core_type<tc>} {
    %get3A = arith.constant 0 : index
    %get3A_0 = arith.constant 0 : index
    %get3A_1 = arith.constant 0 : index
    %get3A_2 = vector.load %arg0[%get3A, %get3A_0, %get3A_1] : memref<2x10112x128xf32, #tpu.memory_space<vmem>>, vector<1x10000x128xf32>
    %get3A_3 = vector.shape_cast %get3A_2 : vector<1x10000x128xf32> to vector<10000x128xf32>
    %get3A_4 = arith.constant 1 : index
    %get3A_5 = arith.constant 0 : index
    %get3A_6 = arith.constant 0 : index
    %get3A_7 = vector.load %arg0[%get3A_4, %get3A_5, %get3A_6] : memref<2x10112x128xf32, #tpu.memory_space<vmem>>, vector<1x10000x128xf32>
    %get3A_8 = vector.shape_cast %get3A_7 : vector<1x10000x128xf32> to vector<10000x128xf32>
    %add3A = arith.addf %get3A_3, %get3A_8 : vector<10000x128xf32>
    %get3A_9 = arith.constant 0 : index
    %get3A_10 = arith.constant 0 : index
    %get3A_11 = arith.constant 0 : index
    %get3A_12 = vector.load %arg1[%get3A_9, %get3A_10, %get3A_11] : memref<2x10112x128xf32, #tpu.memory_space<vmem>>, vector<1x10000x1xf32>
    %get3A_13 = vector.shape_cast %get3A_12 : vector<1x10000x1xf32> to vector<10000xf32>
    %get3A_14 = arith.constant 1 : index
    %get3A_15 = arith.constant 0 : index
    %get3A_16 = arith.constant 0 : index
    %get3A_17 = vector.load %arg1[%get3A_14, %get3A_15, %get3A_16] : memref<2x10112x128xf32, #tpu.memory_space<vmem>>, vector<1x10000x1xf32>
    %get3A_18 = vector.shape_cast %get3A_17 : vector<1x10000x1xf32> to vector<10000xf32>
    %add3A_19 = arith.addf %get3A_13, %get3A_18 : vector<10000xf32>
    %max3A = arith.constant 1.000000e+00 : f32
    %max3A_20 = vector.broadcast %max3A : f32 to vector<10000xf32>
    %max3A_21 = arith.maximumf %add3A_19, %max3A_20 : vector<10000xf32>
    %div3A = arith.constant 1.000000e+00 : f32
    %div3A_22 = vector.broadcast %div3A : f32 to vector<10000xf32>
    %div3A_23 = arith.divf %div3A_22, %max3A_21 : vector<10000xf32>
    %broadcast_in_dim3A = vector.shape_cast %div3A_23 : vector<10000xf32> to vector<10000x1xf32>
    %mul3A = vector.broadcast %broadcast_in_dim3A : vector<10000x1xf32> to vector<10000x128xf32>
    %mul3A_24 = arith.mulf %add3A, %mul3A : vector<10000x128xf32>
    %get3A_25 = arith.constant 0 : index
    %get3A_26 = arith.constant 0 : index
    %get3A_27 = vector.load %arg3[%get3A_25, %get3A_26] : memref<128x128xf32, #tpu.memory_space<vmem>>, vector<128x128xf32>
    %dot_general3A = arith.constant dense<0.000000e+00> : vector<10000x128xf32>
    %dot_general3A_28 = tpu.matmul %mul3A_24, %get3A_27, %dot_general3A {dimension_numbers = #tpu.dot_dimension_numbers<[1], [0], [0], [1], [0, 0, 1, 1], [], []>, transpose_lhs_hint = false} : vector<10000x128xf32>, vector<128x128xf32>, vector<10000x128xf32> -> vector<10000x128xf32>
    %get3A_29 = arith.constant 0 : index
    %get3A_30 = arith.constant 0 : index
    %get3A_31 = vector.load %arg4[%get3A_29, %get3A_30] : memref<1x128xf32, #tpu.memory_space<vmem>>, vector<1x128xf32>
    %add3A_32 = vector.broadcast %get3A_31 : vector<1x128xf32> to vector<10000x128xf32>
    %add3A_33 = arith.addf %dot_general3A_28, %add3A_32 : vector<10000x128xf32>
    %get3A_34 = arith.constant 0 : index
    %get3A_35 = arith.constant 0 : index
    %get3A_36 = vector.load %arg2[%get3A_34, %get3A_35] : memref<10000x128xf32, #tpu.memory_space<vmem>>, vector<10000x128xf32>
    %add3A_37 = arith.addf %add3A_33, %get3A_36 : vector<10000x128xf32>
    %max3A_38 = arith.constant 0.000000e+00 : f32
    %max3A_39 = vector.broadcast %max3A_38 : f32 to vector<10000x128xf32>
    %max3A_40 = arith.maximumf %add3A_37, %max3A_39 : vector<10000x128xf32>
    %swap3A = arith.constant 0 : index
    %swap3A_41 = arith.constant 0 : index
    %swap3A_42 = vector.load %arg5[%swap3A, %swap3A_41] : memref<10000x128xf32, #tpu.memory_space<vmem>>, vector<10000x128xf32>
    tpu.vector_store %arg5[%swap3A, %swap3A_41], %max3A_40 {strides = array<i32>} : memref<10000x128xf32, #tpu.memory_space<vmem>>, vector<10000x128xf32>,
    return
  }
}

module attributes {stable_mosaic.version = 14 : i64} {
  func.func @_dense_body(%arg0: memref<2x10112x128xf32, #tpu.memory_space<vmem>>, %arg1: memref<2x10112x128xf32, #tpu.memory_space<vmem>>, %arg2: memref<10000x128xf32, #tpu.memory_space<vmem>>, %arg3: memref<128x128xf32, #tpu.memory_space<vmem>>, %arg4: memref<1x128xf32, #tpu.memory_space<vmem>>, %arg5: memref<10000x128xf32, #tpu.memory_space<vmem>>) attributes {dimension_semantics = [], scalar_prefetch = 0 : i64, scratch_operands = 0 : i64, tpu.core_type = #tpu.core_type<tc>} {
    %get3A = arith.constant 0 : index
    %get3A_0 = arith.constant 0 : index
    %get3A_1 = arith.constant 0 : index
    %get3A_2 = vector.load %arg0[%get3A, %get3A_0, %get3A_1] : memref<2x10112x128xf32, #tpu.memory_space<vmem>>, vector<1x10000x128xf32>
    %get3A_3 = vector.shape_cast %get3A_2 : vector<1x10000x128xf32> to vector<10000x128xf32>
    %get3A_4 = arith.constant 1 : index
    %get3A_5 = arith.constant 0 : index
    %get3A_6 = arith.constant 0 : index
    %get3A_7 = vector.load %arg0[%get3A_4, %get3A_5, %get3A_6] : memref<2x10112x128xf32, #tpu.memory_space<vmem>>, vector<1x10000x128xf32>
    %get3A_8 = vector.shape_cast %get3A_7 : vector<1x10000x128xf32> to vector<10000x128xf32>
    %add3A = arith.addf %get3A_3, %get3A_8 : vector<10000x128xf32>
    %get3A_9 = arith.constant 0 : index
    %get3A_10 = arith.constant 0 : index
    %get3A_11 = arith.constant 0 : index
    %get3A_12 = vector.load %arg1[%get3A_9, %get3A_10, %get3A_11] : memref<2x10112x128xf32, #tpu.memory_space<vmem>>, vector<1x10000x1xf32>
    %get3A_13 = vector.shape_cast %get3A_12 : vector<1x10000x1xf32> to vector<10000xf32>
    %get3A_14 = arith.constant 1 : index
    %get3A_15 = arith.constant 0 : index
    %get3A_16 = arith.constant 0 : index
    %get3A_17 = vector.load %arg1[%get3A_14, %get3A_15, %get3A_16] : memref<2x10112x128xf32, #tpu.memory_space<vmem>>, vector<1x10000x1xf32>
    %get3A_18 = vector.shape_cast %get3A_17 : vector<1x10000x1xf32> to vector<10000xf32>
    %add3A_19 = arith.addf %get3A_13, %get3A_18 : vector<10000xf32>
    %max3A = arith.constant 1.000000e+00 : f32
    %max3A_20 = vector.broadcast %max3A : f32 to vector<10000xf32>
    %max3A_21 = arith.maximumf %add3A_19, %max3A_20 : vector<10000xf32>
    %div3A = arith.constant 1.000000e+00 : f32
    %div3A_22 = vector.broadcast %div3A : f32 to vector<10000xf32>
    %div3A_23 = arith.divf %div3A_22, %max3A_21 : vector<10000xf32>
    %broadcast_in_dim3A = vector.shape_cast %div3A_23 : vector<10000xf32> to vector<10000x1xf32>
    %mul3A = vector.broadcast %broadcast_in_dim3A : vector<10000x1xf32> to vector<10000x128xf32>
    %mul3A_24 = arith.mulf %add3A, %mul3A : vector<10000x128xf32>
    %get3A_25 = arith.constant 0 : index
    %get3A_26 = arith.constant 0 : index
    %get3A_27 = vector.load %arg3[%get3A_25, %get3A_26] : memref<128x128xf32, #tpu.memory_space<vmem>>, vector<128x128xf32>
    %dot_general3A = arith.constant dense<0.000000e+00> : vector<10000x128xf32>
    %dot_general3A_28 = tpu.matmul %mul3A_24, %get3A_27, %dot_general3A {dimension_numbers = #tpu.dot_dimension_numbers<[1], [0], [0], [1], [0, 0, 1, 1], [], []>, transpose_lhs_hint = false} : vector<10000x128xf32>, vector<128x128xf32>, vector<10000x128xf32> -> vector<10000x128xf32>
    %get3A_29 = arith.constant 0 : index
    %get3A_30 = arith.constant 0 : index
    %get3A_31 = vector.load %arg4[%get3A_29, %get3A_30] : memref<1x128xf32, #tpu.memory_space<vmem>>, vector<1x128xf32>
    %add3A_32 = vector.broadcast %get3A_31 : vector<1x128xf32> to vector<10000x128xf32>
    %add3A_33 = arith.addf %dot_general3A_28, %add3A_32 : vector<10000x128xf32>
    %get3A_34 = arith.constant 0 : index
    %get3A_35 = arith.constant 0 : index
    %get3A_36 = vector.load %arg2[%get3A_34, %get3A_35] : memref<10000x128xf32, #tpu.memory_space<vmem>>, vector<10000x128xf32>
    %add3A_37 = arith.addf %add3A_33, %get3A_36 : vector<10000x128xf32>
    %max3A_38 = arith.constant 0.000000e+00 : f32
    %max3A_39 = vector.broadcast %max3A_38 : f32 to vector<10000x128xf32>
    %max3A_40 = arith.maximumf %add3A_37, %max3A_39 : vector<10000x128xf32>
    %swap3A = arith.constant 0 : index
    %swap3A_41 = arith.constant 0 : index
    %swap3A_42 = vector.load %arg5[%swap3A, %swap3A_41] : memref<10000x128xf32, #tpu.memory_space<vmem>>, vector<10000x128xf32>
    tpu.vector_store %arg5[%swap3A, %swap3A_41], %max3A_40 {strides = array<i32>} : memref<10000x128xf32, #tpu.memory_space<vmem>>, vector<10000x128xf32>,
    return
  }
}

</mosaic_0001>

<sc_bundles>
// kernel: kernel.10.cloned.1.call-start
scs
__scs_entry_jumppad:
0x0: {  	(pc) =	sbr.rel $0x88, $3  }
0x1: {  	(tag) =	ssettag $0x0;
	lr =	simm.s32 $0x1  }
0x2: {  	[smem:$0x3F99] =	sst lr;
	_ =	strace $0xD0000000  }
0x3: {  	_ = 	snop  }
0x4: {  	_ = 	snop  }
0x5: {  	_ = 	snop  }
0x6: {  	_ = 	snop  }
0x7: {  	_ = 	snop  }
__scs_overlays_trampoline_lowered:
0x8: {  	[smem:$0x3FA8] =	sst s0  }
0x9: {  	[smem:$0x3FA9] =	sst s1  }
0xa: {  	[smem:$0x3FAA] =	sst s2  }
0xb: {  	[smem:$0x3FAB] =	sst s3  }
0xc: {  	[smem:$0x3FAC] =	sst s4  }
0xd: {  	[smem:$0x3FAD] =	sst s5  }
0xe: {  	[smem:$0x3FAE] =	sst s6  }
0xf: {  	[smem:$0x3FAF] =	sst s7  }
0x10: {  	[smem:$0x3FB0] =	sst s8  }
0x11: {  	[smem:$0x3FB1] =	sst s9;
	s0 =	simm.s32 @!p0 $0x0  }
0x12: {  	s1 =	sld [smem:$0x3F97];
	s0 =	simm.s32 @p0 $0x1  }
0x13: {  	[smem:$0x3FB2] =	sst s0;
	s0 =	simm.s32 @!p1 $0x0  }
0x14: {  	s2 =	sld [smem:$0x3F96];
	s0 =	simm.s32 @p1 $0x1  }
0x15: {  	[smem:$0x3FB3] =	sst s0;
	s0 =	simm.s32 @!p2 $0x0  }
0x16: {  	s3 =	sld [smem:$0x3FDB];
	s0 =	simm.s32 @p2 $0x1  }
0x17: {  	s4 =	simm.s32 $0x1BF5;
	[smem:$0x3FB5] =	sst s0  }
0x18: {  	s0 =	sld [smem:$0x3F98];
	_ =	swait.ge [sflag:s4], $0x0  }
0x19: {  	s7 =	sld [smem:$0x3F99]  }
0x1a: {  	s8 =	sadd.s32 $0xFFFFE003, lr  }
0x1b: {  	s9 =	sadd.s32 $0xFFFFFEF7, lr;
	s5 =	simm.s32 $0xFFFFFFFF;
	p2 =	slt.u32 s8, $0xFFFFF086  }
0x1c: {  	p1 =	slt.u32 s9, $0xF7A;
	s5 =	simm.s32 @!p2 $0x0  }
0x1d: {  	s5 =	simm.s32 @p1 $0x1;
	p0 =	seq.s32 s7, s2  }
0x1e: {  	s7 =	smul.u32 @!p0 $0xF7A, s2;
	p2 =	seq.s32 @!p0 s5, $0x0  }
0x1f: {  	s9 =	smul.u32 $0xF7A, s1;
	s8 =	simm.s32 @!p0 $0x1BF5;
	p2 =	por !p2, p0  }
0x20: {  	[sflag:s8] =	ssyncset.s32 @!p0 $0xFFFFF086;
	s6 =	sadd.s32 @!p0 s3, s7;
	s7 =	simm.s32 @!p0 $0x108  }
0x21: {  	s3 =	sadd.s32 s3, s9;
	s6 =	sadd.s32 @!p0 $0x88, s6;
	s7 =	simm.s32 @p2 $0x1082  }
0x22: {  	[simem:s7], [sflag:s8] =	dma.local @!p0 [hbm:s6], $0xF7A  }
0x23: {  	s9 =	sor.u32 $0xD0000000, s2;
	s6 =	simm.s32 $0x108;
	_ =	swait.ge @!p0 [sflag:s8], $0x0  }
0x24: {  	s3 =	sadd.s32 $0x88, s3;
	s6 =	simm.s32 @!p1 $0x1082;
	[sflag:s4] =	ssyncset.s32 $0xFFFFF086  }
0x25: {  	[simem:s6], [sflag:s4] =	dma.local [hbm:s3], $0xF7A  }
0x26: {  	[smem:$0x3F99] =	sst s1;
	(tag) =	ssettag s2;
	_ =	strace s9  }
0x27: {  	s1 =	sld [smem:$0x3FA9]  }
0x28: {  	s2 =	sld [smem:$0x3FAA]  }
0x29: {  	s4 =	sld [smem:$0x3FAC]  }
0x2a: {  	p0 =	seq.s32 s5, $0x0;
	s5 =	sld [smem:$0x3FAD]  }
0x2b: {  	s6 =	sld [smem:$0x3FAE]  }
0x2c: {  	s7 =	sld [smem:$0x3FAF]  }
0x2d: {  	s3 =	simm.s32 $0x108;
	s8 =	sld [smem:$0x3FB0]  }
0x2e: {  	s3 =	simm.s32 @!p0 $0x1082;
	s9 =	sld [smem:$0x3FB1]  }
0x2f: {  	lr =	sadd.s32 s0, s3;
	s0 =	sld [smem:$0x3FA8]  }
0x30: {  	s3 =	sld [smem:$0x3FAB]  }
0x31: {  	[smem:$0x3FB4] =	sst s10  }
0x32: {  	s10 =	sld [smem:$0x3FB2];
	_ =	sdelay $0x3  }
0x33: {  	p0 =	seq.s32 s10, $0x1;
	s10 =	sld [smem:$0x3FB4];
	_ =	sdelay $0x3  }
0x34: {  	[smem:$0x3FB4] =	sst s10  }
0x35: {  	s10 =	sld [smem:$0x3FB3];
	_ =	sdelay $0x3  }
0x36: {  	p1 =	seq.s32 s10, $0x1;
	s10 =	sld [smem:$0x3FB4];
	_ =	sdelay $0x3  }
0x37: {  	[smem:$0x3FB4] =	sst s10  }
0x38: {  	s10 =	sld [smem:$0x3FB5]  }
0x39: {  	_ = 	snop;
	(pc) =	sbr.ind lr, $3  }
0x3a: {  	_ = 	snop  }
0x3b: {  	_ = 	snop  }
0x3c: {  	p2 =	seq.s32 s10, $0x1;
	s10 =	sld [smem:$0x3FB4]  }
0x3d: {  	_ =	shalt  }
0x3e: {  	_ =	shalt  }
0x3f: {  	_ =	shalt  }
0x40: {  	_ =	shalt  }
0x41: {  	_ =	shalt  }
0x42: {  	_ =	shalt  }
0x43: {  	_ =	shalt  }
0x44: {  	_ =	shalt  }
0x45: {  	_ =	shalt  }
0x46: {  	_ =	shalt  }
0x47: {  	_ =	shalt  }
0x48: {  	_ =	shalt  }
0x49: {  	_ =	shalt  }
0x4a: {  	_ =	shalt  }
0x4b: {  	_ =	shalt  }
0x4c: {  	_ =	shalt  }
0x4d: {  	_ =	shalt  }
0x4e: {  	_ =	shalt  }
0x4f: {  	_ =	shalt  }
0x50: {  	_ =	shalt  }
0x51: {  	_ =	shalt  }
0x52: {  	_ =	shalt  }
0x53: {  	_ =	shalt  }
0x54: {  	_ =	shalt  }
0x55: {  	_ =	shalt  }
0x56: {  	_ =	shalt  }
0x57: {  	_ =	shalt  }
0x58: {  	_ =	shalt  }
0x59: {  	_ =	shalt  }
0x5a: {  	_ =	shalt  }
0x5b: {  	_ =	shalt  }
0x5c: {  	_ =	shalt  }
0x5d: {  	_ =	shalt  }
0x5e: {  	_ =	shalt  }
0x5f: {  	_ =	shalt  }
0x60: {  	_ =	shalt  }
0x61: {  	_ =	shalt  }
0x62: {  	_ =	shalt  }
0x63: {  	_ =	shalt  }
0x64: {  	_ =	shalt  }
0x65: {  	_ =	shalt  }
0x66: {  	_ =	shalt  }
0x67: {  	_ =	shalt  }
0x68: {  	_ =	shalt  }
0x69: {  	_ =	shalt  }
0x6a: {  	_ =	shalt  }
0x6b: {  	_ =	shalt  }
0x6c: {  	_ =	shalt  }
0x6d: {  	_ =	shalt  }
0x6e: {  	_ =	shalt  }
0x6f: {  	_ =	shalt  }
0x70: {  	_ =	shalt  }
0x71: {  	_ =	shalt  }
0x72: {  	_ =	shalt  }
0x73: {  	_ =	shalt  }
0x74: {  	_ =	shalt  }
0x75: {  	_ =	shalt  }
0x76: {  	_ =	shalt  }
0x77: {  	_ =	shalt  }
0x78: {  	_ =	shalt  }
0x79: {  	_ =	shalt  }
0x7a: {  	_ =	shalt  }
0x7b: {  	_ =	shalt  }
0x7c: {  	_ =	shalt  }
0x7d: {  	_ =	shalt  }
0x7e: {  	_ =	shalt  }
0x7f: {  	_ =	shalt  }
0x80: {  	_ =	shalt  }
0x81: {  	_ =	shalt  }
0x82: {  	_ =	shalt  }
0x83: {  	_ =	shalt  }
0x84: {  	_ =	shalt  }
0x85: {  	_ =	shalt  }
0x86: {  	_ =	shalt  }
0x87: {  	_ =	shalt  }
.Lfunc_end0:
.L_simem_size_0:
called_computation_lowered:
.L_overlay_start_0:
0x88: {  	s2 =	sld [smem:$0x3FD9]  }
0x89: {  	s3 =	sld [smem:$0x3FFE];
	_ =	sdelay $0x1  }
0x8a: {  	s1 =	srdreg.scid  }
0x8b: {  	s0 =	sand.u32 $0x1, s1  }
0x8c: {  	s17 =	sshll.u32 s0, $0xA;
	s2 =	sadd.s32 s3, s2  }
0x8d: {  	s2 =	sadd.s32 s2, s17  }
0x8e: {  	[smem:$0x3FC0] =	sst s2  }
0x8f: {  	_ = 	snop  }
0x90: {  	(tm) =	ssettm $0x1  }
0x91: {  	s18 =	sld [smem:$0x3FFB];
	_ =	sdelay $0x3  }
0x92: {  	_ =	strace s18  }
0x93: {  	s2 =	sld [smem:$0x3FFC];
	_ =	sdelay $0x3  }
0x94: {  	_ =	strace s2  }
0x95: {  	s2 =	sld [smem:$0x3FFD];
	_ =	sdelay $0x3  }
0x96: {  	_ =	strace s2  }
0x97: {  	_ =	strace $0x8FFFFFFF  }
0x98: {  	s19 =	sld [smem:$0x3FDB];
	_ =	sdelay $0x1  }
0x99: {  	s20 =	simm.s32 $_scs_section_size  }
0x9a: {  	s4 =	simm.s32 $_size__tile_overlayer_lowered;
	s5 =	simm.s32 $_tile_overlayer_lowered  }
0x9b: {  	s6 =	simm.s32 $0x1BFF;
	s21 =	sshll.u32 s5, $0x1;
	s3 =	sadd.s32 s20, s19  }
0x9c: {  	s22 =	simm.s32 $0x0;
	s4 =	sshll.u32 s4, $0x1;
	s5 =	sadd.s32 s21, s3  }
0x9d: {  	[timem:s22], [sflag:s6] =	dma.local [hbm:s5], s4  }
0x9e: {  	_ =	swait.ge [sflag:s6], s4  }
0x9f: {  	s4 =	ssub.s32 $0x0, s4;
	[sflag:s6] =	ssyncset.done $0x0  }
0xa0: {  	[sflag:s6] =	ssyncadd.s32 s4;
	_ =	sdelay $0x1  }
0xa1: {  	s23 =	simm.s32 $0x1B8B  }
0xa2: {  	_ =	swait.ge [sflag:s23], $0x1  }
0xa3: {  	[sflag:s23] =	ssyncset.done $0x0  }
0xa4: {  	[sflag:s23] =	ssyncadd.s32 $0xFFFFFFFF  }
0xa5: {  	s4 =	sld [smem:$0x0]  }
0xa6: {  	s5 =	sand.u32 $0xFFFFFFFE, s1  }
0xa7: {  	p0 =	sne.s32 s1, s5  }
0xa8: {  	s5 =	sshll.u32 @p0 s5, $0xE  }
0xa9: {  	s5 =	sadd.s32 @p0 $0x11B8D, s5;
	s6 =	sshll.u32 @p0 s4, $0x11  }
0xaa: {  	s5 =	sor.u32 @p0 s6, s5  }
0xab: {  	[sflag:s5] =	ssyncadd.remote.s32 @p0 $0x1;
	_ =	sdelay $0x1  }
0xac: {  	s5 =	simm.s32 @p0 $0x1B8D  }
0xad: {  	_ =	swait.eq @p0 [sflag:s5], $0x1  }
0xae: {  	[sflag:s5] =	ssyncadd.s32 @p0 $0xFFFFFFFF  }
0xaf: {  	s6 =	sshll.u32 @!p0 s1, $0xE  }
0xb0: {  	s6 =	sor.u32 @!p0 $0x4000, s6;
	s5 =	simm.s32 @!p0 $0x1B8D  }
0xb1: {  	s4 =	sshll.u32 @!p0 s4, $0x11;
	s6 =	sadd.s32 @!p0 $0x11B8D, s6;
	_ =	swait.eq @!p0 [sflag:s5], $0x1  }
0xb2: {  	s4 =	sor.u32 @!p0 s4, s6;
	[sflag:s5] =	ssyncadd.s32 @!p0 $0xFFFFFFFF  }
0xb3: {  	s25 =	simm.s32 $0x1B8E;
	s24 =	sld [smem:$0x3FFE];
	[sflag:s4] =	ssyncadd.remote.s32 @!p0 $0x1  }
0xb4: {  	s26 =	simm.s32 $execute0_lowered;
	[smem:$0x3FD2] =	sst s25  }
0xb5: {  	s5 =	sshll.u32 s26, $0x1;
	_ =	strace $0x80000049;
	[dreg:$0x1] =	wrdreg $0xFFFFFFFF  }
0xb6: {  	s28 =	simm.s32 $_size_execute0_lowered;
	s3 =	sadd.s32 s3, s5;
	[dreg:$0x0] =	wrdreg $0x0  }
0xb7: {  	s5 =	sshll.u32 s28, $0x1;
	[dreg:$0x2] =	wrdreg s3  }
0xb8: {  	[dreg:$0x3] =	wrdreg s5  }
0xb9: {  	[dreg:$0x4] =	wrdreg $0xC0  }
0xba: {  	_ =	task [dreg:s22], $0x5FFFF  }
0xbb: {  	[dreg:$0x1] =	wrdreg $0xFFFFFFFF  }
0xbc: {  	[dreg:$0x0] =	wrdreg $0x60  }
0xbd: {  	[dreg:$0x2] =	wrdreg s24  }
0xbe: {  	[dreg:$0x3] =	wrdreg $0x41000  }
0xbf: {  	[dreg:$0x4] =	wrdreg $0x9  }
0xc0: {  	_ =	task.clear_ibuf [dreg:s22], $0x5FFFF;
	_ =	strace $0x90000049  }
0xc1: {  	s29 =	simm.s32 $0x9;
	_ =	strace $0x8000004B  }
0xc2: {  	_ =	swait.ge [sflag:s29], $0x1  }
0xc3: {  	[sflag:s29] =	ssyncadd.s32 $0xFFFFFFFF  }
0xc4: {  	_ =	strace $0x9000004B  }
0xc5: {  	_ =	sfence  }
0xc6: {  	s30 =	sld [smem:$0x0];
	_ =	sdelay $0x2  }
0xc7: {  	s31 =	sshll.u32 s1, $0xD;
	s1 =	sshrl.u32 s1, $0x2  }
0xc8: {  	s4 =	sand.u32 $0x4000, s31;
	s1 =	sadd.s32 s1, s30  }
0xc9: {  	s0 =	sor.u32 s4, s0;
	s1 =	sshll.u32 s1, $0x11  }
0xca: {  	s0 =	sor.u32 s1, s0  }
0xcb: {  	s0 =	sadd.s32 $0x8F2B, s0  }
0xcc: {  	[sflag:s0] =	ssyncadd.remote.s32 $0x1  }
0xcd: {  	_ =	sfence.sel $0xFFFF  }
0xce: {  	[dreg:$0x0] =	wrdreg $0xFFFFFFFF;
	(pc) =	sbr.abs _section_cstart, $3  }
0xcf: {  	[dreg:$0x1] =	wrdreg $0xFFFFFFFF  }
0xd0: {  	_ =	task.clear_ibuf [dreg:s22], $0x2FFFF;
	_ =	strace $0x9FFFFFFF  }
0xd1: {  	(tm) =	ssettm $0x7FFFFFFF  }
tec
execute0_lowered:
.L_overlay_start_1:
0x0: {  	(tag) =	ssettag $0x1  }
0x1: {  	s5 =	rddreg [dreg:$0x0]  }
0x2: {  	s1 =	rddreg [dreg:$0x1];
	s2 =	srdreg.scid  }
0x3: {  	s0 =	rddreg [dreg:$0x2];
	s16 =	stileid.u32;
	s14 =	simm.s32 $0x1  }
0x4: {  	s15 =	simm.s32 $0x2;
	s18 =	simm.s32 $0x0;
	s4 =	smul.u32 $0x13C00, s16  }
0x5: {  	s8 =	sand.u32 $0x1, s2;
	s2 =	simm.s32 $0x0;
	s12 =	smul.u32 $0x4F000, s16  }
0x6: {  	s6 =	sshll.u32 s16, $0x1;
	s9 =	sadd.s32 $0xBC00, s5;
	s31 =	smul.u32 $0xA00, s16  }
0x7: {  	p0 =	sne.s32 s16, $0x0;
	s16 =	sshll.u32 s16, $0x6;
	s3 =	smul.u32 $0x13C000, s8  }
0x8: {  	[smem:$0x7FF] =	sst s2;
	s6 =	sor.u32 s8, s6;
	s10 =	ssub.s32 $0x2, s8  }
0x9: {  	s13 =	smul.u32 $0x500, s8;
	s16 =	sor.u32 $0x1C03, s16;
	_ =	strace $0x8000004A  }
0xa: {  	s6 =	smul.u32 $0x500, s6;
	s11 =	sshrl.u32 s10, $0x1;
	s12 =	sshrl.u32 s12, $0x2  }
0xb: {  	s4 =	sadd.s32 s4, s3;
	s3 =	sadd.s32 $0x15C00, s5;
	s10 =	ssub.s32 s10, s11  }
0xc: {  	s17 =	sadd.s32 s12, s1;
	s11 =	simm.s32 $0x100;
	s12 =	simm.s32 $0x3  }
0xd: {  	s7 =	sshrl.u32 s4, $0x3;
	s4 =	sadd.s32 $0x8C400, s5;
	s8 =	smax.u32 s10, $0x1  }
0xe: {  	s10 =	sshrl.u32 @!p0 s1, $0x3;
	s7 =	sadd.s32 s7, s5;
	s5 =	sadd.s32 s9, s6  }
0xf: {  	s17 =	sshrl.u32 s17, $0x3;
	s9 =	sadd.s32 s31, s9;
	s6 =	sadd.s32 $0x10, s5  }
0x10: {  	s7 =	sadd.s32 $0x8CC00, s7;
	s9 =	sadd.s32 s13, s9;
	s13 =	simm.s32 $0x80  }
.LBB2_1:
0x11: {  	s19 =	simm.s32 @!p0 $0x1C03  }
0x12: {  	[spmem:s10], [sflag:s19] =	dma.local @!p0 [hbm:s3], $0x27800  }
0x13: {  	s19 =	simm.s32 @!p0 $0x3  }
0x14: {  	_ =	swait.ge @!p0 [sflag:s19], $0x27800  }
0x15: {  	[sflag:s19] =	ssyncset.done @!p0 $0x0  }
0x16: {  	[sflag:s19] =	ssyncadd.s32 @!p0 $0xFFFD8800  }
0x17: {  	[tilespmem:s11], [sflag:$0x3] =	stream.linear.gather [hbm4b:s4+s2], $0x4000, $0x38;
	[tilespmem:$0x17D00] =	vst v63  }
0x18: {  	_ =	swait.ge [sflag:s12], $0x4000  }
0x19: {  	[sflag:s12] =	ssyncset.done $0x0  }
0x1a: {  	[sflag:s12] =	ssyncadd.s32 $0xFFFFC000  }
0x1b: {  	[bflag:$0x0] =	sbarrier.arrive $0xFFFF  }
0x1c: {  	[tilespmem:s2], [sflag:$0x1] =	stream.linear.gather [hbm4b:s5+s2], $0x80, $0x38;
	[tilespmem:$0x17D00] =	vst v63  }
0x1d: {  	_ = 	snop  }
0x1e: {  	[tilespmem:s13], [sflag:$0x2] =	stream.linear.gather [hbm4b:s6+s2], $0x80, $0x38;
	[tilespmem:$0x17D00] =	vst v63  }
0x1f: {  	_ =	swait.ge [sflag:s14], $0x80  }
0x20: {  	[sflag:s14] =	ssyncset.done $0x0  }
0x21: {  	[sflag:s14] =	ssyncadd.s32 $0xFFFFFF80  }
0x22: {  	[spmem:s1] =	stream.indirect.scatter.add.f32 [tilespmem:s11], [sflag:$0x3], $0x80, s2, s13, $0xb8;
	[tilespmem:$0x17D00] =	vst v63  }
0x23: {  	_ =	swait.ge [sflag:s12], $0x4000  }
0x24: {  	s20 =	sadd.s32 $0xFFFFFB20, s9;
	[sflag:s12] =	ssyncset.done $0x0  }
0x25: {  	s31 =	sadd.s32 $0x500, s20;
	[sflag:s12] =	ssyncadd.s32 $0xFFFFC000  }
0x26: {  	[tilespmem:s2], [sflag:$0x1] =	stream.linear.gather [hbm4b:s31+s2], $0x80, $0x38;
	[tilespmem:$0x17D00] =	vst v63  }
0x27: {  	_ =	swait.ge [sflag:s15], $0x80  }
0x28: {  	[sflag:s15] =	ssyncset.done $0x0  }
0x29: {  	[sflag:s15] =	ssyncadd.s32 $0xFFFFFF80  }
0x2a: {  	[spmem:s1] =	stream.indirect.scatter.add.f32 [tilespmem:s11], [sflag:$0x3], $0x80, s13, s13, $0xb8;
	[tilespmem:$0x17D00] =	vst v63  }
0x2b: {  	_ =	swait.ge [sflag:s12], $0x4000  }
0x2c: {  	[sflag:s12] =	ssyncset.done $0x0  }
0x2d: {  	s20 =	sadd.s32 $0x510, s20;
	s19 =	simm.s32 $0xFFFFFB40;
	[sflag:s12] =	ssyncadd.s32 $0xFFFFC000  }
.LBB2_2:
0x2e: {  	[tilespmem:s13], [sflag:$0x2] =	stream.linear.gather [hbm4b:s20+s2], $0x80, $0x38;
	[tilespmem:$0x17D00] =	vst v63  }
0x2f: {  	s20 =	smov.u32 s19  }
0x30: {  	p1 =	sne.s32 s19, $0xFFFFFFE0;
	s19 =	sadd.s32 $0x20, s19;
	_ =	swait.ge [sflag:s14], $0x80  }
0x31: {  	[sflag:s14] =	ssyncset.done $0x0  }
0x32: {  	[sflag:s14] =	ssyncadd.s32 $0xFFFFFF80  }
0x33: {  	[spmem:s1] =	stream.indirect.scatter.add.f32 [tilespmem:s11], [sflag:$0x3], $0x80, s2, s13, $0xb8;
	[tilespmem:$0x17D00] =	vst v63  }
0x34: {  	_ =	swait.ge [sflag:s12], $0x4000  }
0x35: {  	s20 =	sadd.s32 s20, s9;
	[sflag:s12] =	ssyncset.done $0x0  }
0x36: {  	s21 =	sadd.s32 $0x500, s20;
	[sflag:s12] =	ssyncadd.s32 $0xFFFFC000  }
0x37: {  	[tilespmem:s2], [sflag:$0x1] =	stream.linear.gather [hbm4b:s21+s2], $0x80, $0x38;
	[tilespmem:$0x17D00] =	vst v63  }
0x38: {  	_ =	swait.ge [sflag:s15], $0x80  }
0x39: {  	[sflag:s15] =	ssyncset.done $0x0  }
.Ltmp0:
0x3a: {  	[sflag:s15] =	ssyncadd.s32 $0xFFFFFF80;
	(pc) =	sbr.rel @p1 .LBB2_2-.Ltmp0, $4  }
0x3b: {  	[spmem:s1] =	stream.indirect.scatter.add.f32 [tilespmem:s11], [sflag:$0x3], $0x80, s13, s13, $0xb8;
	[tilespmem:$0x17D00] =	vst v63  }
0x3c: {  	_ =	swait.ge [sflag:s12], $0x4000  }
0x3d: {  	[sflag:s12] =	ssyncset.done $0x0  }
0x3e: {  	s20 =	sadd.s32 $0x510, s20;
	[sflag:s12] =	ssyncadd.s32 $0xFFFFC000  }
0x3f: {  	[tilespmem:s13], [sflag:$0x2] =	stream.linear.gather [hbm4b:s20+s2], $0x80, $0x38;
	[tilespmem:$0x17D00] =	vst v63  }
0x40: {  	_ =	swait.ge [sflag:s14], $0x80  }
0x41: {  	[sflag:s14] =	ssyncset.done $0x0  }
0x42: {  	[sflag:s14] =	ssyncadd.s32 $0xFFFFFF80  }
0x43: {  	[spmem:s1] =	stream.indirect.scatter.add.f32 [tilespmem:s11], [sflag:$0x3], $0x80, s2, s13, $0xb8;
	[tilespmem:$0x17D00] =	vst v63  }
0x44: {  	_ =	swait.ge [sflag:s12], $0x4000  }
0x45: {  	[sflag:s12] =	ssyncset.done $0x0  }
0x46: {  	[sflag:s12] =	ssyncadd.s32 $0xFFFFC000  }
0x47: {  	_ =	swait.ge [sflag:s15], $0x80  }
0x48: {  	[sflag:s15] =	ssyncset.done $0x0  }
0x49: {  	[sflag:s15] =	ssyncadd.s32 $0xFFFFFF80  }
0x4a: {  	[spmem:s1] =	stream.indirect.scatter.add.f32 [tilespmem:s11], [sflag:$0x3], $0x80, s13, s13, $0xb8;
	[tilespmem:$0x17D00] =	vst v63  }
0x4b: {  	_ =	swait.ge [sflag:s12], $0x4000  }
0x4c: {  	s18 =	sadd.s32 $0x1, s18;
	[sflag:s12] =	ssyncset.done $0x0  }
0x4d: {  	p1 =	sne.s32 s18, s8;
	[sflag:s12] =	ssyncadd.s32 $0xFFFFC000  }
.Ltmp1:
0x4e: {  	[bflag:$0x0] =	sbarrier.arrive $0xFFFF;
	(pc) =	sbr.rel @p1 .LBB2_1-.Ltmp1, $4  }
0x4f: {  	[hbm:s7], [sflag:s16] =	dma.local [spmem:s17], $0x2780  }
0x50: {  	_ =	swait.ge [sflag:s12], $0x2780  }
0x51: {  	[sflag:s12] =	ssyncset.done $0x0  }
0x52: {  	[sflag:s12] =	ssyncadd.s32 $0xFFFFD880  }
0x53: {  	_ =	sfence.sel $0x180000  }
0x54: {  	[bflag:$0x0] =	sbarrier.arrive $0xFFFF  }
0x55: {  	_ =	strace $0x9000004A  }
0x56: {  	s0 =	sadd.s32 @!p0 $0x100000, s0;
	[bflag:$0x2] =	sbarrier.arrive $0xFFFF  }
0x57: {  	[sflag:s0] =	ssyncadd.tile.s32 @!p0 $0x1;
	_ =	shalt  }
.Lfunc_end2:
_tile_overlayer_lowered:
.L_overlay_start_2:
0x58: {  	(tag) =	ssettag $0x2  }
0x59: {  	s0 =	rddreg [dreg:$0x0];
	s2 =	stileid.u32  }
0x5a: {  	s1 =	rddreg [dreg:$0x1];
	p0 =	sne.s32 s2, $0x0  }
0x5b: {  	s3 =	rddreg [dreg:$0x2];
	[bflag:$0x3] =	sbarrier.arrive $0xFFFF;
	s2 =	simm.s32 @!p0 $0x1C03  }
0x5c: {  	[timem:s3], [sflag:s2] =	dma.local @!p0 [hbm:s0], s1  }
0x5d: {  	s0 =	simm.s32 @!p0 $0x3  }
0x5e: {  	_ =	swait.ge @!p0 [sflag:s0], s1  }
0x5f: {  	s1 =	ssub.s32 @!p0 $0x0, s1;
	[sflag:s0] =	ssyncset.done @!p0 $0x0  }
0x60: {  	[sflag:s0] =	ssyncadd.s32 @!p0 s1  }
0x61: {  	[bflag:$0x3] =	sbarrier.arrive $0xFFFF  }
0x62: {  	_ =	shalt  }

// kernel: kernel.13.cloned.1.call-start
scs
__scs_entry_jumppad:
0x0: {  	(pc) =	sbr.rel $0x88, $3  }
0x1: {  	(tag) =	ssettag $0x0;
	lr =	simm.s32 $0x1  }
0x2: {  	[smem:$0x3F99] =	sst lr;
	_ =	strace $0xD0000000  }
0x3: {  	_ = 	snop  }
0x4: {  	_ = 	snop  }
0x5: {  	_ = 	snop  }
0x6: {  	_ = 	snop  }
0x7: {  	_ = 	snop  }
__scs_overlays_trampoline_lowered:
0x8: {  	[smem:$0x3FA8] =	sst s0  }
0x9: {  	[smem:$0x3FA9] =	sst s1  }
0xa: {  	[smem:$0x3FAA] =	sst s2  }
0xb: {  	[smem:$0x3FAB] =	sst s3  }
0xc: {  	[smem:$0x3FAC] =	sst s4  }
0xd: {  	[smem:$0x3FAD] =	sst s5  }
0xe: {  	[smem:$0x3FAE] =	sst s6  }
0xf: {  	[smem:$0x3FAF] =	sst s7  }
0x10: {  	[smem:$0x3FB0] =	sst s8  }
0x11: {  	[smem:$0x3FB1] =	sst s9;
	s0 =	simm.s32 @!p0 $0x0  }
0x12: {  	s1 =	sld [smem:$0x3F97];
	s0 =	simm.s32 @p0 $0x1  }
0x13: {  	[smem:$0x3FB2] =	sst s0;
	s0 =	simm.s32 @!p1 $0x0  }
0x14: {  	s2 =	sld [smem:$0x3F96];
	s0 =	simm.s32 @p1 $0x1  }
0x15: {  	[smem:$0x3FB3] =	sst s0;
	s0 =	simm.s32 @!p2 $0x0  }
0x16: {  	s3 =	sld [smem:$0x3FDB];
	s0 =	simm.s32 @p2 $0x1  }
0x17: {  	s4 =	simm.s32 $0x1BF5;
	[smem:$0x3FB5] =	sst s0  }
0x18: {  	s0 =	sld [smem:$0x3F98];
	_ =	swait.ge [sflag:s4], $0x0  }
0x19: {  	s7 =	sld [smem:$0x3F99]  }
0x1a: {  	s8 =	sadd.s32 $0xFFFFE003, lr  }
0x1b: {  	s9 =	sadd.s32 $0xFFFFFEF7, lr;
	s5 =	simm.s32 $0xFFFFFFFF;
	p2 =	slt.u32 s8, $0xFFFFF086  }
0x1c: {  	p1 =	slt.u32 s9, $0xF7A;
	s5 =	simm.s32 @!p2 $0x0  }
0x1d: {  	s5 =	simm.s32 @p1 $0x1;
	p0 =	seq.s32 s7, s2  }
0x1e: {  	s7 =	smul.u32 @!p0 $0xF7A, s2;
	p2 =	seq.s32 @!p0 s5, $0x0  }
0x1f: {  	s9 =	smul.u32 $0xF7A, s1;
	s8 =	simm.s32 @!p0 $0x1BF5;
	p2 =	por !p2, p0  }
0x20: {  	[sflag:s8] =	ssyncset.s32 @!p0 $0xFFFFF086;
	s6 =	sadd.s32 @!p0 s3, s7;
	s7 =	simm.s32 @!p0 $0x108  }
0x21: {  	s3 =	sadd.s32 s3, s9;
	s6 =	sadd.s32 @!p0 $0x88, s6;
	s7 =	simm.s32 @p2 $0x1082  }
0x22: {  	[simem:s7], [sflag:s8] =	dma.local @!p0 [hbm:s6], $0xF7A  }
0x23: {  	s9 =	sor.u32 $0xD0000000, s2;
	s6 =	simm.s32 $0x108;
	_ =	swait.ge @!p0 [sflag:s8], $0x0  }
0x24: {  	s3 =	sadd.s32 $0x88, s3;
	s6 =	simm.s32 @!p1 $0x1082;
	[sflag:s4] =	ssyncset.s32 $0xFFFFF086  }
0x25: {  	[simem:s6], [sflag:s4] =	dma.local [hbm:s3], $0xF7A  }
0x26: {  	[smem:$0x3F99] =	sst s1;
	(tag) =	ssettag s2;
	_ =	strace s9  }
0x27: {  	s1 =	sld [smem:$0x3FA9]  }
0x28: {  	s2 =	sld [smem:$0x3FAA]  }
0x29: {  	s4 =	sld [smem:$0x3FAC]  }
0x2a: {  	p0 =	seq.s32 s5, $0x0;
	s5 =	sld [smem:$0x3FAD]  }
0x2b: {  	s6 =	sld [smem:$0x3FAE]  }
0x2c: {  	s7 =	sld [smem:$0x3FAF]  }
0x2d: {  	s3 =	simm.s32 $0x108;
	s8 =	sld [smem:$0x3FB0]  }
0x2e: {  	s3 =	simm.s32 @!p0 $0x1082;
	s9 =	sld [smem:$0x3FB1]  }
0x2f: {  	lr =	sadd.s32 s0, s3;
	s0 =	sld [smem:$0x3FA8]  }
0x30: {  	s3 =	sld [smem:$0x3FAB]  }
0x31: {  	[smem:$0x3FB4] =	sst s10  }
0x32: {  	s10 =	sld [smem:$0x3FB2];
	_ =	sdelay $0x3  }
0x33: {  	p0 =	seq.s32 s10, $0x1;
	s10 =	sld [smem:$0x3FB4];
	_ =	sdelay $0x3  }
0x34: {  	[smem:$0x3FB4] =	sst s10  }
0x35: {  	s10 =	sld [smem:$0x3FB3];
	_ =	sdelay $0x3  }
0x36: {  	p1 =	seq.s32 s10, $0x1;
	s10 =	sld [smem:$0x3FB4];
	_ =	sdelay $0x3  }
0x37: {  	[smem:$0x3FB4] =	sst s10  }
0x38: {  	s10 =	sld [smem:$0x3FB5]  }
0x39: {  	_ = 	snop;
	(pc) =	sbr.ind lr, $3  }
0x3a: {  	_ = 	snop  }
0x3b: {  	_ = 	snop  }
0x3c: {  	p2 =	seq.s32 s10, $0x1;
	s10 =	sld [smem:$0x3FB4]  }
0x3d: {  	_ =	shalt  }
0x3e: {  	_ =	shalt  }
0x3f: {  	_ =	shalt  }
0x40: {  	_ =	shalt  }
0x41: {  	_ =	shalt  }
0x42: {  	_ =	shalt  }
0x43: {  	_ =	shalt  }
0x44: {  	_ =	shalt  }
0x45: {  	_ =	shalt  }
0x46: {  	_ =	shalt  }
0x47: {  	_ =	shalt  }
0x48: {  	_ =	shalt  }
0x49: {  	_ =	shalt  }
0x4a: {  	_ =	shalt  }
0x4b: {  	_ =	shalt  }
0x4c: {  	_ =	shalt  }
0x4d: {  	_ =	shalt  }
0x4e: {  	_ =	shalt  }
0x4f: {  	_ =	shalt  }
0x50: {  	_ =	shalt  }
0x51: {  	_ =	shalt  }
0x52: {  	_ =	shalt  }
0x53: {  	_ =	shalt  }
0x54: {  	_ =	shalt  }
0x55: {  	_ =	shalt  }
0x56: {  	_ =	shalt  }
0x57: {  	_ =	shalt  }
0x58: {  	_ =	shalt  }
0x59: {  	_ =	shalt  }
0x5a: {  	_ =	shalt  }
0x5b: {  	_ =	shalt  }
0x5c: {  	_ =	shalt  }
0x5d: {  	_ =	shalt  }
0x5e: {  	_ =	shalt  }
0x5f: {  	_ =	shalt  }
0x60: {  	_ =	shalt  }
0x61: {  	_ =	shalt  }
0x62: {  	_ =	shalt  }
0x63: {  	_ =	shalt  }
0x64: {  	_ =	shalt  }
0x65: {  	_ =	shalt  }
0x66: {  	_ =	shalt  }
0x67: {  	_ =	shalt  }
0x68: {  	_ =	shalt  }
0x69: {  	_ =	shalt  }
0x6a: {  	_ =	shalt  }
0x6b: {  	_ =	shalt  }
0x6c: {  	_ =	shalt  }
0x6d: {  	_ =	shalt  }
0x6e: {  	_ =	shalt  }
0x6f: {  	_ =	shalt  }
0x70: {  	_ =	shalt  }
0x71: {  	_ =	shalt  }
0x72: {  	_ =	shalt  }
0x73: {  	_ =	shalt  }
0x74: {  	_ =	shalt  }
0x75: {  	_ =	shalt  }
0x76: {  	_ =	shalt  }
0x77: {  	_ =	shalt  }
0x78: {  	_ =	shalt  }
0x79: {  	_ =	shalt  }
0x7a: {  	_ =	shalt  }
0x7b: {  	_ =	shalt  }
0x7c: {  	_ =	shalt  }
0x7d: {  	_ =	shalt  }
0x7e: {  	_ =	shalt  }
0x7f: {  	_ =	shalt  }
0x80: {  	_ =	shalt  }
0x81: {  	_ =	shalt  }
0x82: {  	_ =	shalt  }
0x83: {  	_ =	shalt  }
0x84: {  	_ =	shalt  }
0x85: {  	_ =	shalt  }
0x86: {  	_ =	shalt  }
0x87: {  	_ =	shalt  }
.Lfunc_end0:
.L_simem_size_0:
called_computation.1_lowered:
.L_overlay_start_0:
0x88: {  	s2 =	sld [smem:$0x3FD9]  }
0x89: {  	s3 =	sld [smem:$0x3FFE];
	_ =	sdelay $0x1  }
0x8a: {  	s1 =	srdreg.scid  }
0x8b: {  	s0 =	sand.u32 $0x1, s1  }
0x8c: {  	s17 =	sshll.u32 s0, $0xA;
	s2 =	sadd.s32 s3, s2  }
0x8d: {  	s2 =	sadd.s32 s2, s17  }
0x8e: {  	[smem:$0x3FC0] =	sst s2  }
0x8f: {  	_ = 	snop  }
0x90: {  	s2 =	sld [smem:$0x3FD0];
	(tm) =	ssettm $0x1  }
0x91: {  	s18 =	sld [smem:$0x3FFB];
	_ =	sdelay $0x3  }
0x92: {  	_ =	strace s18  }
0x93: {  	s3 =	sld [smem:$0x3FFC];
	_ =	sdelay $0x3  }
0x94: {  	_ =	strace s3  }
0x95: {  	s3 =	sld [smem:$0x3FFD];
	_ =	sdelay $0x3  }
0x96: {  	_ =	strace s3  }
0x97: {  	_ =	strace $0x8FFFFFFF  }
0x98: {  	s19 =	sld [smem:$0x3FDB];
	_ =	sdelay $0x1  }
0x99: {  	s4 =	simm.s32 $_scs_section_size  }
0x9a: {  	s5 =	simm.s32 $_size__tile_overlayer_lowered;
	s6 =	simm.s32 $_tile_overlayer_lowered  }
0x9b: {  	s22 =	simm.s32 $0x1BFF;
	s21 =	sshll.u32 s6, $0x1;
	s3 =	sadd.s32 s4, s19  }
0x9c: {  	s7 =	simm.s32 $0x0;
	s20 =	sshll.u32 s5, $0x1;
	s5 =	sadd.s32 s21, s3  }
0x9d: {  	[timem:s7], [sflag:s22] =	dma.local [hbm:s5], s20  }
0x9e: {  	_ =	swait.ge [sflag:s22], s20  }
0x9f: {  	s4 =	ssub.s32 $0x0, s20;
	[sflag:s22] =	ssyncset.done $0x0  }
0xa0: {  	[sflag:s22] =	ssyncadd.s32 s4;
	_ =	sdelay $0x1  }
0xa1: {  	s23 =	simm.s32 $0x1B8B  }
0xa2: {  	_ =	swait.ge [sflag:s23], $0x1  }
0xa3: {  	[sflag:s23] =	ssyncset.done $0x0  }
0xa4: {  	s25 =	simm.s32 $0x1B8E;
	s24 =	sld [smem:$0x3FFE];
	[sflag:s23] =	ssyncadd.s32 $0xFFFFFFFF  }
0xa5: {  	s26 =	simm.s32 $execute0_lowered;
	[smem:$0x3FD2] =	sst s25  }
0xa6: {  	s5 =	sshll.u32 s26, $0x1;
	_ =	strace $0x80000046;
	[dreg:$0x1] =	wrdreg $0xFFFFFFFF  }
0xa7: {  	s28 =	simm.s32 $_size_execute0_lowered;
	s3 =	sadd.s32 s3, s5;
	[dreg:$0x0] =	wrdreg $0x0  }
0xa8: {  	s5 =	sshll.u32 s28, $0x1;
	[dreg:$0x2] =	wrdreg s3  }
0xa9: {  	[dreg:$0x3] =	wrdreg s5  }
0xaa: {  	[dreg:$0x4] =	wrdreg $0xC0  }
0xab: {  	_ =	task [dreg:s7], $0x5FFFF  }
0xac: {  	[dreg:$0x1] =	wrdreg $0xFFFFFFFF  }
0xad: {  	[dreg:$0x0] =	wrdreg $0x60  }
0xae: {  	[dreg:$0x2] =	wrdreg s2  }
0xaf: {  	[dreg:$0x3] =	wrdreg s24  }
0xb0: {  	[dreg:$0x4] =	wrdreg $0xBD000  }
0xb1: {  	[dreg:$0x5] =	wrdreg $0xA  }
0xb2: {  	_ =	task.clear_ibuf [dreg:s7], $0x6FFFF;
	_ =	strace $0x90000046  }
0xb3: {  	s29 =	simm.s32 $0xA;
	_ =	strace $0x80000048  }
0xb4: {  	_ =	swait.ge [sflag:s29], $0x1  }
0xb5: {  	[sflag:s29] =	ssyncadd.s32 $0xFFFFFFFF  }
0xb6: {  	_ =	strace $0x90000048  }
0xb7: {  	_ =	sfence  }
0xb8: {  	s30 =	sld [smem:$0x0];
	_ =	sdelay $0x2  }
0xb9: {  	s31 =	sshll.u32 s1, $0xD;
	s1 =	sshrl.u32 s1, $0x2  }
0xba: {  	s3 =	sand.u32 $0x4000, s31;
	s1 =	sadd.s32 s1, s30  }
0xbb: {  	s0 =	sor.u32 s3, s0;
	s1 =	sshll.u32 s1, $0x11  }
0xbc: {  	s0 =	sor.u32 s1, s0  }
0xbd: {  	s0 =	sadd.s32 $0x8F2B, s0  }
0xbe: {  	[sflag:s0] =	ssyncadd.remote.s32 $0x1  }
0xbf: {  	_ =	sfence.sel $0xFFFF  }
0xc0: {  	[dreg:$0x0] =	wrdreg $0xFFFFFFFF;
	(pc) =	sbr.abs _section_cstart, $3  }
0xc1: {  	[dreg:$0x1] =	wrdreg $0xFFFFFFFF  }
0xc2: {  	_ =	task.clear_ibuf [dreg:s7], $0x2FFFF;
	_ =	strace $0x9FFFFFFF  }
0xc3: {  	(tm) =	ssettm $0x7FFFFFFF  }
tec
execute0_lowered:
.L_overlay_start_1:
0x0: {  	(tag) =	ssettag $0x1  }
0x1: {  	s0 =	rddreg [dreg:$0x0]  }
0x2: {  	s1 =	rddreg [dreg:$0x1];
	s3 =	srdreg.scid  }
0x3: {  	s2 =	rddreg [dreg:$0x2];
	s13 =	stileid.u32  }
0x4: {  	s4 =	simm.s32 $0x0;
	s15 =	simm.s32 $0x3C00;
	s16 =	simm.s32 $0x3C80  }
0x5: {  	s17 =	simm.s32 $0x40;
	s18 =	simm.s32 $0x3D00;
	s6 =	smul.u32 $0x13C00, s13  }
0x6: {  	s28 =	simm.s32 $0x2;
	s29 =	simm.s32 $0x4;
	s10 =	smul.u32 $0x5000, s13  }
0x7: {  	s30 =	simm.s32 $0x0;
	s3 =	sand.u32 $0x1, s3;
	s11 =	smul.u32 $0xA0, s13  }
0x8: {  	[smem:$0x7FF] =	sst s4;
	s7 =	sadd.s32 $0x1C00, s1;
	s12 =	smul.u32 $0xA00, s13  }
0x9: {  	s19 =	sadd.s32 $0xBC00, s1;
	s8 =	sadd.s32 $0x15C00, s1;
	s25 =	smul.u32 $0x4F000, s13  }
0xa: {  	p0 =	sne.s32 s13, $0x0;
	s5 =	smul.u32 $0x13C000, s3;
	_ =	strace $0x80000047  }
0xb: {  	[dreg:$0x4] =	wrdreg s8;
	s20 =	ssub.s32 $0x2, s3;
	s21 =	ssub.s32 $0x0, s3  }
0xc: {  	s14 =	sshrl.u32 @!p0 s2, $0x3;
	p1 =	sne.s32 s3, $0x0;
	s9 =	sshrl.u32 s20, $0x1  }
0xd: {  	s22 =	sand.u32 $0x78, s21;
	s23 =	sshrl.u32 s10, $0x3;
	s21 =	simm.s32 $0x7D00  }
0xe: {  	s5 =	sadd.s32 s6, s5;
	s11 =	sadd.s32 s11, s22;
	s8 =	sadd.s32 s7, s23  }
0xf: {  	s7 =	sadd.s32 s7, s12;
	s26 =	sshll.u32 s22, $0x7;
	s22 =	simm.s32 $0x9D00  }
0x10: {  	s23 =	simm.s32 $0x3;
	s5 =	sshrl.u32 s5, $0x3;
	s8 =	sadd.s32 $0x780, s8  }
0x11: {  	s24 =	sshll.u32 s11, $0x4;
	[dreg:$0x6] =	wrdreg s7;
	s11 =	sshrl.u32 s25, $0x2  }
0x12: {  	s7 =	sadd.s32 s26, s10;
	s1 =	sadd.s32 s5, s1;
	s5 =	ssub.s32 s20, s9  }
0x13: {  	[dreg:$0x5] =	wrdreg s8;
	s8 =	sadd.s32 s19, s24;
	s9 =	sadd.s32 s11, s2  }
0x14: {  	s24 =	sor.u32 $0x180, s7;
	s26 =	sor.u32 $0x100, s7;
	s20 =	simm.s32 $0x1  }
0x15: {  	s31 =	sadd.s32 $0x10, s8;
	s10 =	sadd.s32 $0x3D400, s1;
	s11 =	smax.u32 s5, $0x1  }
0x16: {  	s25 =	sshrl.u32 s24, $0x3;
	s24 =	simm.s32 $0x80;
	[dreg:$0x7] =	wrdreg s31  }
0x17: {  	s7 =	sadd.s32 s25, s19;
	s31 =	sshrl.u32 s26, $0x3;
	s25 =	sshrl.u32 s9, $0x3  }
0x18: {  	s26 =	simm.s32 $0x5;
	s13 =	sadd.s32 s31, s19;
	s19 =	simm.s32 $0x5D00  }
.LBB2_1:
0x19: {  	s1 =	simm.s32 @!p0 $0x1C05;
	s3 =	rddreg [dreg:$0x4]  }
0x1a: {  	[spmem:s14], [sflag:s1] =	dma.local @!p0 [hbm:s3], $0x27800  }
0x1b: {  	s1 =	simm.s32 @!p0 $0x5  }
0x1c: {  	_ =	swait.ge @!p0 [sflag:s1], $0x27800  }
0x1d: {  	[sflag:s1] =	ssyncset.done @!p0 $0x0  }
0x1e: {  	s3 =	rddreg [dreg:$0x5];
	[sflag:s1] =	ssyncadd.s32 @!p0 $0xFFFD8800;
	s1 =	simm.s32 @p1 $0x0  }
0x1f: {  	[tilespmem:s1], [sflag:$0x5] =	stream.linear.gather @p1 [hbm4b:s3+s1], $0x1400, $0x38;
	[tilespmem:$0x1F900] =	vst v63  }
0x20: {  	s1 =	simm.s32 @p1 $0x5  }
0x21: {  	_ =	swait.ge @p1 [sflag:s1], $0x1400  }
0x22: {  	[sflag:s1] =	ssyncset.done @p1 $0x0  }
0x23: {  	s3 =	rddreg [dreg:$0x6];
	[sflag:s1] =	ssyncadd.s32 @p1 $0xFFFFEC00;
	s1 =	simm.s32 @!p1 $0x0  }
0x24: {  	[tilespmem:s1], [sflag:$0x5] =	stream.linear.gather @!p1 [hbm4b:s3+s1], $0x3C00, $0x38;
	[tilespmem:$0x1F900] =	vst v63  }
0x25: {  	s1 =	simm.s32 @!p1 $0x5  }
0x26: {  	_ =	swait.ge @!p1 [sflag:s1], $0x3C00  }
0x27: {  	[sflag:s1] =	ssyncset.done @!p1 $0x0  }
0x28: {  	[sflag:s1] =	ssyncadd.s32 @!p1 $0xFFFFC400  }
0x29: {  	[bflag:$0x0] =	sbarrier.arrive $0xFFFF  }
0x2a: {  	[tilespmem:s15], [sflag:$0x3] =	stream.linear.gather [hbm4b:s8+s4], $0x80, $0x38;
	[tilespmem:$0x1F900] =	vst v63  }
0x2b: {  	s5 =	rddreg [dreg:$0x7]  }
0x2c: {  	[tilespmem:s16], [sflag:$0x4] =	stream.linear.gather [hbm4b:s5+s4], $0x80, $0x38;
	[tilespmem:$0x1F900] =	vst v63  }
0x2d: {  	_ = 	snop  }
0x2e: {  	[tilespmem:s18], [sflag:$0x1] =	stream.indirect.gather [hbm4b:s0+s17], $0x80, s4, s17, $0xb8;
	[tilespmem:$0x1F900] =	vst v63  }
0x2f: {  	_ = 	snop  }
0x30: {  	[tilespmem:s19], [sflag:$0x1] =	stream.indirect.gather [hbm4b:s0+s17], $0x80, s17, s17, $0xb8;
	[tilespmem:$0x1F900] =	vst v63  }
0x31: {  	_ =	swait.ge [sflag:s20], $0x2000  }
0x32: {  	[sflag:s20] =	ssyncset.done $0x0  }
0x33: {  	[sflag:s20] =	ssyncadd.s32 $0xFFFFE000  }
0x34: {  	_ =	swait.ge [sflag:s20], $0x2000  }
0x35: {  	[sflag:s20] =	ssyncset.done $0x0  }
0x36: {  	s6 =	simm.s32 $0x80;
	[sflag:s20] =	ssyncadd.s32 $0xFFFFE000  }
0x37: {  	[tilespmem:s21], [sflag:$0x2] =	stream.indirect.gather [hbm4b:s0+s17], $0x80, s6, s17, $0xb8;
	[tilespmem:$0x1F900] =	vst v63  }
0x38: {  	s1 =	simm.s32 $0xC0  }
0x39: {  	[tilespmem:s22], [sflag:$0x2] =	stream.indirect.gather [hbm4b:s0+s17], $0x80, s1, s17, $0xb8;
	[tilespmem:$0x1F900] =	vst v63  }
0x3a: {  	_ =	swait.ge [sflag:s23], $0x80  }
0x3b: {  	[sflag:s23] =	ssyncset.done $0x0  }
0x3c: {  	[sflag:s23] =	ssyncadd.s32 $0xFFFFFF80  }
0x3d: {  	[spmem:s2] =	stream.indirect.scatter.add.f32 [tilespmem:s18], [sflag:$0x5], $0x80, s15, s24, $0xb8;
	[tilespmem:$0x1F900] =	vst v63  }
0x3e: {  	_ =	swait.ge [sflag:s26], $0x4000  }
0x3f: {  	[sflag:s26] =	ssyncset.done $0x0  }
0x40: {  	[sflag:s26] =	ssyncadd.s32 $0xFFFFC000  }
0x41: {  	[tilespmem:s15], [sflag:$0x3] =	stream.linear.gather [hbm4b:s13+s4], $0x80, $0x38;
	[tilespmem:$0x1F900] =	vst v63  }
0x42: {  	_ =	swait.ge [sflag:s28], $0x2000  }
0x43: {  	[sflag:s28] =	ssyncset.done $0x0  }
0x44: {  	[sflag:s28] =	ssyncadd.s32 $0xFFFFE000  }
0x45: {  	_ =	swait.ge [sflag:s28], $0x2000  }
0x46: {  	[sflag:s28] =	ssyncset.done $0x0  }
0x47: {  	s9 =	simm.s32 $0x100;
	[sflag:s28] =	ssyncadd.s32 $0xFFFFE000  }
0x48: {  	[tilespmem:s18], [sflag:$0x1] =	stream.indirect.gather [hbm4b:s0+s17], $0x80, s9, s17, $0xb8;
	[tilespmem:$0x1F900] =	vst v63  }
0x49: {  	s12 =	simm.s32 $0x140;
	s3 =	simm.s32 @!p1 $0x3B  }
0x4a: {  	[tilespmem:s19], [sflag:$0x1] =	stream.indirect.gather [hbm4b:s0+s17], $0x80, s12, s17, $0xb8;
	[tilespmem:$0x1F900] =	vst v63  }
0x4b: {  	s3 =	simm.s32 @p1 $0x13;
	_ =	swait.ge [sflag:s29], $0x80  }
0x4c: {  	p2 =	sne.s32 s3, $0x1;
	[sflag:s29] =	ssyncset.done $0x0  }
.Ltmp0:
0x4d: {  	[sflag:s29] =	ssyncadd.s32 $0xFFFFFF80;
	(pc) =	sbr.rel @!p2 .LBB2_3-.Ltmp0, $4  }
0x4e: {  	[spmem:s2] =	stream.indirect.scatter.add.f32 [tilespmem:s21], [sflag:$0x5], $0x80, s16, s24, $0xb8;
	[tilespmem:$0x1F900] =	vst v63  }
0x4f: {  	s31 =	simm.s32 $0x1C0;
	_ =	swait.ge [sflag:s26], $0x4000  }
0x50: {  	s3 =	sadd.s32 $0xFFFFFFFF, s3;
	s5 =	sadd.s32 $0x20, s13;
	[sflag:s26] =	ssyncset.done $0x0  }
0x51: {  	s6 =	sadd.s32 $0x20, s7;
	s12 =	smov.u32 s7;
	[sflag:s26] =	ssyncadd.s32 $0xFFFFC000  }
.LBB2_2:
0x52: {  	s1 =	smov.u32 s31  }
0x53: {  	[tilespmem:s16], [sflag:$0x4] =	stream.linear.gather [hbm4b:s12+s4], $0x80, $0x38;
	[tilespmem:$0x1F900] =	vst v63  }
0x54: {  	p2 =	sne.s32 s3, $0x1;
	s3 =	sadd.s32 $0xFFFFFFFF, s3;
	_ =	swait.ge [sflag:s20], $0x2000  }
0x55: {  	s12 =	smov.u32 s6;
	[sflag:s20] =	ssyncset.done $0x0  }
0x56: {  	[sflag:s20] =	ssyncadd.s32 $0xFFFFE000  }
0x57: {  	_ =	swait.ge [sflag:s20], $0x2000  }
0x58: {  	[sflag:s20] =	ssyncset.done $0x0  }
0x59: {  	s9 =	sadd.s32 $0xFFFFFFC0, s31;
	[sflag:s20] =	ssyncadd.s32 $0xFFFFE000  }
0x5a: {  	[tilespmem:s21], [sflag:$0x2] =	stream.indirect.gather [hbm4b:s0+s17], $0x80, s9, s17, $0xb8;
	[tilespmem:$0x1F900] =	vst v63  }
0x5b: {  	_ = 	snop  }
0x5c: {  	[tilespmem:s22], [sflag:$0x2] =	stream.indirect.gather [hbm4b:s0+s17], $0x80, s31, s17, $0xb8;
	[tilespmem:$0x1F900] =	vst v63  }
0x5d: {  	_ =	swait.ge [sflag:s23], $0x80  }
0x5e: {  	[sflag:s23] =	ssyncset.done $0x0  }
0x5f: {  	[sflag:s23] =	ssyncadd.s32 $0xFFFFFF80  }
0x60: {  	[spmem:s2] =	stream.indirect.scatter.add.f32 [tilespmem:s18], [sflag:$0x5], $0x80, s15, s24, $0xb8;
	[tilespmem:$0x1F900] =	vst v63  }
0x61: {  	_ =	swait.ge [sflag:s26], $0x4000  }
0x62: {  	[sflag:s26] =	ssyncset.done $0x0  }
0x63: {  	[sflag:s26] =	ssyncadd.s32 $0xFFFFC000  }
0x64: {  	[tilespmem:s15], [sflag:$0x3] =	stream.linear.gather [hbm4b:s5+s4], $0x80, $0x38;
	[tilespmem:$0x1F900] =	vst v63  }
0x65: {  	_ =	swait.ge [sflag:s28], $0x2000  }
0x66: {  	[sflag:s28] =	ssyncset.done $0x0  }
0x67: {  	[sflag:s28] =	ssyncadd.s32 $0xFFFFE000  }
0x68: {  	_ =	swait.ge [sflag:s28], $0x2000  }
0x69: {  	[sflag:s28] =	ssyncset.done $0x0  }
0x6a: {  	s9 =	sadd.s32 $0x40, s31;
	[sflag:s28] =	ssyncadd.s32 $0xFFFFE000  }
0x6b: {  	[tilespmem:s18], [sflag:$0x1] =	stream.indirect.gather [hbm4b:s0+s17], $0x80, s9, s17, $0xb8;
	[tilespmem:$0x1F900] =	vst v63  }
0x6c: {  	s9 =	sadd.s32 $0x80, s31  }
0x6d: {  	[tilespmem:s19], [sflag:$0x1] =	stream.indirect.gather [hbm4b:s0+s17], $0x80, s9, s17, $0xb8;
	[tilespmem:$0x1F900] =	vst v63  }
0x6e: {  	_ =	swait.ge [sflag:s29], $0x80  }
0x6f: {  	[sflag:s29] =	ssyncset.done $0x0  }
.Ltmp1:
0x70: {  	[sflag:s29] =	ssyncadd.s32 $0xFFFFFF80;
	(pc) =	sbr.rel @p2 .LBB2_2-.Ltmp1, $4  }
0x71: {  	[spmem:s2] =	stream.indirect.scatter.add.f32 [tilespmem:s21], [sflag:$0x5], $0x80, s16, s24, $0xb8;
	[tilespmem:$0x1F900] =	vst v63  }
0x72: {  	_ =	swait.ge [sflag:s26], $0x4000  }
0x73: {  	s5 =	sadd.s32 $0x20, s5;
	[sflag:s26] =	ssyncset.done $0x0  }
0x74: {  	s6 =	sadd.s32 $0x20, s6;
	s31 =	sadd.s32 $0x100, s31;
	[sflag:s26] =	ssyncadd.s32 $0xFFFFC000  }
.LBB2_3:
0x75: {  	[tilespmem:s16], [sflag:$0x4] =	stream.linear.gather [hbm4b:s12+s4], $0x80, $0x38;
	[tilespmem:$0x1F900] =	vst v63  }
0x76: {  	_ =	swait.ge [sflag:s20], $0x2000  }
0x77: {  	[sflag:s20] =	ssyncset.done $0x0  }
0x78: {  	[sflag:s20] =	ssyncadd.s32 $0xFFFFE000  }
0x79: {  	_ =	swait.ge [sflag:s20], $0x2000  }
0x7a: {  	[sflag:s20] =	ssyncset.done $0x0  }
0x7b: {  	s1 =	sadd.s32 $0xC0, s1;
	[sflag:s20] =	ssyncadd.s32 $0xFFFFE000  }
0x7c: {  	[tilespmem:s21], [sflag:$0x2] =	stream.indirect.gather [hbm4b:s0+s17], $0x80, s1, s17, $0xb8;
	[tilespmem:$0x1F900] =	vst v63  }
0x7d: {  	_ = 	snop  }
0x7e: {  	[tilespmem:s22], [sflag:$0x2] =	stream.indirect.gather [hbm4b:s0+s17], $0x80, s31, s17, $0xb8;
	[tilespmem:$0x1F900] =	vst v63  }
0x7f: {  	_ =	swait.ge [sflag:s23], $0x80  }
0x80: {  	[sflag:s23] =	ssyncset.done $0x0  }
0x81: {  	[sflag:s23] =	ssyncadd.s32 $0xFFFFFF80  }
0x82: {  	[spmem:s2] =	stream.indirect.scatter.add.f32 [tilespmem:s18], [sflag:$0x5], $0x80, s15, s24, $0xb8;
	[tilespmem:$0x1F900] =	vst v63  }
0x83: {  	_ =	swait.ge [sflag:s26], $0x4000  }
0x84: {  	[sflag:s26] =	ssyncset.done $0x0  }
0x85: {  	[sflag:s26] =	ssyncadd.s32 $0xFFFFC000  }
0x86: {  	_ =	swait.ge [sflag:s28], $0x2000  }
0x87: {  	[sflag:s28] =	ssyncset.done $0x0  }
0x88: {  	[sflag:s28] =	ssyncadd.s32 $0xFFFFE000  }
0x89: {  	_ =	swait.ge [sflag:s28], $0x2000  }
0x8a: {  	[sflag:s28] =	ssyncset.done $0x0  }
0x8b: {  	[sflag:s28] =	ssyncadd.s32 $0xFFFFE000  }
0x8c: {  	_ =	swait.ge [sflag:s29], $0x80  }
0x8d: {  	[sflag:s29] =	ssyncset.done $0x0  }
0x8e: {  	[sflag:s29] =	ssyncadd.s32 $0xFFFFFF80  }
0x8f: {  	[spmem:s2] =	stream.indirect.scatter.add.f32 [tilespmem:s21], [sflag:$0x5], $0x80, s16, s24, $0xb8;
	[tilespmem:$0x1F900] =	vst v63  }
0x90: {  	_ =	swait.ge [sflag:s26], $0x4000  }
0x91: {  	s30 =	sadd.s32 $0x1, s30;
	s31 =	stileid.u32;
	[sflag:s26] =	ssyncset.done $0x0  }
0x92: {  	p2 =	sne.s32 s30, s11;
	s1 =	sshll.u32 s31, $0x6;
	[sflag:s26] =	ssyncadd.s32 $0xFFFFC000  }
.Ltmp2:
0x93: {  	s1 =	sor.u32 $0x1C05, s1;
	[bflag:$0x0] =	sbarrier.arrive $0xFFFF;
	(pc) =	sbr.rel @p2 .LBB2_1-.Ltmp2, $4  }
0x94: {  	[hbm:s10], [sflag:s1] =	dma.local [spmem:s25], $0x2780  }
0x95: {  	_ =	swait.ge [sflag:s26], $0x2780  }
0x96: {  	[sflag:s26] =	ssyncset.done $0x0  }
0x97: {  	[sflag:s26] =	ssyncadd.s32 $0xFFFFD880  }
0x98: {  	_ =	sfence.sel $0x180000  }
0x99: {  	[bflag:$0x0] =	sbarrier.arrive $0xFFFF  }
0x9a: {  	_ =	strace $0x90000047  }
0x9b: {  	[bflag:$0x2] =	sbarrier.arrive $0xFFFF  }
0x9c: {  	s0 =	rddreg [dreg:$0x3]  }
0x9d: {  	s0 =	sadd.s32 @!p0 $0x100000, s0  }
0x9e: {  	[sflag:s0] =	ssyncadd.tile.s32 @!p0 $0x1;
	_ =	shalt  }
.Lfunc_end2:
_tile_overlayer_lowered:
.L_overlay_start_2:
0x9f: {  	(tag) =	ssettag $0x2  }
0xa0: {  	s0 =	rddreg [dreg:$0x0];
	s2 =	stileid.u32  }
0xa1: {  	s1 =	rddreg [dreg:$0x1];
	p0 =	sne.s32 s2, $0x0  }
0xa2: {  	s3 =	rddreg [dreg:$0x2];
	[bflag:$0x3] =	sbarrier.arrive $0xFFFF;
	s2 =	simm.s32 @!p0 $0x1C05  }
0xa3: {  	[timem:s3], [sflag:s2] =	dma.local @!p0 [hbm:s0], s1  }
0xa4: {  	s0 =	simm.s32 @!p0 $0x5  }
0xa5: {  	_ =	swait.ge @!p0 [sflag:s0], s1  }
0xa6: {  	s1 =	ssub.s32 @!p0 $0x0, s1;
	[sflag:s0] =	ssyncset.done @!p0 $0x0  }
0xa7: {  	[sflag:s0] =	ssyncadd.s32 @!p0 s1  }
0xa8: {  	[bflag:$0x3] =	sbarrier.arrive $0xFFFF  }
0xa9: {  	_ =	shalt  }

// kernel: kernel.16.cloned.1.call-start
scs
__scs_entry_jumppad:
0x0: {  	(pc) =	sbr.rel $0x88, $3  }
0x1: {  	(tag) =	ssettag $0x0;
	lr =	simm.s32 $0x1  }
0x2: {  	[smem:$0x3F99] =	sst lr;
	_ =	strace $0xD0000000  }
0x3: {  	_ = 	snop  }
0x4: {  	_ = 	snop  }
0x5: {  	_ = 	snop  }
0x6: {  	_ = 	snop  }
0x7: {  	_ = 	snop  }
__scs_overlays_trampoline_lowered:
0x8: {  	[smem:$0x3FA8] =	sst s0  }
0x9: {  	[smem:$0x3FA9] =	sst s1  }
0xa: {  	[smem:$0x3FAA] =	sst s2  }
0xb: {  	[smem:$0x3FAB] =	sst s3  }
0xc: {  	[smem:$0x3FAC] =	sst s4  }
0xd: {  	[smem:$0x3FAD] =	sst s5  }
0xe: {  	[smem:$0x3FAE] =	sst s6  }
0xf: {  	[smem:$0x3FAF] =	sst s7  }
0x10: {  	[smem:$0x3FB0] =	sst s8  }
0x11: {  	[smem:$0x3FB1] =	sst s9;
	s0 =	simm.s32 @!p0 $0x0  }
0x12: {  	s1 =	sld [smem:$0x3F97];
	s0 =	simm.s32 @p0 $0x1  }
0x13: {  	[smem:$0x3FB2] =	sst s0;
	s0 =	simm.s32 @!p1 $0x0  }
0x14: {  	s2 =	sld [smem:$0x3F96];
	s0 =	simm.s32 @p1 $0x1  }
0x15: {  	[smem:$0x3FB3] =	sst s0;
	s0 =	simm.s32 @!p2 $0x0  }
0x16: {  	s3 =	sld [smem:$0x3FDB];
	s0 =	simm.s32 @p2 $0x1  }
0x17: {  	s4 =	simm.s32 $0x1BF5;
	[smem:$0x3FB5] =	sst s0  }
0x18: {  	s0 =	sld [smem:$0x3F98];
	_ =	swait.ge [sflag:s4], $0x0  }
0x19: {  	s7 =	sld [smem:$0x3F99]  }
0x1a: {  	s8 =	sadd.s32 $0xFFFFE003, lr  }
0x1b: {  	s9 =	sadd.s32 $0xFFFFFEF7, lr;
	s5 =	simm.s32 $0xFFFFFFFF;
	p2 =	slt.u32 s8, $0xFFFFF086  }
0x1c: {  	p1 =	slt.u32 s9, $0xF7A;
	s5 =	simm.s32 @!p2 $0x0  }
0x1d: {  	s5 =	simm.s32 @p1 $0x1;
	p0 =	seq.s32 s7, s2  }
0x1e: {  	s7 =	smul.u32 @!p0 $0xF7A, s2;
	p2 =	seq.s32 @!p0 s5, $0x0  }
0x1f: {  	s9 =	smul.u32 $0xF7A, s1;
	s8 =	simm.s32 @!p0 $0x1BF5;
	p2 =	por !p2, p0  }
0x20: {  	[sflag:s8] =	ssyncset.s32 @!p0 $0xFFFFF086;
	s6 =	sadd.s32 @!p0 s3, s7;
	s7 =	simm.s32 @!p0 $0x108  }
0x21: {  	s3 =	sadd.s32 s3, s9;
	s6 =	sadd.s32 @!p0 $0x88, s6;
	s7 =	simm.s32 @p2 $0x1082  }
0x22: {  	[simem:s7], [sflag:s8] =	dma.local @!p0 [hbm:s6], $0xF7A  }
0x23: {  	s9 =	sor.u32 $0xD0000000, s2;
	s6 =	simm.s32 $0x108;
	_ =	swait.ge @!p0 [sflag:s8], $0x0  }
0x24: {  	s3 =	sadd.s32 $0x88, s3;
	s6 =	simm.s32 @!p1 $0x1082;
	[sflag:s4] =	ssyncset.s32 $0xFFFFF086  }
0x25: {  	[simem:s6], [sflag:s4] =	dma.local [hbm:s3], $0xF7A  }
0x26: {  	[smem:$0x3F99] =	sst s1;
	(tag) =	ssettag s2;
	_ =	strace s9  }
0x27: {  	s1 =	sld [smem:$0x3FA9]  }
0x28: {  	s2 =	sld [smem:$0x3FAA]  }
0x29: {  	s4 =	sld [smem:$0x3FAC]  }
0x2a: {  	p0 =	seq.s32 s5, $0x0;
	s5 =	sld [smem:$0x3FAD]  }
0x2b: {  	s6 =	sld [smem:$0x3FAE]  }
0x2c: {  	s7 =	sld [smem:$0x3FAF]  }
0x2d: {  	s3 =	simm.s32 $0x108;
	s8 =	sld [smem:$0x3FB0]  }
0x2e: {  	s3 =	simm.s32 @!p0 $0x1082;
	s9 =	sld [smem:$0x3FB1]  }
0x2f: {  	lr =	sadd.s32 s0, s3;
	s0 =	sld [smem:$0x3FA8]  }
0x30: {  	s3 =	sld [smem:$0x3FAB]  }
0x31: {  	[smem:$0x3FB4] =	sst s10  }
0x32: {  	s10 =	sld [smem:$0x3FB2];
	_ =	sdelay $0x3  }
0x33: {  	p0 =	seq.s32 s10, $0x1;
	s10 =	sld [smem:$0x3FB4];
	_ =	sdelay $0x3  }
0x34: {  	[smem:$0x3FB4] =	sst s10  }
0x35: {  	s10 =	sld [smem:$0x3FB3];
	_ =	sdelay $0x3  }
0x36: {  	p1 =	seq.s32 s10, $0x1;
	s10 =	sld [smem:$0x3FB4];
	_ =	sdelay $0x3  }
0x37: {  	[smem:$0x3FB4] =	sst s10  }
0x38: {  	s10 =	sld [smem:$0x3FB5]  }
0x39: {  	_ = 	snop;
	(pc) =	sbr.ind lr, $3  }
0x3a: {  	_ = 	snop  }
0x3b: {  	_ = 	snop  }
0x3c: {  	p2 =	seq.s32 s10, $0x1;
	s10 =	sld [smem:$0x3FB4]  }
0x3d: {  	_ =	shalt  }
0x3e: {  	_ =	shalt  }
0x3f: {  	_ =	shalt  }
0x40: {  	_ =	shalt  }
0x41: {  	_ =	shalt  }
0x42: {  	_ =	shalt  }
0x43: {  	_ =	shalt  }
0x44: {  	_ =	shalt  }
0x45: {  	_ =	shalt  }
0x46: {  	_ =	shalt  }
0x47: {  	_ =	shalt  }
0x48: {  	_ =	shalt  }
0x49: {  	_ =	shalt  }
0x4a: {  	_ =	shalt  }
0x4b: {  	_ =	shalt  }
0x4c: {  	_ =	shalt  }
0x4d: {  	_ =	shalt  }
0x4e: {  	_ =	shalt  }
0x4f: {  	_ =	shalt  }
0x50: {  	_ =	shalt  }
0x51: {  	_ =	shalt  }
0x52: {  	_ =	shalt  }
0x53: {  	_ =	shalt  }
0x54: {  	_ =	shalt  }
0x55: {  	_ =	shalt  }
0x56: {  	_ =	shalt  }
0x57: {  	_ =	shalt  }
0x58: {  	_ =	shalt  }
0x59: {  	_ =	shalt  }
0x5a: {  	_ =	shalt  }
0x5b: {  	_ =	shalt  }
0x5c: {  	_ =	shalt  }
0x5d: {  	_ =	shalt  }
0x5e: {  	_ =	shalt  }
0x5f: {  	_ =	shalt  }
0x60: {  	_ =	shalt  }
0x61: {  	_ =	shalt  }
0x62: {  	_ =	shalt  }
0x63: {  	_ =	shalt  }
0x64: {  	_ =	shalt  }
0x65: {  	_ =	shalt  }
0x66: {  	_ =	shalt  }
0x67: {  	_ =	shalt  }
0x68: {  	_ =	shalt  }
0x69: {  	_ =	shalt  }
0x6a: {  	_ =	shalt  }
0x6b: {  	_ =	shalt  }
0x6c: {  	_ =	shalt  }
0x6d: {  	_ =	shalt  }
0x6e: {  	_ =	shalt  }
0x6f: {  	_ =	shalt  }
0x70: {  	_ =	shalt  }
0x71: {  	_ =	shalt  }
0x72: {  	_ =	shalt  }
0x73: {  	_ =	shalt  }
0x74: {  	_ =	shalt  }
0x75: {  	_ =	shalt  }
0x76: {  	_ =	shalt  }
0x77: {  	_ =	shalt  }
0x78: {  	_ =	shalt  }
0x79: {  	_ =	shalt  }
0x7a: {  	_ =	shalt  }
0x7b: {  	_ =	shalt  }
0x7c: {  	_ =	shalt  }
0x7d: {  	_ =	shalt  }
0x7e: {  	_ =	shalt  }
0x7f: {  	_ =	shalt  }
0x80: {  	_ =	shalt  }
0x81: {  	_ =	shalt  }
0x82: {  	_ =	shalt  }
0x83: {  	_ =	shalt  }
0x84: {  	_ =	shalt  }
0x85: {  	_ =	shalt  }
0x86: {  	_ =	shalt  }
0x87: {  	_ =	shalt  }
.Lfunc_end0:
.L_simem_size_0:
called_computation.2_lowered:
.L_overlay_start_0:
0x88: {  	s2 =	sld [smem:$0x3FD9]  }
0x89: {  	s3 =	sld [smem:$0x3FFE];
	_ =	sdelay $0x1  }
0x8a: {  	s1 =	srdreg.scid  }
0x8b: {  	s0 =	sand.u32 $0x1, s1  }
0x8c: {  	s17 =	sshll.u32 s0, $0xA;
	s2 =	sadd.s32 s3, s2  }
0x8d: {  	s2 =	sadd.s32 s2, s17  }
0x8e: {  	[smem:$0x3FC0] =	sst s2  }
0x8f: {  	_ = 	snop  }
0x90: {  	s2 =	sld [smem:$0x3FD0];
	(tm) =	ssettm $0x1  }
0x91: {  	s18 =	sld [smem:$0x3FFB];
	_ =	sdelay $0x3  }
0x92: {  	_ =	strace s18  }
0x93: {  	s3 =	sld [smem:$0x3FFC];
	_ =	sdelay $0x3  }
0x94: {  	_ =	strace s3  }
0x95: {  	s3 =	sld [smem:$0x3FFD];
	_ =	sdelay $0x3  }
0x96: {  	_ =	strace s3  }
0x97: {  	_ =	strace $0x8FFFFFFF  }
0x98: {  	s19 =	sld [smem:$0x3FDB];
	_ =	sdelay $0x1  }
0x99: {  	s4 =	simm.s32 $_scs_section_size  }
0x9a: {  	s5 =	simm.s32 $_size__tile_overlayer_lowered;
	s6 =	simm.s32 $_tile_overlayer_lowered  }
0x9b: {  	s22 =	simm.s32 $0x1BFF;
	s21 =	sshll.u32 s6, $0x1;
	s3 =	sadd.s32 s4, s19  }
0x9c: {  	s7 =	simm.s32 $0x0;
	s20 =	sshll.u32 s5, $0x1;
	s5 =	sadd.s32 s21, s3  }
0x9d: {  	[timem:s7], [sflag:s22] =	dma.local [hbm:s5], s20  }
0x9e: {  	_ =	swait.ge [sflag:s22], s20  }
0x9f: {  	s4 =	ssub.s32 $0x0, s20;
	[sflag:s22] =	ssyncset.done $0x0  }
0xa0: {  	[sflag:s22] =	ssyncadd.s32 s4;
	_ =	sdelay $0x1  }
0xa1: {  	s23 =	simm.s32 $0x1B8B  }
0xa2: {  	_ =	swait.ge [sflag:s23], $0x1  }
0xa3: {  	[sflag:s23] =	ssyncset.done $0x0  }
0xa4: {  	s25 =	simm.s32 $0x1B8E;
	s24 =	sld [smem:$0x3FFE];
	[sflag:s23] =	ssyncadd.s32 $0xFFFFFFFF  }
0xa5: {  	s26 =	simm.s32 $execute0_lowered;
	[smem:$0x3FD2] =	sst s25  }
0xa6: {  	s5 =	sshll.u32 s26, $0x1;
	_ =	strace $0x8000004C;
	[dreg:$0x1] =	wrdreg $0xFFFFFFFF  }
0xa7: {  	s28 =	simm.s32 $_size_execute0_lowered;
	s3 =	sadd.s32 s3, s5;
	[dreg:$0x0] =	wrdreg $0x0  }
0xa8: {  	s5 =	sshll.u32 s28, $0x1;
	[dreg:$0x2] =	wrdreg s3  }
0xa9: {  	[dreg:$0x3] =	wrdreg s5  }
0xaa: {  	[dreg:$0x4] =	wrdreg $0xC0  }
0xab: {  	_ =	task [dreg:s7], $0x5FFFF  }
0xac: {  	[dreg:$0x1] =	wrdreg $0xFFFFFFFF  }
0xad: {  	[dreg:$0x0] =	wrdreg $0x60  }
0xae: {  	[dreg:$0x2] =	wrdreg s2  }
0xaf: {  	[dreg:$0x3] =	wrdreg s24  }
0xb0: {  	[dreg:$0x4] =	wrdreg $0xBD000  }
0xb1: {  	[dreg:$0x5] =	wrdreg $0x9  }
0xb2: {  	_ =	task.clear_ibuf [dreg:s7], $0x6FFFF;
	_ =	strace $0x9000004C  }
0xb3: {  	s29 =	simm.s32 $0x9;
	_ =	strace $0x8000004E  }
0xb4: {  	_ =	swait.ge [sflag:s29], $0x1  }
0xb5: {  	[sflag:s29] =	ssyncadd.s32 $0xFFFFFFFF  }
0xb6: {  	_ =	strace $0x9000004E  }
0xb7: {  	_ =	sfence  }
0xb8: {  	s30 =	sld [smem:$0x0];
	_ =	sdelay $0x2  }
0xb9: {  	s31 =	sshll.u32 s1, $0xD;
	s1 =	sshrl.u32 s1, $0x2  }
0xba: {  	s3 =	sand.u32 $0x4000, s31;
	s1 =	sadd.s32 s1, s30  }
0xbb: {  	s0 =	sor.u32 s3, s0;
	s1 =	sshll.u32 s1, $0x11  }
0xbc: {  	s0 =	sor.u32 s1, s0  }
0xbd: {  	s0 =	sadd.s32 $0x8F2B, s0  }
0xbe: {  	[sflag:s0] =	ssyncadd.remote.s32 $0x1  }
0xbf: {  	_ =	sfence.sel $0xFFFF  }
0xc0: {  	[dreg:$0x0] =	wrdreg $0xFFFFFFFF;
	(pc) =	sbr.abs _section_cstart, $3  }
0xc1: {  	[dreg:$0x1] =	wrdreg $0xFFFFFFFF  }
0xc2: {  	_ =	task.clear_ibuf [dreg:s7], $0x2FFFF;
	_ =	strace $0x9FFFFFFF  }
0xc3: {  	(tm) =	ssettm $0x7FFFFFFF  }
tec
execute0_lowered:
.L_overlay_start_1:
0x0: {  	(tag) =	ssettag $0x1  }
0x1: {  	s0 =	rddreg [dreg:$0x0]  }
0x2: {  	s1 =	rddreg [dreg:$0x1];
	s3 =	srdreg.scid  }
0x3: {  	s2 =	rddreg [dreg:$0x2];
	s13 =	stileid.u32  }
0x4: {  	s4 =	simm.s32 $0x0;
	s15 =	simm.s32 $0x3C00;
	s16 =	simm.s32 $0x3C80  }
0x5: {  	s17 =	simm.s32 $0x40;
	s18 =	simm.s32 $0x3D00;
	s6 =	smul.u32 $0x13C00, s13  }
0x6: {  	s28 =	simm.s32 $0x2;
	s29 =	simm.s32 $0x4;
	s10 =	smul.u32 $0x5000, s13  }
0x7: {  	s30 =	simm.s32 $0x0;
	s3 =	sand.u32 $0x1, s3;
	s11 =	smul.u32 $0xA0, s13  }
0x8: {  	[smem:$0x7FF] =	sst s4;
	s7 =	sadd.s32 $0x1C00, s1;
	s12 =	smul.u32 $0xA00, s13  }
0x9: {  	s19 =	sadd.s32 $0xBC00, s1;
	s8 =	sadd.s32 $0x15C00, s1;
	s25 =	smul.u32 $0x4F000, s13  }
0xa: {  	p0 =	sne.s32 s13, $0x0;
	s5 =	smul.u32 $0x13C000, s3;
	_ =	strace $0x8000004D  }
0xb: {  	[dreg:$0x4] =	wrdreg s8;
	s20 =	ssub.s32 $0x2, s3;
	s21 =	ssub.s32 $0x0, s3  }
0xc: {  	s14 =	sshrl.u32 @!p0 s2, $0x3;
	p1 =	sne.s32 s3, $0x0;
	s9 =	sshrl.u32 s20, $0x1  }
0xd: {  	s22 =	sand.u32 $0x78, s21;
	s23 =	sshrl.u32 s10, $0x3;
	s21 =	simm.s32 $0x7D00  }
0xe: {  	s5 =	sadd.s32 s6, s5;
	s11 =	sadd.s32 s11, s22;
	s8 =	sadd.s32 s7, s23  }
0xf: {  	s7 =	sadd.s32 s7, s12;
	s26 =	sshll.u32 s22, $0x7;
	s22 =	simm.s32 $0x9D00  }
0x10: {  	s23 =	simm.s32 $0x3;
	s5 =	sshrl.u32 s5, $0x3;
	s8 =	sadd.s32 $0x780, s8  }
0x11: {  	s24 =	sshll.u32 s11, $0x4;
	[dreg:$0x6] =	wrdreg s7;
	s11 =	sshrl.u32 s25, $0x2  }
0x12: {  	s7 =	sadd.s32 s26, s10;
	s1 =	sadd.s32 s5, s1;
	s5 =	ssub.s32 s20, s9  }
0x13: {  	[dreg:$0x5] =	wrdreg s8;
	s8 =	sadd.s32 s19, s24;
	s9 =	sadd.s32 s11, s2  }
0x14: {  	s24 =	sor.u32 $0x180, s7;
	s26 =	sor.u32 $0x100, s7;
	s20 =	simm.s32 $0x1  }
0x15: {  	s31 =	sadd.s32 $0x10, s8;
	s10 =	sadd.s32 $0x3D400, s1;
	s11 =	smax.u32 s5, $0x1  }
0x16: {  	s25 =	sshrl.u32 s24, $0x3;
	s24 =	simm.s32 $0x80;
	[dreg:$0x7] =	wrdreg s31  }
0x17: {  	s7 =	sadd.s32 s25, s19;
	s31 =	sshrl.u32 s26, $0x3;
	s25 =	sshrl.u32 s9, $0x3  }
0x18: {  	s26 =	simm.s32 $0x5;
	s13 =	sadd.s32 s31, s19;
	s19 =	simm.s32 $0x5D00  }
.LBB2_1:
0x19: {  	s1 =	simm.s32 @!p0 $0x1C05;
	s3 =	rddreg [dreg:$0x4]  }
0x1a: {  	[spmem:s14], [sflag:s1] =	dma.local @!p0 [hbm:s3], $0x27800  }
0x1b: {  	s1 =	simm.s32 @!p0 $0x5  }
0x1c: {  	_ =	swait.ge @!p0 [sflag:s1], $0x27800  }
0x1d: {  	[sflag:s1] =	ssyncset.done @!p0 $0x0  }
0x1e: {  	s3 =	rddreg [dreg:$0x5];
	[sflag:s1] =	ssyncadd.s32 @!p0 $0xFFFD8800;
	s1 =	simm.s32 @p1 $0x0  }
0x1f: {  	[tilespmem:s1], [sflag:$0x5] =	stream.linear.gather @p1 [hbm4b:s3+s1], $0x1400, $0x38;
	[tilespmem:$0x1F900] =	vst v63  }
0x20: {  	s1 =	simm.s32 @p1 $0x5  }
0x21: {  	_ =	swait.ge @p1 [sflag:s1], $0x1400  }
0x22: {  	[sflag:s1] =	ssyncset.done @p1 $0x0  }
0x23: {  	s3 =	rddreg [dreg:$0x6];
	[sflag:s1] =	ssyncadd.s32 @p1 $0xFFFFEC00;
	s1 =	simm.s32 @!p1 $0x0  }
0x24: {  	[tilespmem:s1], [sflag:$0x5] =	stream.linear.gather @!p1 [hbm4b:s3+s1], $0x3C00, $0x38;
	[tilespmem:$0x1F900] =	vst v63  }
0x25: {  	s1 =	simm.s32 @!p1 $0x5  }
0x26: {  	_ =	swait.ge @!p1 [sflag:s1], $0x3C00  }
0x27: {  	[sflag:s1] =	ssyncset.done @!p1 $0x0  }
0x28: {  	[sflag:s1] =	ssyncadd.s32 @!p1 $0xFFFFC400  }
0x29: {  	[bflag:$0x0] =	sbarrier.arrive $0xFFFF  }
0x2a: {  	[tilespmem:s15], [sflag:$0x3] =	stream.linear.gather [hbm4b:s8+s4], $0x80, $0x38;
	[tilespmem:$0x1F900] =	vst v63  }
0x2b: {  	s5 =	rddreg [dreg:$0x7]  }
0x2c: {  	[tilespmem:s16], [sflag:$0x4] =	stream.linear.gather [hbm4b:s5+s4], $0x80, $0x38;
	[tilespmem:$0x1F900] =	vst v63  }
0x2d: {  	_ = 	snop  }
0x2e: {  	[tilespmem:s18], [sflag:$0x1] =	stream.indirect.gather [hbm4b:s0+s17], $0x80, s4, s17, $0xb8;
	[tilespmem:$0x1F900] =	vst v63  }
0x2f: {  	_ = 	snop  }
0x30: {  	[tilespmem:s19], [sflag:$0x1] =	stream.indirect.gather [hbm4b:s0+s17], $0x80, s17, s17, $0xb8;
	[tilespmem:$0x1F900] =	vst v63  }
0x31: {  	_ =	swait.ge [sflag:s20], $0x2000  }
0x32: {  	[sflag:s20] =	ssyncset.done $0x0  }
0x33: {  	[sflag:s20] =	ssyncadd.s32 $0xFFFFE000  }
0x34: {  	_ =	swait.ge [sflag:s20], $0x2000  }
0x35: {  	[sflag:s20] =	ssyncset.done $0x0  }
0x36: {  	s6 =	simm.s32 $0x80;
	[sflag:s20] =	ssyncadd.s32 $0xFFFFE000  }
0x37: {  	[tilespmem:s21], [sflag:$0x2] =	stream.indirect.gather [hbm4b:s0+s17], $0x80, s6, s17, $0xb8;
	[tilespmem:$0x1F900] =	vst v63  }
0x38: {  	s1 =	simm.s32 $0xC0  }
0x39: {  	[tilespmem:s22], [sflag:$0x2] =	stream.indirect.gather [hbm4b:s0+s17], $0x80, s1, s17, $0xb8;
	[tilespmem:$0x1F900] =	vst v63  }
0x3a: {  	_ =	swait.ge [sflag:s23], $0x80  }
0x3b: {  	[sflag:s23] =	ssyncset.done $0x0  }
0x3c: {  	[sflag:s23] =	ssyncadd.s32 $0xFFFFFF80  }
0x3d: {  	[spmem:s2] =	stream.indirect.scatter.add.f32 [tilespmem:s18], [sflag:$0x5], $0x80, s15, s24, $0xb8;
	[tilespmem:$0x1F900] =	vst v63  }
0x3e: {  	_ =	swait.ge [sflag:s26], $0x4000  }
0x3f: {  	[sflag:s26] =	ssyncset.done $0x0  }
0x40: {  	[sflag:s26] =	ssyncadd.s32 $0xFFFFC000  }
0x41: {  	[tilespmem:s15], [sflag:$0x3] =	stream.linear.gather [hbm4b:s13+s4], $0x80, $0x38;
	[tilespmem:$0x1F900] =	vst v63  }
0x42: {  	_ =	swait.ge [sflag:s28], $0x2000  }
0x43: {  	[sflag:s28] =	ssyncset.done $0x0  }
0x44: {  	[sflag:s28] =	ssyncadd.s32 $0xFFFFE000  }
0x45: {  	_ =	swait.ge [sflag:s28], $0x2000  }
0x46: {  	[sflag:s28] =	ssyncset.done $0x0  }
0x47: {  	s9 =	simm.s32 $0x100;
	[sflag:s28] =	ssyncadd.s32 $0xFFFFE000  }
0x48: {  	[tilespmem:s18], [sflag:$0x1] =	stream.indirect.gather [hbm4b:s0+s17], $0x80, s9, s17, $0xb8;
	[tilespmem:$0x1F900] =	vst v63  }
0x49: {  	s12 =	simm.s32 $0x140;
	s3 =	simm.s32 @!p1 $0x3B  }
0x4a: {  	[tilespmem:s19], [sflag:$0x1] =	stream.indirect.gather [hbm4b:s0+s17], $0x80, s12, s17, $0xb8;
	[tilespmem:$0x1F900] =	vst v63  }
0x4b: {  	s3 =	simm.s32 @p1 $0x13;
	_ =	swait.ge [sflag:s29], $0x80  }
0x4c: {  	p2 =	sne.s32 s3, $0x1;
	[sflag:s29] =	ssyncset.done $0x0  }
.Ltmp0:
0x4d: {  	[sflag:s29] =	ssyncadd.s32 $0xFFFFFF80;
	(pc) =	sbr.rel @!p2 .LBB2_3-.Ltmp0, $4  }
0x4e: {  	[spmem:s2] =	stream.indirect.scatter.add.f32 [tilespmem:s21], [sflag:$0x5], $0x80, s16, s24, $0xb8;
	[tilespmem:$0x1F900] =	vst v63  }
0x4f: {  	s31 =	simm.s32 $0x1C0;
	_ =	swait.ge [sflag:s26], $0x4000  }
0x50: {  	s3 =	sadd.s32 $0xFFFFFFFF, s3;
	s5 =	sadd.s32 $0x20, s13;
	[sflag:s26] =	ssyncset.done $0x0  }
0x51: {  	s6 =	sadd.s32 $0x20, s7;
	s12 =	smov.u32 s7;
	[sflag:s26] =	ssyncadd.s32 $0xFFFFC000  }
.LBB2_2:
0x52: {  	s1 =	smov.u32 s31  }
0x53: {  	[tilespmem:s16], [sflag:$0x4] =	stream.linear.gather [hbm4b:s12+s4], $0x80, $0x38;
	[tilespmem:$0x1F900] =	vst v63  }
0x54: {  	p2 =	sne.s32 s3, $0x1;
	s3 =	sadd.s32 $0xFFFFFFFF, s3;
	_ =	swait.ge [sflag:s20], $0x2000  }
0x55: {  	s12 =	smov.u32 s6;
	[sflag:s20] =	ssyncset.done $0x0  }
0x56: {  	[sflag:s20] =	ssyncadd.s32 $0xFFFFE000  }
0x57: {  	_ =	swait.ge [sflag:s20], $0x2000  }
0x58: {  	[sflag:s20] =	ssyncset.done $0x0  }
0x59: {  	s9 =	sadd.s32 $0xFFFFFFC0, s31;
	[sflag:s20] =	ssyncadd.s32 $0xFFFFE000  }
0x5a: {  	[tilespmem:s21], [sflag:$0x2] =	stream.indirect.gather [hbm4b:s0+s17], $0x80, s9, s17, $0xb8;
	[tilespmem:$0x1F900] =	vst v63  }
0x5b: {  	_ = 	snop  }
0x5c: {  	[tilespmem:s22], [sflag:$0x2] =	stream.indirect.gather [hbm4b:s0+s17], $0x80, s31, s17, $0xb8;
	[tilespmem:$0x1F900] =	vst v63  }
0x5d: {  	_ =	swait.ge [sflag:s23], $0x80  }
0x5e: {  	[sflag:s23] =	ssyncset.done $0x0  }
0x5f: {  	[sflag:s23] =	ssyncadd.s32 $0xFFFFFF80  }
0x60: {  	[spmem:s2] =	stream.indirect.scatter.add.f32 [tilespmem:s18], [sflag:$0x5], $0x80, s15, s24, $0xb8;
	[tilespmem:$0x1F900] =	vst v63  }
0x61: {  	_ =	swait.ge [sflag:s26], $0x4000  }
0x62: {  	[sflag:s26] =	ssyncset.done $0x0  }
0x63: {  	[sflag:s26] =	ssyncadd.s32 $0xFFFFC000  }
0x64: {  	[tilespmem:s15], [sflag:$0x3] =	stream.linear.gather [hbm4b:s5+s4], $0x80, $0x38;
	[tilespmem:$0x1F900] =	vst v63  }
0x65: {  	_ =	swait.ge [sflag:s28], $0x2000  }
0x66: {  	[sflag:s28] =	ssyncset.done $0x0  }
0x67: {  	[sflag:s28] =	ssyncadd.s32 $0xFFFFE000  }
0x68: {  	_ =	swait.ge [sflag:s28], $0x2000  }
0x69: {  	[sflag:s28] =	ssyncset.done $0x0  }
0x6a: {  	s9 =	sadd.s32 $0x40, s31;
	[sflag:s28] =	ssyncadd.s32 $0xFFFFE000  }
0x6b: {  	[tilespmem:s18], [sflag:$0x1] =	stream.indirect.gather [hbm4b:s0+s17], $0x80, s9, s17, $0xb8;
	[tilespmem:$0x1F900] =	vst v63  }
0x6c: {  	s9 =	sadd.s32 $0x80, s31  }
0x6d: {  	[tilespmem:s19], [sflag:$0x1] =	stream.indirect.gather [hbm4b:s0+s17], $0x80, s9, s17, $0xb8;
	[tilespmem:$0x1F900] =	vst v63  }
0x6e: {  	_ =	swait.ge [sflag:s29], $0x80  }
0x6f: {  	[sflag:s29] =	ssyncset.done $0x0  }
.Ltmp1:
0x70: {  	[sflag:s29] =	ssyncadd.s32 $0xFFFFFF80;
	(pc) =	sbr.rel @p2 .LBB2_2-.Ltmp1, $4  }
0x71: {  	[spmem:s2] =	stream.indirect.scatter.add.f32 [tilespmem:s21], [sflag:$0x5], $0x80, s16, s24, $0xb8;
	[tilespmem:$0x1F900] =	vst v63  }
0x72: {  	_ =	swait.ge [sflag:s26], $0x4000  }
0x73: {  	s5 =	sadd.s32 $0x20, s5;
	[sflag:s26] =	ssyncset.done $0x0  }
0x74: {  	s6 =	sadd.s32 $0x20, s6;
	s31 =	sadd.s32 $0x100, s31;
	[sflag:s26] =	ssyncadd.s32 $0xFFFFC000  }
.LBB2_3:
0x75: {  	[tilespmem:s16], [sflag:$0x4] =	stream.linear.gather [hbm4b:s12+s4], $0x80, $0x38;
	[tilespmem:$0x1F900] =	vst v63  }
0x76: {  	_ =	swait.ge [sflag:s20], $0x2000  }
0x77: {  	[sflag:s20] =	ssyncset.done $0x0  }
0x78: {  	[sflag:s20] =	ssyncadd.s32 $0xFFFFE000  }
0x79: {  	_ =	swait.ge [sflag:s20], $0x2000  }
0x7a: {  	[sflag:s20] =	ssyncset.done $0x0  }
0x7b: {  	s1 =	sadd.s32 $0xC0, s1;
	[sflag:s20] =	ssyncadd.s32 $0xFFFFE000  }
0x7c: {  	[tilespmem:s21], [sflag:$0x2] =	stream.indirect.gather [hbm4b:s0+s17], $0x80, s1, s17, $0xb8;
	[tilespmem:$0x1F900] =	vst v63  }
0x7d: {  	_ = 	snop  }
0x7e: {  	[tilespmem:s22], [sflag:$0x2] =	stream.indirect.gather [hbm4b:s0+s17], $0x80, s31, s17, $0xb8;
	[tilespmem:$0x1F900] =	vst v63  }
0x7f: {  	_ =	swait.ge [sflag:s23], $0x80  }
0x80: {  	[sflag:s23] =	ssyncset.done $0x0  }
0x81: {  	[sflag:s23] =	ssyncadd.s32 $0xFFFFFF80  }
0x82: {  	[spmem:s2] =	stream.indirect.scatter.add.f32 [tilespmem:s18], [sflag:$0x5], $0x80, s15, s24, $0xb8;
	[tilespmem:$0x1F900] =	vst v63  }
0x83: {  	_ =	swait.ge [sflag:s26], $0x4000  }
0x84: {  	[sflag:s26] =	ssyncset.done $0x0  }
0x85: {  	[sflag:s26] =	ssyncadd.s32 $0xFFFFC000  }
0x86: {  	_ =	swait.ge [sflag:s28], $0x2000  }
0x87: {  	[sflag:s28] =	ssyncset.done $0x0  }
0x88: {  	[sflag:s28] =	ssyncadd.s32 $0xFFFFE000  }
0x89: {  	_ =	swait.ge [sflag:s28], $0x2000  }
0x8a: {  	[sflag:s28] =	ssyncset.done $0x0  }
0x8b: {  	[sflag:s28] =	ssyncadd.s32 $0xFFFFE000  }
0x8c: {  	_ =	swait.ge [sflag:s29], $0x80  }
0x8d: {  	[sflag:s29] =	ssyncset.done $0x0  }
0x8e: {  	[sflag:s29] =	ssyncadd.s32 $0xFFFFFF80  }
0x8f: {  	[spmem:s2] =	stream.indirect.scatter.add.f32 [tilespmem:s21], [sflag:$0x5], $0x80, s16, s24, $0xb8;
	[tilespmem:$0x1F900] =	vst v63  }
0x90: {  	_ =	swait.ge [sflag:s26], $0x4000  }
0x91: {  	s30 =	sadd.s32 $0x1, s30;
	s31 =	stileid.u32;
	[sflag:s26] =	ssyncset.done $0x0  }
0x92: {  	p2 =	sne.s32 s30, s11;
	s1 =	sshll.u32 s31, $0x6;
	[sflag:s26] =	ssyncadd.s32 $0xFFFFC000  }
.Ltmp2:
0x93: {  	s1 =	sor.u32 $0x1C05, s1;
	[bflag:$0x0] =	sbarrier.arrive $0xFFFF;
	(pc) =	sbr.rel @p2 .LBB2_1-.Ltmp2, $4  }
0x94: {  	[hbm:s10], [sflag:s1] =	dma.local [spmem:s25], $0x2780  }
0x95: {  	_ =	swait.ge [sflag:s26], $0x2780  }
0x96: {  	[sflag:s26] =	ssyncset.done $0x0  }
0x97: {  	[sflag:s26] =	ssyncadd.s32 $0xFFFFD880  }
0x98: {  	_ =	sfence.sel $0x180000  }
0x99: {  	[bflag:$0x0] =	sbarrier.arrive $0xFFFF  }
0x9a: {  	_ =	strace $0x9000004D  }
0x9b: {  	[bflag:$0x2] =	sbarrier.arrive $0xFFFF  }
0x9c: {  	s0 =	rddreg [dreg:$0x3]  }
0x9d: {  	s0 =	sadd.s32 @!p0 $0x100000, s0  }
0x9e: {  	[sflag:s0] =	ssyncadd.tile.s32 @!p0 $0x1;
	_ =	shalt  }
.Lfunc_end2:
_tile_overlayer_lowered:
.L_overlay_start_2:
0x9f: {  	(tag) =	ssettag $0x2  }
0xa0: {  	s0 =	rddreg [dreg:$0x0];
	s2 =	stileid.u32  }
0xa1: {  	s1 =	rddreg [dreg:$0x1];
	p0 =	sne.s32 s2, $0x0  }
0xa2: {  	s3 =	rddreg [dreg:$0x2];
	[bflag:$0x3] =	sbarrier.arrive $0xFFFF;
	s2 =	simm.s32 @!p0 $0x1C05  }
0xa3: {  	[timem:s3], [sflag:s2] =	dma.local @!p0 [hbm:s0], s1  }
0xa4: {  	s0 =	simm.s32 @!p0 $0x5  }
0xa5: {  	_ =	swait.ge @!p0 [sflag:s0], s1  }
0xa6: {  	s1 =	ssub.s32 @!p0 $0x0, s1;
	[sflag:s0] =	ssyncset.done @!p0 $0x0  }
0xa7: {  	[sflag:s0] =	ssyncadd.s32 @!p0 s1  }
0xa8: {  	[bflag:$0x3] =	sbarrier.arrive $0xFFFF  }
0xa9: {  	_ =	shalt  }

</sc_bundles>
